<compile_context>
chip_gen: v7x
topology: tpu7x:2x2x1
jax: 0.10.2.dev20260603
libtpu: 0.0.44.dev20260713+nightly
codegen_flags: <defaults>
</compile_context>

<pallas_src>
import functools

import jax
import jax.numpy as jnp
from jax import lax
from jax.experimental import pallas as pl
from jax.experimental.pallas import tpu as pltpu
from jax.experimental.pallas import tpu_sc as plsc

N = 10000
E = 320000
D = 128
O = 128

NC = 2
NS = 16
NW = NC * NS
B = 96
CPT = 108
EPT = B * CPT
EPAD = NW * EPT
ACC_ROWS = 10240
RPT = ACC_ROWS // NS

BLK = 512
GRID = ACC_ROWS // BLK


def _tc1_body(xl_ref, xc_ref, wg1_ref, wg2_ref, asv_ref, adv_ref,
              h_ref, aa_ref):
    h = jnp.dot(xl_ref[...], wg1_ref[...], preferred_element_type=jnp.float32)
    h += jnp.dot(xc_ref[...], wg2_ref[...], preferred_element_type=jnp.float32)
    h_ref[...] = h
    aa_ref[0, :] = jnp.dot(h, asv_ref[0, :], preferred_element_type=jnp.float32)
    aa_ref[1, :] = jnp.dot(h, adv_ref[0, :], preferred_element_type=jnp.float32)


def _tc1(x_lin, x_conv, wg1, wg2, att_src2, att_dst2):
    return pl.pallas_call(
        _tc1_body,
        grid=(GRID,),
        in_specs=[
            pl.BlockSpec((BLK, D), lambda i: (i, 0)),
            pl.BlockSpec((BLK, D), lambda i: (i, 0)),
            pl.BlockSpec((D, O), lambda i: (0, 0)),
            pl.BlockSpec((D, O), lambda i: (0, 0)),
            pl.BlockSpec((1, O), lambda i: (0, 0)),
            pl.BlockSpec((1, O), lambda i: (0, 0)),
        ],
        out_specs=[
            pl.BlockSpec((BLK, O), lambda i: (i, 0)),
            pl.BlockSpec((2, BLK), lambda i: (0, i)),
        ],
        out_shape=[
            jax.ShapeDtypeStruct((N, O), jnp.float32),
            jax.ShapeDtypeStruct((2, ACC_ROWS), jnp.float32),
        ],
    )(x_lin, x_conv, wg1, wg2, att_src2, att_dst2)


def _sc_body(h_hbm, aa_hbm, src_hbm, dst_hbm,
             acc_out, den_out,
             sidx0, sidx1, didx0, didx1, cidx0, cidx1, rows0, rows1,
             evals0, evals1, asrc_v, adst_v, zbuf, acc_sh, den_sh,
             sem_r0, sem_r1, sem_i0, sem_i1, sem_s0, sem_s1):
    c = lax.axis_index("c")
    s = lax.axis_index("s")
    wid = s * NC + c
    sidx = (sidx0, sidx1)
    didx = (didx0, didx1)
    cidx = (cidx0, cidx1)
    rows = (rows0, rows1)
    evals = (evals0, evals1)
    sem_r = (sem_r0, sem_r1)
    sem_i = (sem_i0, sem_i1)
    sem_s = (sem_s0, sem_s1)

    pltpu.sync_copy(aa_hbm.at[0], asrc_v)
    pltpu.sync_copy(aa_hbm.at[1], adst_v)

    zer = jnp.zeros((16,), jnp.float32)

    def zero_zb(i, _):
        zbuf[pl.ds(i * 16, 16)] = zer
        return 0
    lax.fori_loop(0, RPT // 16, zero_zb, 0, unroll=8)

    def zero_rows(i, _):
        for k in range(8):
            rows0[i, pl.ds(k * 16, 16)] = zer
        return 0
    lax.fori_loop(0, B, zero_rows, 0, unroll=4)

    nfull = RPT // B
    for k in range(nfull):
        pltpu.sync_copy(rows0, acc_sh.at[pl.ds(s * RPT + k * B, B)])
    if RPT % B:
        pltpu.sync_copy(rows0.at[pl.ds(0, RPT % B)],
                        acc_sh.at[pl.ds(s * RPT + nfull * B, RPT % B)])
    pltpu.sync_copy(zbuf, den_sh.at[pl.ds(s * RPT, RPT)])

    plsc.subcore_barrier()

    pltpu.sync_copy(src_hbm.at[wid, 0], sidx0)
    pltpu.sync_copy(dst_hbm.at[wid, 0], didx0)
    pltpu.async_copy(h_hbm.at[sidx0], rows0, sem_r0)
    pltpu.async_copy(src_hbm.at[wid, 1], sidx1, sem_i1)
    pltpu.async_copy(dst_hbm.at[wid, 1], didx1, sem_i1)

    def outer(i, _):
        for b in range(2):
            g = i * 2 + b
            nb = 1 - b

            @pl.when(jnp.logical_and(g + 1 < CPT, g >= 1))
            def _():
                pltpu.make_async_copy(rows[nb], acc_sh.at[cidx[nb]],
                                      sem_s[nb]).wait()
                pltpu.make_async_copy(evals[nb], den_sh.at[cidx[nb]],
                                      sem_s[nb]).wait()

            @pl.when(g + 1 < CPT)
            def _():
                pltpu.make_async_copy(src_hbm.at[wid, 0], sidx[nb],
                                      sem_i[nb]).wait()
                pltpu.make_async_copy(dst_hbm.at[wid, 0], didx[nb],
                                      sem_i[nb]).wait()
                pltpu.async_copy(h_hbm.at[sidx[nb]], rows[nb], sem_r[nb])

            pltpu.make_async_copy(h_hbm.at[sidx[b]], rows[b], sem_r[b]).wait()

            for j in range(B // 16):
                s16 = sidx[b][pl.ds(j * 16, 16)]
                d16 = didx[b][pl.ds(j * 16, 16)]
                a_s = plsc.load_gather(asrc_v, [s16])
                a_d = plsc.load_gather(adst_v, [d16])
                al = a_s + a_d
                al = jnp.where(al >= 0.0, al, al * 0.2)
                e = jnp.exp(al)
                evals[b][pl.ds(j * 16, 16)] = e

            def scale(k, _):
                eb = plsc.load_gather(evals[b], [jnp.full((16,), 0, jnp.int32) + k])
                for q in range(8):
                    rows[b][k, pl.ds(q * 16, 16)] = (
                        rows[b][k, pl.ds(q * 16, 16)] * eb)
                return 0
            lax.fori_loop(0, B, scale, 0, unroll=4)

            for q in range(B // 16):
                cidx[b][pl.ds(q * 16, 16)] = didx[b][pl.ds(q * 16, 16)]
            pltpu.async_copy(rows[b], acc_sh.at[cidx[b]], sem_s[b], add=True)
            pltpu.async_copy(evals[b], den_sh.at[cidx[b]], sem_s[b], add=True)

            @pl.when(g + 2 < CPT)
            def _():
                pltpu.async_copy(src_hbm.at[wid, g + 2], sidx[b], sem_i[b])
                pltpu.async_copy(dst_hbm.at[wid, g + 2], didx[b], sem_i[b])
        return 0

    lax.fori_loop(0, CPT // 2, outer, 0)

    for b in range(2):
        pltpu.make_async_copy(rows[b], acc_sh.at[cidx[b]], sem_s[b]).wait()
        pltpu.make_async_copy(evals[b], den_sh.at[cidx[b]], sem_s[b]).wait()

    plsc.subcore_barrier()
    pltpu.sync_copy(acc_sh.at[pl.ds(s * RPT, RPT)],
                    acc_out.at[c, pl.ds(s * RPT, RPT)])
    pltpu.sync_copy(den_sh.at[pl.ds(s * RPT, RPT)],
                    den_out.at[c, pl.ds(s * RPT, RPT)])


def _sc_call(h, aa, src_t, dst_t):
    mesh = plsc.VectorSubcoreMesh(core_axis_name="c", subcore_axis_name="s",
                                  num_cores=NC, num_subcores=NS)
    f = pl.kernel(
        _sc_body,
        out_type=[
            jax.ShapeDtypeStruct((NC, ACC_ROWS, O), jnp.float32),
            jax.ShapeDtypeStruct((NC, ACC_ROWS), jnp.float32),
        ],
        mesh=mesh,
        compiler_params=pltpu.CompilerParams(needs_layout_passes=False),
        scratch_types=[
            pltpu.VMEM((B,), jnp.int32),
            pltpu.VMEM((B,), jnp.int32),
            pltpu.VMEM((B,), jnp.int32),
            pltpu.VMEM((B,), jnp.int32),
            pltpu.VMEM((B,), jnp.int32),
            pltpu.VMEM((B,), jnp.int32),
            pltpu.VMEM((B, O), jnp.float32),
            pltpu.VMEM((B, O), jnp.float32),
            pltpu.VMEM((B,), jnp.float32),
            pltpu.VMEM((B,), jnp.float32),
            pltpu.VMEM((ACC_ROWS,), jnp.float32),
            pltpu.VMEM((ACC_ROWS,), jnp.float32),
            pltpu.VMEM((RPT,), jnp.float32),
            pltpu.VMEM_SHARED((ACC_ROWS, O), jnp.float32),
            pltpu.VMEM_SHARED((ACC_ROWS,), jnp.float32),
            pltpu.SemaphoreType.DMA,
            pltpu.SemaphoreType.DMA,
            pltpu.SemaphoreType.DMA,
            pltpu.SemaphoreType.DMA,
            pltpu.SemaphoreType.DMA,
            pltpu.SemaphoreType.DMA,
        ],
    )
    return f(h, aa, src_t, dst_t)


def _tc_lin_body(xl_ref, wlt_ref, bl_ref, ol_ref):
    ol_ref[...] = jnp.dot(xl_ref[...], wlt_ref[...],
                          preferred_element_type=jnp.float32) + bl_ref[0, :]


def _tc_lin(x_lin, wlt, b_lin2):
    return pl.pallas_call(
        _tc_lin_body,
        grid=(GRID,),
        in_specs=[
            pl.BlockSpec((BLK, D), lambda i: (i, 0)),
            pl.BlockSpec((D, O), lambda i: (0, 0)),
            pl.BlockSpec((1, O), lambda i: (0, 0)),
        ],
        out_specs=[pl.BlockSpec((BLK, O), lambda i: (i, 0))],
        out_shape=[jax.ShapeDtypeStruct((N, O), jnp.float32)],
    )(x_lin, wlt, b_lin2)


def _tc2_body(acc_ref, den_ref, bg_ref, oc_ref):
    ssum = acc_ref[0] + acc_ref[1]
    d = jnp.sum(den_ref[...], axis=0)
    coef = 1.0 / (d + 1e-16)
    oc_ref[...] = ssum * coef[:, None] + bg_ref[0, :]


def _tc2(acc, den, b_gat2):
    return pl.pallas_call(
        _tc2_body,
        grid=(GRID,),
        in_specs=[
            pl.BlockSpec((2, BLK, O), lambda i: (0, i, 0)),
            pl.BlockSpec((2, BLK), lambda i: (0, i)),
            pl.BlockSpec((1, O), lambda i: (0, 0)),
        ],
        out_specs=[pl.BlockSpec((BLK, O), lambda i: (i, 0))],
        out_shape=[jax.ShapeDtypeStruct((N, O), jnp.float32)],
    )(acc, den, b_gat2)


def kernel(x_lin, x_conv, edge_index, W_lin, b_lin, W_gat, att_src, att_dst,
           b_gat):
    ei = edge_index.astype(jnp.int32)
    loop = jnp.arange(N, dtype=jnp.int32)
    src = jnp.concatenate([ei[0], loop,
                           jnp.zeros((EPAD - E - N,), jnp.int32)])
    dst = jnp.concatenate([ei[1], loop,
                           jnp.full((EPAD - E - N,), N, jnp.int32)])
    src_t = src.reshape(NW, CPT, B)
    dst_t = dst.reshape(NW, CPT, B)

    wg1 = W_gat[:, :D].T
    wg2 = W_gat[:, D:].T
    att_src2 = att_src.reshape(1, O)
    att_dst2 = att_dst.reshape(1, O)

    h, aa = _tc1(x_lin, x_conv, wg1, wg2, att_src2, att_dst2)

    [out_lin] = _tc_lin(x_lin, W_lin.T, b_lin.reshape(1, O))

    acc, den = _sc_call(h, aa, src_t, dst_t)

    [out_conv] = _tc2(acc, den, b_gat.reshape(1, O))
    return (out_lin, out_conv)

# --- scband reference (transcript-rebuilt; emitter-appended) ---
"""Pipeline reference for scband-hybrid-conv-12292196401953 (READ-ONLY COPY).

The authoritative reference and input builder live on the scoring server;
editing this copy changes nothing except your own understanding.
"""

import jax, jax.numpy as jnp
import numpy as np

N = 10000
E = 320000
D = 128
O = 128

def setup_inputs(seed: int = 0) -> dict:
    key = jax.random.key(seed)
    ks = jax.random.split(key, 10)
    x_lin = jax.random.normal(ks[0], (N, D), dtype=jnp.float32)
    x_conv = jax.random.normal(ks[1], (N, D), dtype=jnp.float32)
    edge_index = jax.random.randint(ks[2], (2, E), 0, N, dtype=jnp.int64)
    W_lin = jax.random.normal(ks[3], (O, D), dtype=jnp.float32) * (1.0 / np.sqrt(D))
    b_lin = jnp.zeros((O,), dtype=jnp.float32)
    W_gat = jax.random.normal(ks[4], (O, 2 * D), dtype=jnp.float32) * (1.0 / np.sqrt(2 * D))
    att_src = jax.random.normal(ks[5], (O,), dtype=jnp.float32) * 0.1
    att_dst = jax.random.normal(ks[6], (O,), dtype=jnp.float32) * 0.1
    b_gat = jnp.zeros((O,), dtype=jnp.float32)
    return {"x_lin": x_lin, "x_conv": x_conv, "edge_index": edge_index,
            "W_lin": W_lin, "b_lin": b_lin, "W_gat": W_gat,
            "att_src": att_src, "att_dst": att_dst, "b_gat": b_gat}

def reference(x_lin, x_conv, edge_index, W_lin, b_lin, W_gat, att_src, att_dst, b_gat):
    # HybridConv.forward
    x_combined = jnp.concatenate([x_lin, x_conv], axis=-1)  # [N, 2D]
    # GATConv (heads=1, add_self_loops=True, negative_slope=0.2)
    h = x_combined @ W_gat.T  # [N, O]
    a_src = jnp.sum(h * att_src, axis=-1)  # [N]
    a_dst = jnp.sum(h * att_dst, axis=-1)  # [N]
    loop = jnp.arange(N, dtype=edge_index.dtype)
    src = jnp.concatenate([edge_index[0], loop])
    dst = jnp.concatenate([edge_index[1], loop])
    alpha = a_src[src] + a_dst[dst]
    alpha = jax.nn.leaky_relu(alpha, negative_slope=0.2)
    amax = jax.ops.segment_max(alpha, dst, num_segments=N)
    amax = jnp.where(jnp.isfinite(amax), amax, 0.0)
    amax = jax.lax.stop_gradient(amax)
    expa = jnp.exp(alpha - amax[dst])
    denom = jax.ops.segment_sum(expa, dst, num_segments=N)
    coef = expa / (denom[dst] + 1e-16)
    out_conv = jax.ops.segment_sum(h[src] * coef[:, None], dst, num_segments=N) + b_gat
    out_lin = x_lin @ W_lin.T + b_lin
    return (out_lin, out_conv)

if __name__ == "__main__":
    import jax
    _d = setup_inputs()
    print(jax.jit(kernel)(*tuple(_d.values())))

</pallas_src>

<mosaic_0001>
#map = affine_map<(d0, d1) -> (0, 0)>
#map1 = affine_map<(d0, d1) -> (0, 0, 0)>
module attributes {stable_mosaic.version = 14 : i64} {
  func.func @_sc_body(%arg0: i32, %arg1: i32, %arg2: memref<10000x128xf32, #tpu.memory_space<hbm>>, %arg3: memref<2x10240xf32, #tpu.memory_space<hbm>>, %arg4: memref<32x108x96xi32, #tpu.memory_space<hbm>>, %arg5: memref<32x108x96xi32, #tpu.memory_space<hbm>>, %arg6: memref<2x10240x128xf32, #tpu.memory_space<hbm>>, %arg7: memref<2x10240xf32, #tpu.memory_space<hbm>>, %arg8: memref<96xi32, #tpu.memory_space<vmem>>, %arg9: memref<96xi32, #tpu.memory_space<vmem>>, %arg10: memref<96xi32, #tpu.memory_space<vmem>>, %arg11: memref<96xi32, #tpu.memory_space<vmem>>, %arg12: memref<96xi32, #tpu.memory_space<vmem>>, %arg13: memref<96xi32, #tpu.memory_space<vmem>>, %arg14: memref<96x128xf32, #tpu.memory_space<vmem>>, %arg15: memref<96x128xf32, #tpu.memory_space<vmem>>, %arg16: memref<96xf32, #tpu.memory_space<vmem>>, %arg17: memref<96xf32, #tpu.memory_space<vmem>>, %arg18: memref<10240xf32, #tpu.memory_space<vmem>>, %arg19: memref<10240xf32, #tpu.memory_space<vmem>>, %arg20: memref<640xf32, #tpu.memory_space<vmem>>, %arg21: memref<10240x128xf32, #tpu.memory_space<vmem_shared>>, %arg22: memref<10240xf32, #tpu.memory_space<vmem_shared>>, %arg23: memref<!tpu.dma_semaphore, #tpu.memory_space<semaphore_mem>>, %arg24: memref<!tpu.dma_semaphore, #tpu.memory_space<semaphore_mem>>, %arg25: memref<!tpu.dma_semaphore, #tpu.memory_space<semaphore_mem>>, %arg26: memref<!tpu.dma_semaphore, #tpu.memory_space<semaphore_mem>>, %arg27: memref<!tpu.dma_semaphore, #tpu.memory_space<semaphore_mem>>, %arg28: memref<!tpu.dma_semaphore, #tpu.memory_space<semaphore_mem>>) attributes {dimension_semantics = [#tpu.dimension_semantics<core_parallel>, #tpu.dimension_semantics<subcore_parallel>], iteration_bounds = array<i64: 2, 16>, scalar_prefetch = 0 : i64, scratch_operands = 21 : i64, tpu.core_type = #tpu.core_type<sc_vector_subcore>, window_params = [{transform_indices = #map}, {transform_indices = #map}, {transform_indices = #map1}, {transform_indices = #map1}, {transform_indices = #map1}, {transform_indices = #map}]} {
    %mul3A = arith.constant 2 : i32
    %mul3A_0 = arith.muli %arg1, %mul3A : i32
    %add3A = arith.addi %mul3A_0, %arg0 : i32
    %run_scoped3A = arith.constant 0 : i32
    "tpu.region"() ({
      %run_scoped3A_89 = tpu.sem_alloc : memref<!tpu.dma_semaphore, #tpu.memory_space<semaphore_mem>>
      %dma_start3A_90 = arith.constant 0 : i32
      %dma_start3A_91 = tpu.memref_slice %arg3[%run_scoped3A, %dma_start3A_90] : memref<2x10240xf32, #tpu.memory_space<hbm>> -> memref<1x10240xf32, #tpu.memory_space<hbm>>
      %dma_start3A_92 = tpu.memref_squeeze %dma_start3A_91 : memref<1x10240xf32, #tpu.memory_space<hbm>> -> memref<10240xf32, #tpu.memory_space<hbm>>
      %dma_start3A_93 = arith.constant 0 : i32
      %dma_start3A_94 = tpu.memref_slice %arg3[%run_scoped3A, %dma_start3A_93] : memref<2x10240xf32, #tpu.memory_space<hbm>> -> memref<1x10240xf32, #tpu.memory_space<hbm>>
      %dma_start3A_95 = tpu.memref_squeeze %dma_start3A_94 : memref<1x10240xf32, #tpu.memory_space<hbm>> -> memref<10240xf32, #tpu.memory_space<hbm>>
      tpu.enqueue_dma source(%dma_start3A_95 : memref<10240xf32, #tpu.memory_space<hbm>>) target(%arg18 : memref<10240xf32, #tpu.memory_space<vmem>>) target_semaphore(%run_scoped3A_89 : memref<!tpu.dma_semaphore, #tpu.memory_space<semaphore_mem>>)
      %dma_wait3A_96 = arith.constant 0 : i32
      %dma_wait3A_97 = tpu.memref_slice %arg3[%run_scoped3A, %dma_wait3A_96] : memref<2x10240xf32, #tpu.memory_space<hbm>> -> memref<1x10240xf32, #tpu.memory_space<hbm>>
      %dma_wait3A_98 = tpu.memref_squeeze %dma_wait3A_97 : memref<1x10240xf32, #tpu.memory_space<hbm>> -> memref<10240xf32, #tpu.memory_space<hbm>>
      %dma_wait3A_99 = arith.constant 0 : i32
      %dma_wait3A_100 = tpu.memref_slice %arg3[%run_scoped3A, %dma_wait3A_99] : memref<2x10240xf32, #tpu.memory_space<hbm>> -> memref<1x10240xf32, #tpu.memory_space<hbm>>
      %dma_wait3A_101 = tpu.memref_squeeze %dma_wait3A_100 : memref<1x10240xf32, #tpu.memory_space<hbm>> -> memref<10240xf32, #tpu.memory_space<hbm>>
      tpu.wait_dma2 semaphore(%run_scoped3A_89 : memref<!tpu.dma_semaphore, #tpu.memory_space<semaphore_mem>>) src(%dma_wait3A_101 : memref<10240xf32, #tpu.memory_space<hbm>>) dst(%arg18 : memref<10240xf32, #tpu.memory_space<vmem>>)
      tpu.yield
    }) : () -> ()
    %run_scoped3A_1 = arith.constant 1 : i32
    "tpu.region"() ({
      %run_scoped3A_89 = tpu.sem_alloc : memref<!tpu.dma_semaphore, #tpu.memory_space<semaphore_mem>>
      %dma_start3A_90 = arith.constant 0 : i32
      %dma_start3A_91 = tpu.memref_slice %arg3[%run_scoped3A_1, %dma_start3A_90] : memref<2x10240xf32, #tpu.memory_space<hbm>> -> memref<1x10240xf32, #tpu.memory_space<hbm>>
      %dma_start3A_92 = tpu.memref_squeeze %dma_start3A_91 : memref<1x10240xf32, #tpu.memory_space<hbm>> -> memref<10240xf32, #tpu.memory_space<hbm>>
      %dma_start3A_93 = arith.constant 0 : i32
      %dma_start3A_94 = tpu.memref_slice %arg3[%run_scoped3A_1, %dma_start3A_93] : memref<2x10240xf32, #tpu.memory_space<hbm>> -> memref<1x10240xf32, #tpu.memory_space<hbm>>
      %dma_start3A_95 = tpu.memref_squeeze %dma_start3A_94 : memref<1x10240xf32, #tpu.memory_space<hbm>> -> memref<10240xf32, #tpu.memory_space<hbm>>
      tpu.enqueue_dma source(%dma_start3A_95 : memref<10240xf32, #tpu.memory_space<hbm>>) target(%arg19 : memref<10240xf32, #tpu.memory_space<vmem>>) target_semaphore(%run_scoped3A_89 : memref<!tpu.dma_semaphore, #tpu.memory_space<semaphore_mem>>)
      %dma_wait3A_96 = arith.constant 0 : i32
      %dma_wait3A_97 = tpu.memref_slice %arg3[%run_scoped3A_1, %dma_wait3A_96] : memref<2x10240xf32, #tpu.memory_space<hbm>> -> memref<1x10240xf32, #tpu.memory_space<hbm>>
      %dma_wait3A_98 = tpu.memref_squeeze %dma_wait3A_97 : memref<1x10240xf32, #tpu.memory_space<hbm>> -> memref<10240xf32, #tpu.memory_space<hbm>>
      %dma_wait3A_99 = arith.constant 0 : i32
      %dma_wait3A_100 = tpu.memref_slice %arg3[%run_scoped3A_1, %dma_wait3A_99] : memref<2x10240xf32, #tpu.memory_space<hbm>> -> memref<1x10240xf32, #tpu.memory_space<hbm>>
      %dma_wait3A_101 = tpu.memref_squeeze %dma_wait3A_100 : memref<1x10240xf32, #tpu.memory_space<hbm>> -> memref<10240xf32, #tpu.memory_space<hbm>>
      tpu.wait_dma2 semaphore(%run_scoped3A_89 : memref<!tpu.dma_semaphore, #tpu.memory_space<semaphore_mem>>) src(%dma_wait3A_101 : memref<10240xf32, #tpu.memory_space<hbm>>) dst(%arg19 : memref<10240xf32, #tpu.memory_space<vmem>>)
      tpu.yield
    }) : () -> ()
    %broadcast_in_dim3A = arith.constant 0.000000e+00 : f32
    %broadcast_in_dim3A_2 = vector.broadcast %broadcast_in_dim3A : f32 to vector<16xf32>
    %scan3A = arith.constant 0 : i32
    %scan3A_3 = arith.constant 0 : i32
    %scan3A_4 = arith.constant 40 : i32
    %scan3A_5 = arith.addi %scan3A_3, %scan3A_4 : i32
    %scan3A_6 = arith.constant 8 : i32
    %scan3A_7 = scf.for %scan3A_89 = %scan3A_3 to %scan3A_5 step %scan3A_6 iter_args(%scan3A_90 = %scan3A) -> (i32)  : i32 {
      %mul3A_91 = arith.constant 16 : i32
      %mul3A_92 = arith.muli %scan3A_89, %mul3A_91 : i32
      %swap3A = arith.index_cast %mul3A_92 : i32 to index
      %swap3A_93 = tpu.vector_load %arg20[%swap3A] {strides = array<i32>} : memref<640xf32, #tpu.memory_space<vmem>>, vector<16xf32>,
      tpu.vector_store %arg20[%swap3A], %broadcast_in_dim3A_2 {strides = array<i32>} : memref<640xf32, #tpu.memory_space<vmem>>, vector<16xf32>,
      %scan3A_94 = arith.constant 0 : i32
      %scan3A_95 = arith.constant 1 : i32
      %scan3A_96 = arith.addi %scan3A_89, %scan3A_95 : i32
      %mul3A_97 = arith.constant 16 : i32
      %mul3A_98 = arith.muli %scan3A_96, %mul3A_97 : i32
      %swap3A_99 = arith.index_cast %mul3A_98 : i32 to index
      %swap3A_100 = tpu.vector_load %arg20[%swap3A_99] {strides = array<i32>} : memref<640xf32, #tpu.memory_space<vmem>>, vector<16xf32>,
      tpu.vector_store %arg20[%swap3A_99], %broadcast_in_dim3A_2 {strides = array<i32>} : memref<640xf32, #tpu.memory_space<vmem>>, vector<16xf32>,
      %scan3A_101 = arith.constant 0 : i32
      %scan3A_102 = arith.constant 2 : i32
      %scan3A_103 = arith.addi %scan3A_89, %scan3A_102 : i32
      %mul3A_104 = arith.constant 16 : i32
      %mul3A_105 = arith.muli %scan3A_103, %mul3A_104 : i32
      %swap3A_106 = arith.index_cast %mul3A_105 : i32 to index
      %swap3A_107 = tpu.vector_load %arg20[%swap3A_106] {strides = array<i32>} : memref<640xf32, #tpu.memory_space<vmem>>, vector<16xf32>,
      tpu.vector_store %arg20[%swap3A_106], %broadcast_in_dim3A_2 {strides = array<i32>} : memref<640xf32, #tpu.memory_space<vmem>>, vector<16xf32>,
      %scan3A_108 = arith.constant 0 : i32
      %scan3A_109 = arith.constant 3 : i32
      %scan3A_110 = arith.addi %scan3A_89, %scan3A_109 : i32
      %mul3A_111 = arith.constant 16 : i32
      %mul3A_112 = arith.muli %scan3A_110, %mul3A_111 : i32
      %swap3A_113 = arith.index_cast %mul3A_112 : i32 to index
      %swap3A_114 = tpu.vector_load %arg20[%swap3A_113] {strides = array<i32>} : memref<640xf32, #tpu.memory_space<vmem>>, vector<16xf32>,
      tpu.vector_store %arg20[%swap3A_113], %broadcast_in_dim3A_2 {strides = array<i32>} : memref<640xf32, #tpu.memory_space<vmem>>, vector<16xf32>,
      %scan3A_115 = arith.constant 0 : i32
      %scan3A_116 = arith.constant 4 : i32
      %scan3A_117 = arith.addi %scan3A_89, %scan3A_116 : i32
      %mul3A_118 = arith.constant 16 : i32
      %mul3A_119 = arith.muli %scan3A_117, %mul3A_118 : i32
      %swap3A_120 = arith.index_cast %mul3A_119 : i32 to index
      %swap3A_121 = tpu.vector_load %arg20[%swap3A_120] {strides = array<i32>} : memref<640xf32, #tpu.memory_space<vmem>>, vector<16xf32>,
      tpu.vector_store %arg20[%swap3A_120], %broadcast_in_dim3A_2 {strides = array<i32>} : memref<640xf32, #tpu.memory_space<vmem>>, vector<16xf32>,
      %scan3A_122 = arith.constant 0 : i32
      %scan3A_123 = arith.constant 5 : i32
      %scan3A_124 = arith.addi %scan3A_89, %scan3A_123 : i32
      %mul3A_125 = arith.constant 16 : i32
      %mul3A_126 = arith.muli %scan3A_124, %mul3A_125 : i32
      %swap3A_127 = arith.index_cast %mul3A_126 : i32 to index
      %swap3A_128 = tpu.vector_load %arg20[%swap3A_127] {strides = array<i32>} : memref<640xf32, #tpu.memory_space<vmem>>, vector<16xf32>,
      tpu.vector_store %arg20[%swap3A_127], %broadcast_in_dim3A_2 {strides = array<i32>} : memref<640xf32, #tpu.memory_space<vmem>>, vector<16xf32>,
      %scan3A_129 = arith.constant 0 : i32
      %scan3A_130 = arith.constant 6 : i32
      %scan3A_131 = arith.addi %scan3A_89, %scan3A_130 : i32
      %mul3A_132 = arith.constant 16 : i32
      %mul3A_133 = arith.muli %scan3A_131, %mul3A_132 : i32
      %swap3A_134 = arith.index_cast %mul3A_133 : i32 to index
      %swap3A_135 = tpu.vector_load %arg20[%swap3A_134] {strides = array<i32>} : memref<640xf32, #tpu.memory_space<vmem>>, vector<16xf32>,
      tpu.vector_store %arg20[%swap3A_134], %broadcast_in_dim3A_2 {strides = array<i32>} : memref<640xf32, #tpu.memory_space<vmem>>, vector<16xf32>,
      %scan3A_136 = arith.constant 0 : i32
      %scan3A_137 = arith.constant 7 : i32
      %scan3A_138 = arith.addi %scan3A_89, %scan3A_137 : i32
      %mul3A_139 = arith.constant 16 : i32
      %mul3A_140 = arith.muli %scan3A_138, %mul3A_139 : i32
      %swap3A_141 = arith.index_cast %mul3A_140 : i32 to index
      %swap3A_142 = tpu.vector_load %arg20[%swap3A_141] {strides = array<i32>} : memref<640xf32, #tpu.memory_space<vmem>>, vector<16xf32>,
      tpu.vector_store %arg20[%swap3A_141], %broadcast_in_dim3A_2 {strides = array<i32>} : memref<640xf32, #tpu.memory_space<vmem>>, vector<16xf32>,
      %scan3A_143 = arith.constant 0 : i32
      scf.yield %scan3A_143 : i32
    }
    %scan3A_8 = arith.constant 40 : i32
    %scan3A_9 = arith.constant 0 : i32
    %scan3A_10 = arith.constant 0 : i32
    %scan3A_11 = arith.constant 96 : i32
    %scan3A_12 = arith.addi %scan3A_10, %scan3A_11 : i32
    %scan3A_13 = arith.constant 4 : i32
    %scan3A_14 = scf.for %scan3A_89 = %scan3A_10 to %scan3A_12 step %scan3A_13 iter_args(%scan3A_90 = %scan3A_9) -> (i32)  : i32 {
      %swap3A = arith.index_cast %scan3A_89 : i32 to index
      %swap3A_91 = arith.constant 0 : index
      %swap3A_92 = tpu.vector_load %arg14[%swap3A, %swap3A_91] {strides = array<i32>} : memref<96x128xf32, #tpu.memory_space<vmem>>, vector<16xf32>,
      tpu.vector_store %arg14[%swap3A, %swap3A_91], %broadcast_in_dim3A_2 {strides = array<i32>} : memref<96x128xf32, #tpu.memory_space<vmem>>, vector<16xf32>,
      %swap3A_93 = arith.index_cast %scan3A_89 : i32 to index
      %swap3A_94 = arith.constant 16 : index
      %swap3A_95 = tpu.vector_load %arg14[%swap3A_93, %swap3A_94] {strides = array<i32>} : memref<96x128xf32, #tpu.memory_space<vmem>>, vector<16xf32>,
      tpu.vector_store %arg14[%swap3A_93, %swap3A_94], %broadcast_in_dim3A_2 {strides = array<i32>} : memref<96x128xf32, #tpu.memory_space<vmem>>, vector<16xf32>,
      %swap3A_96 = arith.index_cast %scan3A_89 : i32 to index
      %swap3A_97 = arith.constant 32 : index
      %swap3A_98 = tpu.vector_load %arg14[%swap3A_96, %swap3A_97] {strides = array<i32>} : memref<96x128xf32, #tpu.memory_space<vmem>>, vector<16xf32>,
      tpu.vector_store %arg14[%swap3A_96, %swap3A_97], %broadcast_in_dim3A_2 {strides = array<i32>} : memref<96x128xf32, #tpu.memory_space<vmem>>, vector<16xf32>,
      %swap3A_99 = arith.index_cast %scan3A_89 : i32 to index
      %swap3A_100 = arith.constant 48 : index
      %swap3A_101 = tpu.vector_load %arg14[%swap3A_99, %swap3A_100] {strides = array<i32>} : memref<96x128xf32, #tpu.memory_space<vmem>>, vector<16xf32>,
      tpu.vector_store %arg14[%swap3A_99, %swap3A_100], %broadcast_in_dim3A_2 {strides = array<i32>} : memref<96x128xf32, #tpu.memory_space<vmem>>, vector<16xf32>,
      %swap3A_102 = arith.index_cast %scan3A_89 : i32 to index
      %swap3A_103 = arith.constant 64 : index
      %swap3A_104 = tpu.vector_load %arg14[%swap3A_102, %swap3A_103] {strides = array<i32>} : memref<96x128xf32, #tpu.memory_space<vmem>>, vector<16xf32>,
      tpu.vector_store %arg14[%swap3A_102, %swap3A_103], %broadcast_in_dim3A_2 {strides = array<i32>} : memref<96x128xf32, #tpu.memory_space<vmem>>, vector<16xf32>,
      %swap3A_105 = arith.index_cast %scan3A_89 : i32 to index
      %swap3A_106 = arith.constant 80 : index
      %swap3A_107 = tpu.vector_load %arg14[%swap3A_105, %swap3A_106] {strides = array<i32>} : memref<96x128xf32, #tpu.memory_space<vmem>>, vector<16xf32>,
      tpu.vector_store %arg14[%swap3A_105, %swap3A_106], %broadcast_in_dim3A_2 {strides = array<i32>} : memref<96x128xf32, #tpu.memory_space<vmem>>, vector<16xf32>,
      %swap3A_108 = arith.index_cast %scan3A_89 : i32 to index
      %swap3A_109 = arith.constant 96 : index
      %swap3A_110 = tpu.vector_load %arg14[%swap3A_108, %swap3A_109] {strides = array<i32>} : memref<96x128xf32, #tpu.memory_space<vmem>>, vector<16xf32>,
      tpu.vector_store %arg14[%swap3A_108, %swap3A_109], %broadcast_in_dim3A_2 {strides = array<i32>} : memref<96x128xf32, #tpu.memory_space<vmem>>, vector<16xf32>,
      %swap3A_111 = arith.index_cast %scan3A_89 : i32 to index
      %swap3A_112 = arith.constant 112 : index
      %swap3A_113 = tpu.vector_load %arg14[%swap3A_111, %swap3A_112] {strides = array<i32>} : memref<96x128xf32, #tpu.memory_space<vmem>>, vector<16xf32>,
      tpu.vector_store %arg14[%swap3A_111, %swap3A_112], %broadcast_in_dim3A_2 {strides = array<i32>} : memref<96x128xf32, #tpu.memory_space<vmem>>, vector<16xf32>,
      %scan3A_114 = arith.constant 0 : i32
      %scan3A_115 = arith.constant 1 : i32
      %scan3A_116 = arith.addi %scan3A_89, %scan3A_115 : i32
      %swap3A_117 = arith.index_cast %scan3A_116 : i32 to index
      %swap3A_118 = arith.constant 0 : index
      %swap3A_119 = tpu.vector_load %arg14[%swap3A_117, %swap3A_118] {strides = array<i32>} : memref<96x128xf32, #tpu.memory_space<vmem>>, vector<16xf32>,
      tpu.vector_store %arg14[%swap3A_117, %swap3A_118], %broadcast_in_dim3A_2 {strides = array<i32>} : memref<96x128xf32, #tpu.memory_space<vmem>>, vector<16xf32>,
      %swap3A_120 = arith.index_cast %scan3A_116 : i32 to index
      %swap3A_121 = arith.constant 16 : index
      %swap3A_122 = tpu.vector_load %arg14[%swap3A_120, %swap3A_121] {strides = array<i32>} : memref<96x128xf32, #tpu.memory_space<vmem>>, vector<16xf32>,
      tpu.vector_store %arg14[%swap3A_120, %swap3A_121], %broadcast_in_dim3A_2 {strides = array<i32>} : memref<96x128xf32, #tpu.memory_space<vmem>>, vector<16xf32>,
      %swap3A_123 = arith.index_cast %scan3A_116 : i32 to index
      %swap3A_124 = arith.constant 32 : index
      %swap3A_125 = tpu.vector_load %arg14[%swap3A_123, %swap3A_124] {strides = array<i32>} : memref<96x128xf32, #tpu.memory_space<vmem>>, vector<16xf32>,
      tpu.vector_store %arg14[%swap3A_123, %swap3A_124], %broadcast_in_dim3A_2 {strides = array<i32>} : memref<96x128xf32, #tpu.memory_space<vmem>>, vector<16xf32>,
      %swap3A_126 = arith.index_cast %scan3A_116 : i32 to index
      %swap3A_127 = arith.constant 48 : index
      %swap3A_128 = tpu.vector_load %arg14[%swap3A_126, %swap3A_127] {strides = array<i32>} : memref<96x128xf32, #tpu.memory_space<vmem>>, vector<16xf32>,
      tpu.vector_store %arg14[%swap3A_126, %swap3A_127], %broadcast_in_dim3A_2 {strides = array<i32>} : memref<96x128xf32, #tpu.memory_space<vmem>>, vector<16xf32>,
      %swap3A_129 = arith.index_cast %scan3A_116 : i32 to index
      %swap3A_130 = arith.constant 64 : index
      %swap3A_131 = tpu.vector_load %arg14[%swap3A_129, %swap3A_130] {strides = array<i32>} : memref<96x128xf32, #tpu.memory_space<vmem>>, vector<16xf32>,
      tpu.vector_store %arg14[%swap3A_129, %swap3A_130], %broadcast_in_dim3A_2 {strides = array<i32>} : memref<96x128xf32, #tpu.memory_space<vmem>>, vector<16xf32>,
      %swap3A_132 = arith.index_cast %scan3A_116 : i32 to index
      %swap3A_133 = arith.constant 80 : index
      %swap3A_134 = tpu.vector_load %arg14[%swap3A_132, %swap3A_133] {strides = array<i32>} : memref<96x128xf32, #tpu.memory_space<vmem>>, vector<16xf32>,
      tpu.vector_store %arg14[%swap3A_132, %swap3A_133], %broadcast_in_dim3A_2 {strides = array<i32>} : memref<96x128xf32, #tpu.memory_space<vmem>>, vector<16xf32>,
      %swap3A_135 = arith.index_cast %scan3A_116 : i32 to index
      %swap3A_136 = arith.constant 96 : index
      %swap3A_137 = tpu.vector_load %arg14[%swap3A_135, %swap3A_136] {strides = array<i32>} : memref<96x128xf32, #tpu.memory_space<vmem>>, vector<16xf32>,
      tpu.vector_store %arg14[%swap3A_135, %swap3A_136], %broadcast_in_dim3A_2 {strides = array<i32>} : memref<96x128xf32, #tpu.memory_space<vmem>>, vector<16xf32>,
      %swap3A_138 = arith.index_cast %scan3A_116 : i32 to index
      %swap3A_139 = arith.constant 112 : index
      %swap3A_140 = tpu.vector_load %arg14[%swap3A_138, %swap3A_139] {strides = array<i32>} : memref<96x128xf32, #tpu.memory_space<vmem>>, vector<16xf32>,
      tpu.vector_store %arg14[%swap3A_138, %swap3A_139], %broadcast_in_dim3A_2 {strides = array<i32>} : memref<96x128xf32, #tpu.memory_space<vmem>>, vector<16xf32>,
      %scan3A_141 = arith.constant 0 : i32
      %scan3A_142 = arith.constant 2 : i32
      %scan3A_143 = arith.addi %scan3A_89, %scan3A_142 : i32
      %swap3A_144 = arith.index_cast %scan3A_143 : i32 to index
      %swap3A_145 = arith.constant 0 : index
      %swap3A_146 = tpu.vector_load %arg14[%swap3A_144, %swap3A_145] {strides = array<i32>} : memref<96x128xf32, #tpu.memory_space<vmem>>, vector<16xf32>,
      tpu.vector_store %arg14[%swap3A_144, %swap3A_145], %broadcast_in_dim3A_2 {strides = array<i32>} : memref<96x128xf32, #tpu.memory_space<vmem>>, vector<16xf32>,
      %swap3A_147 = arith.index_cast %scan3A_143 : i32 to index
      %swap3A_148 = arith.constant 16 : index
      %swap3A_149 = tpu.vector_load %arg14[%swap3A_147, %swap3A_148] {strides = array<i32>} : memref<96x128xf32, #tpu.memory_space<vmem>>, vector<16xf32>,
      tpu.vector_store %arg14[%swap3A_147, %swap3A_148], %broadcast_in_dim3A_2 {strides = array<i32>} : memref<96x128xf32, #tpu.memory_space<vmem>>, vector<16xf32>,
      %swap3A_150 = arith.index_cast %scan3A_143 : i32 to index
      %swap3A_151 = arith.constant 32 : index
      %swap3A_152 = tpu.vector_load %arg14[%swap3A_150, %swap3A_151] {strides = array<i32>} : memref<96x128xf32, #tpu.memory_space<vmem>>, vector<16xf32>,
      tpu.vector_store %arg14[%swap3A_150, %swap3A_151], %broadcast_in_dim3A_2 {strides = array<i32>} : memref<96x128xf32, #tpu.memory_space<vmem>>, vector<16xf32>,
      %swap3A_153 = arith.index_cast %scan3A_143 : i32 to index
      %swap3A_154 = arith.constant 48 : index
      %swap3A_155 = tpu.vector_load %arg14[%swap3A_153, %swap3A_154] {strides = array<i32>} : memref<96x128xf32, #tpu.memory_space<vmem>>, vector<16xf32>,
      tpu.vector_store %arg14[%swap3A_153, %swap3A_154], %broadcast_in_dim3A_2 {strides = array<i32>} : memref<96x128xf32, #tpu.memory_space<vmem>>, vector<16xf32>,
      %swap3A_156 = arith.index_cast %scan3A_143 : i32 to index
      %swap3A_157 = arith.constant 64 : index
      %swap3A_158 = tpu.vector_load %arg14[%swap3A_156, %swap3A_157] {strides = array<i32>} : memref<96x128xf32, #tpu.memory_space<vmem>>, vector<16xf32>,
      tpu.vector_store %arg14[%swap3A_156, %swap3A_157], %broadcast_in_dim3A_2 {strides = array<i32>} : memref<96x128xf32, #tpu.memory_space<vmem>>, vector<16xf32>,
      %swap3A_159 = arith.index_cast %scan3A_143 : i32 to index
      %swap3A_160 = arith.constant 80 : index
      %swap3A_161 = tpu.vector_load %arg14[%swap3A_159, %swap3A_160] {strides = array<i32>} : memref<96x128xf32, #tpu.memory_space<vmem>>, vector<16xf32>,
      tpu.vector_store %arg14[%swap3A_159, %swap3A_160], %broadcast_in_dim3A_2 {strides = array<i32>} : memref<96x128xf32, #tpu.memory_space<vmem>>, vector<16xf32>,
      %swap3A_162 = arith.index_cast %scan3A_143 : i32 to index
      %swap3A_163 = arith.constant 96 : index
      %swap3A_164 = tpu.vector_load %arg14[%swap3A_162, %swap3A_163] {strides = array<i32>} : memref<96x128xf32, #tpu.memory_space<vmem>>, vector<16xf32>,
      tpu.vector_store %arg14[%swap3A_162, %swap3A_163], %broadcast_in_dim3A_2 {strides = array<i32>} : memref<96x128xf32, #tpu.memory_space<vmem>>, vector<16xf32>,
      %swap3A_165 = arith.index_cast %scan3A_143 : i32 to index
      %swap3A_166 = arith.constant 112 : index
      %swap3A_167 = tpu.vector_load %arg14[%swap3A_165, %swap3A_166] {strides = array<i32>} : memref<96x128xf32, #tpu.memory_space<vmem>>, vector<16xf32>,
      tpu.vector_store %arg14[%swap3A_165, %swap3A_166], %broadcast_in_dim3A_2 {strides = array<i32>} : memref<96x128xf32, #tpu.memory_space<vmem>>, vector<16xf32>,
      %scan3A_168 = arith.constant 0 : i32
      %scan3A_169 = arith.constant 3 : i32
      %scan3A_170 = arith.addi %scan3A_89, %scan3A_169 : i32
      %swap3A_171 = arith.index_cast %scan3A_170 : i32 to index
      %swap3A_172 = arith.constant 0 : index
      %swap3A_173 = tpu.vector_load %arg14[%swap3A_171, %swap3A_172] {strides = array<i32>} : memref<96x128xf32, #tpu.memory_space<vmem>>, vector<16xf32>,
      tpu.vector_store %arg14[%swap3A_171, %swap3A_172], %broadcast_in_dim3A_2 {strides = array<i32>} : memref<96x128xf32, #tpu.memory_space<vmem>>, vector<16xf32>,
      %swap3A_174 = arith.index_cast %scan3A_170 : i32 to index
      %swap3A_175 = arith.constant 16 : index
      %swap3A_176 = tpu.vector_load %arg14[%swap3A_174, %swap3A_175] {strides = array<i32>} : memref<96x128xf32, #tpu.memory_space<vmem>>, vector<16xf32>,
      tpu.vector_store %arg14[%swap3A_174, %swap3A_175], %broadcast_in_dim3A_2 {strides = array<i32>} : memref<96x128xf32, #tpu.memory_space<vmem>>, vector<16xf32>,
      %swap3A_177 = arith.index_cast %scan3A_170 : i32 to index
      %swap3A_178 = arith.constant 32 : index
      %swap3A_179 = tpu.vector_load %arg14[%swap3A_177, %swap3A_178] {strides = array<i32>} : memref<96x128xf32, #tpu.memory_space<vmem>>, vector<16xf32>,
      tpu.vector_store %arg14[%swap3A_177, %swap3A_178], %broadcast_in_dim3A_2 {strides = array<i32>} : memref<96x128xf32, #tpu.memory_space<vmem>>, vector<16xf32>,
      %swap3A_180 = arith.index_cast %scan3A_170 : i32 to index
      %swap3A_181 = arith.constant 48 : index
      %swap3A_182 = tpu.vector_load %arg14[%swap3A_180, %swap3A_181] {strides = array<i32>} : memref<96x128xf32, #tpu.memory_space<vmem>>, vector<16xf32>,
      tpu.vector_store %arg14[%swap3A_180, %swap3A_181], %broadcast_in_dim3A_2 {strides = array<i32>} : memref<96x128xf32, #tpu.memory_space<vmem>>, vector<16xf32>,
      %swap3A_183 = arith.index_cast %scan3A_170 : i32 to index
      %swap3A_184 = arith.constant 64 : index
      %swap3A_185 = tpu.vector_load %arg14[%swap3A_183, %swap3A_184] {strides = array<i32>} : memref<96x128xf32, #tpu.memory_space<vmem>>, vector<16xf32>,
      tpu.vector_store %arg14[%swap3A_183, %swap3A_184], %broadcast_in_dim3A_2 {strides = array<i32>} : memref<96x128xf32, #tpu.memory_space<vmem>>, vector<16xf32>,
      %swap3A_186 = arith.index_cast %scan3A_170 : i32 to index
      %swap3A_187 = arith.constant 80 : index
      %swap3A_188 = tpu.vector_load %arg14[%swap3A_186, %swap3A_187] {strides = array<i32>} : memref<96x128xf32, #tpu.memory_space<vmem>>, vector<16xf32>,
      tpu.vector_store %arg14[%swap3A_186, %swap3A_187], %broadcast_in_dim3A_2 {strides = array<i32>} : memref<96x128xf32, #tpu.memory_space<vmem>>, vector<16xf32>,
      %swap3A_189 = arith.index_cast %scan3A_170 : i32 to index
      %swap3A_190 = arith.constant 96 : index
      %swap3A_191 = tpu.vector_load %arg14[%swap3A_189, %swap3A_190] {strides = array<i32>} : memref<96x128xf32, #tpu.memory_space<vmem>>, vector<16xf32>,
      tpu.vector_store %arg14[%swap3A_189, %swap3A_190], %broadcast_in_dim3A_2 {strides = array<i32>} : memref<96x128xf32, #tpu.memory_space<vmem>>, vector<16xf32>,
      %swap3A_192 = arith.index_cast %scan3A_170 : i32 to index
      %swap3A_193 = arith.constant 112 : index
      %swap3A_194 = tpu.vector_load %arg14[%swap3A_192, %swap3A_193] {strides = array<i32>} : memref<96x128xf32, #tpu.memory_space<vmem>>, vector<16xf32>,
      tpu.vector_store %arg14[%swap3A_192, %swap3A_193], %broadcast_in_dim3A_2 {strides = array<i32>} : memref<96x128xf32, #tpu.memory_space<vmem>>, vector<16xf32>,
      %scan3A_195 = arith.constant 0 : i32
      scf.yield %scan3A_195 : i32
    }
    %scan3A_15 = arith.constant 96 : i32
    %mul3A_16 = arith.constant 640 : i32
    %mul3A_17 = arith.muli %arg1, %mul3A_16 : i32
    %add3A_18 = arith.constant 0 : i32
    %add3A_19 = arith.addi %mul3A_17, %add3A_18 : i32
    "tpu.region"() ({
      %run_scoped3A_89 = tpu.sem_alloc : memref<!tpu.dma_semaphore, #tpu.memory_space<semaphore_mem>>
      %dma_start3A_90 = arith.constant 0 : i32
      %dma_start3A_91 = tpu.memref_slice %arg21[%add3A_19, %dma_start3A_90] : memref<10240x128xf32, #tpu.memory_space<vmem_shared>> -> memref<96x128xf32, #tpu.memory_space<vmem_shared>>
      %dma_start3A_92 = arith.constant 0 : i32
      %dma_start3A_93 = tpu.memref_slice %arg21[%add3A_19, %dma_start3A_92] : memref<10240x128xf32, #tpu.memory_space<vmem_shared>> -> memref<96x128xf32, #tpu.memory_space<vmem_shared>>
      tpu.enqueue_dma source(%arg14 : memref<96x128xf32, #tpu.memory_space<vmem>>) target(%dma_start3A_93 : memref<96x128xf32, #tpu.memory_space<vmem_shared>>) target_semaphore(%run_scoped3A_89 : memref<!tpu.dma_semaphore, #tpu.memory_space<semaphore_mem>>)
      %dma_wait3A_94 = arith.constant 0 : i32
      %dma_wait3A_95 = tpu.memref_slice %arg21[%add3A_19, %dma_wait3A_94] : memref<10240x128xf32, #tpu.memory_space<vmem_shared>> -> memref<96x128xf32, #tpu.memory_space<vmem_shared>>
      %dma_wait3A_96 = arith.constant 0 : i32
      %dma_wait3A_97 = tpu.memref_slice %arg21[%add3A_19, %dma_wait3A_96] : memref<10240x128xf32, #tpu.memory_space<vmem_shared>> -> memref<96x128xf32, #tpu.memory_space<vmem_shared>>
      tpu.wait_dma2 semaphore(%run_scoped3A_89 : memref<!tpu.dma_semaphore, #tpu.memory_space<semaphore_mem>>) src(%arg14 : memref<96x128xf32, #tpu.memory_space<vmem>>) dst(%dma_wait3A_97 : memref<96x128xf32, #tpu.memory_space<vmem_shared>>)
      tpu.yield
    }) : () -> ()
    %mul3A_20 = arith.constant 640 : i32
    %mul3A_21 = arith.muli %arg1, %mul3A_20 : i32
    %add3A_22 = arith.constant 96 : i32
    %add3A_23 = arith.addi %mul3A_21, %add3A_22 : i32
    "tpu.region"() ({
      %run_scoped3A_89 = tpu.sem_alloc : memref<!tpu.dma_semaphore, #tpu.memory_space<semaphore_mem>>
      %dma_start3A_90 = arith.constant 0 : i32
      %dma_start3A_91 = tpu.memref_slice %arg21[%add3A_23, %dma_start3A_90] : memref<10240x128xf32, #tpu.memory_space<vmem_shared>> -> memref<96x128xf32, #tpu.memory_space<vmem_shared>>
      %dma_start3A_92 = arith.constant 0 : i32
      %dma_start3A_93 = tpu.memref_slice %arg21[%add3A_23, %dma_start3A_92] : memref<10240x128xf32, #tpu.memory_space<vmem_shared>> -> memref<96x128xf32, #tpu.memory_space<vmem_shared>>
      tpu.enqueue_dma source(%arg14 : memref<96x128xf32, #tpu.memory_space<vmem>>) target(%dma_start3A_93 : memref<96x128xf32, #tpu.memory_space<vmem_shared>>) target_semaphore(%run_scoped3A_89 : memref<!tpu.dma_semaphore, #tpu.memory_space<semaphore_mem>>)
      %dma_wait3A_94 = arith.constant 0 : i32
      %dma_wait3A_95 = tpu.memref_slice %arg21[%add3A_23, %dma_wait3A_94] : memref<10240x128xf32, #tpu.memory_space<vmem_shared>> -> memref<96x128xf32, #tpu.memory_space<vmem_shared>>
      %dma_wait3A_96 = arith.constant 0 : i32
      %dma_wait3A_97 = tpu.memref_slice %arg21[%add3A_23, %dma_wait3A_96] : memref<10240x128xf32, #tpu.memory_space<vmem_shared>> -> memref<96x128xf32, #tpu.memory_space<vmem_shared>>
      tpu.wait_dma2 semaphore(%run_scoped3A_89 : memref<!tpu.dma_semaphore, #tpu.memory_space<semaphore_mem>>) src(%arg14 : memref<96x128xf32, #tpu.memory_space<vmem>>) dst(%dma_wait3A_97 : memref<96x128xf32, #tpu.memory_space<vmem_shared>>)
      tpu.yield
    }) : () -> ()
    %mul3A_24 = arith.constant 640 : i32
    %mul3A_25 = arith.muli %arg1, %mul3A_24 : i32
    %add3A_26 = arith.constant 192 : i32
    %add3A_27 = arith.addi %mul3A_25, %add3A_26 : i32
    "tpu.region"() ({
      %run_scoped3A_89 = tpu.sem_alloc : memref<!tpu.dma_semaphore, #tpu.memory_space<semaphore_mem>>
      %dma_start3A_90 = arith.constant 0 : i32
      %dma_start3A_91 = tpu.memref_slice %arg21[%add3A_27, %dma_start3A_90] : memref<10240x128xf32, #tpu.memory_space<vmem_shared>> -> memref<96x128xf32, #tpu.memory_space<vmem_shared>>
      %dma_start3A_92 = arith.constant 0 : i32
      %dma_start3A_93 = tpu.memref_slice %arg21[%add3A_27, %dma_start3A_92] : memref<10240x128xf32, #tpu.memory_space<vmem_shared>> -> memref<96x128xf32, #tpu.memory_space<vmem_shared>>
      tpu.enqueue_dma source(%arg14 : memref<96x128xf32, #tpu.memory_space<vmem>>) target(%dma_start3A_93 : memref<96x128xf32, #tpu.memory_space<vmem_shared>>) target_semaphore(%run_scoped3A_89 : memref<!tpu.dma_semaphore, #tpu.memory_space<semaphore_mem>>)
      %dma_wait3A_94 = arith.constant 0 : i32
      %dma_wait3A_95 = tpu.memref_slice %arg21[%add3A_27, %dma_wait3A_94] : memref<10240x128xf32, #tpu.memory_space<vmem_shared>> -> memref<96x128xf32, #tpu.memory_space<vmem_shared>>
      %dma_wait3A_96 = arith.constant 0 : i32
      %dma_wait3A_97 = tpu.memref_slice %arg21[%add3A_27, %dma_wait3A_96] : memref<10240x128xf32, #tpu.memory_space<vmem_shared>> -> memref<96x128xf32, #tpu.memory_space<vmem_shared>>
      tpu.wait_dma2 semaphore(%run_scoped3A_89 : memref<!tpu.dma_semaphore, #tpu.memory_space<semaphore_mem>>) src(%arg14 : memref<96x128xf32, #tpu.memory_space<vmem>>) dst(%dma_wait3A_97 : memref<96x128xf32, #tpu.memory_space<vmem_shared>>)
      tpu.yield
    }) : () -> ()
    %mul3A_28 = arith.constant 640 : i32
    %mul3A_29 = arith.muli %arg1, %mul3A_28 : i32
    %add3A_30 = arith.constant 288 : i32
    %add3A_31 = arith.addi %mul3A_29, %add3A_30 : i32
    "tpu.region"() ({
      %run_scoped3A_89 = tpu.sem_alloc : memref<!tpu.dma_semaphore, #tpu.memory_space<semaphore_mem>>
      %dma_start3A_90 = arith.constant 0 : i32
      %dma_start3A_91 = tpu.memref_slice %arg21[%add3A_31, %dma_start3A_90] : memref<10240x128xf32, #tpu.memory_space<vmem_shared>> -> memref<96x128xf32, #tpu.memory_space<vmem_shared>>
      %dma_start3A_92 = arith.constant 0 : i32
      %dma_start3A_93 = tpu.memref_slice %arg21[%add3A_31, %dma_start3A_92] : memref<10240x128xf32, #tpu.memory_space<vmem_shared>> -> memref<96x128xf32, #tpu.memory_space<vmem_shared>>
      tpu.enqueue_dma source(%arg14 : memref<96x128xf32, #tpu.memory_space<vmem>>) target(%dma_start3A_93 : memref<96x128xf32, #tpu.memory_space<vmem_shared>>) target_semaphore(%run_scoped3A_89 : memref<!tpu.dma_semaphore, #tpu.memory_space<semaphore_mem>>)
      %dma_wait3A_94 = arith.constant 0 : i32
      %dma_wait3A_95 = tpu.memref_slice %arg21[%add3A_31, %dma_wait3A_94] : memref<10240x128xf32, #tpu.memory_space<vmem_shared>> -> memref<96x128xf32, #tpu.memory_space<vmem_shared>>
      %dma_wait3A_96 = arith.constant 0 : i32
      %dma_wait3A_97 = tpu.memref_slice %arg21[%add3A_31, %dma_wait3A_96] : memref<10240x128xf32, #tpu.memory_space<vmem_shared>> -> memref<96x128xf32, #tpu.memory_space<vmem_shared>>
      tpu.wait_dma2 semaphore(%run_scoped3A_89 : memref<!tpu.dma_semaphore, #tpu.memory_space<semaphore_mem>>) src(%arg14 : memref<96x128xf32, #tpu.memory_space<vmem>>) dst(%dma_wait3A_97 : memref<96x128xf32, #tpu.memory_space<vmem_shared>>)
      tpu.yield
    }) : () -> ()
    %mul3A_32 = arith.constant 640 : i32
    %mul3A_33 = arith.muli %arg1, %mul3A_32 : i32
    %add3A_34 = arith.constant 384 : i32
    %add3A_35 = arith.addi %mul3A_33, %add3A_34 : i32
    "tpu.region"() ({
      %run_scoped3A_89 = tpu.sem_alloc : memref<!tpu.dma_semaphore, #tpu.memory_space<semaphore_mem>>
      %dma_start3A_90 = arith.constant 0 : i32
      %dma_start3A_91 = tpu.memref_slice %arg21[%add3A_35, %dma_start3A_90] : memref<10240x128xf32, #tpu.memory_space<vmem_shared>> -> memref<96x128xf32, #tpu.memory_space<vmem_shared>>
      %dma_start3A_92 = arith.constant 0 : i32
      %dma_start3A_93 = tpu.memref_slice %arg21[%add3A_35, %dma_start3A_92] : memref<10240x128xf32, #tpu.memory_space<vmem_shared>> -> memref<96x128xf32, #tpu.memory_space<vmem_shared>>
      tpu.enqueue_dma source(%arg14 : memref<96x128xf32, #tpu.memory_space<vmem>>) target(%dma_start3A_93 : memref<96x128xf32, #tpu.memory_space<vmem_shared>>) target_semaphore(%run_scoped3A_89 : memref<!tpu.dma_semaphore, #tpu.memory_space<semaphore_mem>>)
      %dma_wait3A_94 = arith.constant 0 : i32
      %dma_wait3A_95 = tpu.memref_slice %arg21[%add3A_35, %dma_wait3A_94] : memref<10240x128xf32, #tpu.memory_space<vmem_shared>> -> memref<96x128xf32, #tpu.memory_space<vmem_shared>>
      %dma_wait3A_96 = arith.constant 0 : i32
      %dma_wait3A_97 = tpu.memref_slice %arg21[%add3A_35, %dma_wait3A_96] : memref<10240x128xf32, #tpu.memory_space<vmem_shared>> -> memref<96x128xf32, #tpu.memory_space<vmem_shared>>
      tpu.wait_dma2 semaphore(%run_scoped3A_89 : memref<!tpu.dma_semaphore, #tpu.memory_space<semaphore_mem>>) src(%arg14 : memref<96x128xf32, #tpu.memory_space<vmem>>) dst(%dma_wait3A_97 : memref<96x128xf32, #tpu.memory_space<vmem_shared>>)
      tpu.yield
    }) : () -> ()
    %mul3A_36 = arith.constant 640 : i32
    %mul3A_37 = arith.muli %arg1, %mul3A_36 : i32
    %add3A_38 = arith.constant 480 : i32
    %add3A_39 = arith.addi %mul3A_37, %add3A_38 : i32
    "tpu.region"() ({
      %run_scoped3A_89 = tpu.sem_alloc : memref<!tpu.dma_semaphore, #tpu.memory_space<semaphore_mem>>
      %dma_start3A_90 = arith.constant 0 : i32
      %dma_start3A_91 = tpu.memref_slice %arg21[%add3A_39, %dma_start3A_90] : memref<10240x128xf32, #tpu.memory_space<vmem_shared>> -> memref<96x128xf32, #tpu.memory_space<vmem_shared>>
      %dma_start3A_92 = arith.constant 0 : i32
      %dma_start3A_93 = tpu.memref_slice %arg21[%add3A_39, %dma_start3A_92] : memref<10240x128xf32, #tpu.memory_space<vmem_shared>> -> memref<96x128xf32, #tpu.memory_space<vmem_shared>>
      tpu.enqueue_dma source(%arg14 : memref<96x128xf32, #tpu.memory_space<vmem>>) target(%dma_start3A_93 : memref<96x128xf32, #tpu.memory_space<vmem_shared>>) target_semaphore(%run_scoped3A_89 : memref<!tpu.dma_semaphore, #tpu.memory_space<semaphore_mem>>)
      %dma_wait3A_94 = arith.constant 0 : i32
      %dma_wait3A_95 = tpu.memref_slice %arg21[%add3A_39, %dma_wait3A_94] : memref<10240x128xf32, #tpu.memory_space<vmem_shared>> -> memref<96x128xf32, #tpu.memory_space<vmem_shared>>
      %dma_wait3A_96 = arith.constant 0 : i32
      %dma_wait3A_97 = tpu.memref_slice %arg21[%add3A_39, %dma_wait3A_96] : memref<10240x128xf32, #tpu.memory_space<vmem_shared>> -> memref<96x128xf32, #tpu.memory_space<vmem_shared>>
      tpu.wait_dma2 semaphore(%run_scoped3A_89 : memref<!tpu.dma_semaphore, #tpu.memory_space<semaphore_mem>>) src(%arg14 : memref<96x128xf32, #tpu.memory_space<vmem>>) dst(%dma_wait3A_97 : memref<96x128xf32, #tpu.memory_space<vmem_shared>>)
      tpu.yield
    }) : () -> ()
    %mul3A_40 = arith.constant 640 : i32
    %mul3A_41 = arith.muli %arg1, %mul3A_40 : i32
    %add3A_42 = arith.constant 576 : i32
    %add3A_43 = arith.addi %mul3A_41, %add3A_42 : i32
    "tpu.region"() ({
      %run_scoped3A_89 = tpu.sem_alloc : memref<!tpu.dma_semaphore, #tpu.memory_space<semaphore_mem>>
      %dma_start3A_90 = arith.constant 0 : i32
      %dma_start3A_91 = arith.constant 0 : i32
      %dma_start3A_92 = tpu.memref_slice %arg14[%dma_start3A_90, %dma_start3A_91] : memref<96x128xf32, #tpu.memory_space<vmem>> -> memref<64x128xf32, #tpu.memory_space<vmem>>
      %dma_start3A_93 = arith.constant 0 : i32
      %dma_start3A_94 = tpu.memref_slice %arg21[%add3A_43, %dma_start3A_93] : memref<10240x128xf32, #tpu.memory_space<vmem_shared>> -> memref<64x128xf32, #tpu.memory_space<vmem_shared>>
      %dma_start3A_95 = arith.constant 0 : i32
      %dma_start3A_96 = tpu.memref_slice %arg21[%add3A_43, %dma_start3A_95] : memref<10240x128xf32, #tpu.memory_space<vmem_shared>> -> memref<64x128xf32, #tpu.memory_space<vmem_shared>>
      %dma_start3A_97 = arith.constant 0 : i32
      %dma_start3A_98 = arith.constant 0 : i32
      %dma_start3A_99 = tpu.memref_slice %arg14[%dma_start3A_97, %dma_start3A_98] : memref<96x128xf32, #tpu.memory_space<vmem>> -> memref<64x128xf32, #tpu.memory_space<vmem>>
      tpu.enqueue_dma source(%dma_start3A_99 : memref<64x128xf32, #tpu.memory_space<vmem>>) target(%dma_start3A_96 : memref<64x128xf32, #tpu.memory_space<vmem_shared>>) target_semaphore(%run_scoped3A_89 : memref<!tpu.dma_semaphore, #tpu.memory_space<semaphore_mem>>)
      %dma_wait3A_100 = arith.constant 0 : i32
      %dma_wait3A_101 = arith.constant 0 : i32
      %dma_wait3A_102 = tpu.memref_slice %arg14[%dma_wait3A_100, %dma_wait3A_101] : memref<96x128xf32, #tpu.memory_space<vmem>> -> memref<64x128xf32, #tpu.memory_space<vmem>>
      %dma_wait3A_103 = arith.constant 0 : i32
      %dma_wait3A_104 = tpu.memref_slice %arg21[%add3A_43, %dma_wait3A_103] : memref<10240x128xf32, #tpu.memory_space<vmem_shared>> -> memref<64x128xf32, #tpu.memory_space<vmem_shared>>
      %dma_wait3A_105 = arith.constant 0 : i32
      %dma_wait3A_106 = tpu.memref_slice %arg21[%add3A_43, %dma_wait3A_105] : memref<10240x128xf32, #tpu.memory_space<vmem_shared>> -> memref<64x128xf32, #tpu.memory_space<vmem_shared>>
      %dma_wait3A_107 = arith.constant 0 : i32
      %dma_wait3A_108 = arith.constant 0 : i32
      %dma_wait3A_109 = tpu.memref_slice %arg14[%dma_wait3A_107, %dma_wait3A_108] : memref<96x128xf32, #tpu.memory_space<vmem>> -> memref<64x128xf32, #tpu.memory_space<vmem>>
      tpu.wait_dma2 semaphore(%run_scoped3A_89 : memref<!tpu.dma_semaphore, #tpu.memory_space<semaphore_mem>>) src(%dma_wait3A_109 : memref<64x128xf32, #tpu.memory_space<vmem>>) dst(%dma_wait3A_106 : memref<64x128xf32, #tpu.memory_space<vmem_shared>>)
      tpu.yield
    }) : () -> ()
    %mul3A_44 = arith.constant 640 : i32
    %mul3A_45 = arith.muli %arg1, %mul3A_44 : i32
    "tpu.region"() ({
      %run_scoped3A_89 = tpu.sem_alloc : memref<!tpu.dma_semaphore, #tpu.memory_space<semaphore_mem>>
      %dma_start3A_90 = tpu.memref_slice %arg22[%mul3A_45] : memref<10240xf32, #tpu.memory_space<vmem_shared>> -> memref<640xf32, #tpu.memory_space<vmem_shared>>
      %dma_start3A_91 = tpu.memref_slice %arg22[%mul3A_45] : memref<10240xf32, #tpu.memory_space<vmem_shared>> -> memref<640xf32, #tpu.memory_space<vmem_shared>>
      tpu.enqueue_dma source(%arg20 : memref<640xf32, #tpu.memory_space<vmem>>) target(%dma_start3A_91 : memref<640xf32, #tpu.memory_space<vmem_shared>>) target_semaphore(%run_scoped3A_89 : memref<!tpu.dma_semaphore, #tpu.memory_space<semaphore_mem>>)
      %dma_wait3A_92 = tpu.memref_slice %arg22[%mul3A_45] : memref<10240xf32, #tpu.memory_space<vmem_shared>> -> memref<640xf32, #tpu.memory_space<vmem_shared>>
      %dma_wait3A_93 = tpu.memref_slice %arg22[%mul3A_45] : memref<10240xf32, #tpu.memory_space<vmem_shared>> -> memref<640xf32, #tpu.memory_space<vmem_shared>>
      tpu.wait_dma2 semaphore(%run_scoped3A_89 : memref<!tpu.dma_semaphore, #tpu.memory_space<semaphore_mem>>) src(%arg20 : memref<640xf32, #tpu.memory_space<vmem>>) dst(%dma_wait3A_93 : memref<640xf32, #tpu.memory_space<vmem_shared>>)
      tpu.yield
    }) : () -> ()
    %barrier3A = arith.constant 0 : index
    tpu.barrier barrier_id(%barrier3A)
    %run_scoped3A_46 = arith.constant 0 : i32
    "tpu.region"() ({
      %run_scoped3A_89 = tpu.sem_alloc : memref<!tpu.dma_semaphore, #tpu.memory_space<semaphore_mem>>
      %dma_start3A_90 = arith.constant 0 : i32
      %dma_start3A_91 = tpu.memref_slice %arg4[%add3A, %run_scoped3A_46, %dma_start3A_90] : memref<32x108x96xi32, #tpu.memory_space<hbm>> -> memref<1x1x96xi32, #tpu.memory_space<hbm>>
      %dma_start3A_92 = tpu.memref_squeeze %dma_start3A_91 : memref<1x1x96xi32, #tpu.memory_space<hbm>> -> memref<96xi32, #tpu.memory_space<hbm>>
      %dma_start3A_93 = arith.constant 0 : i32
      %dma_start3A_94 = tpu.memref_slice %arg4[%add3A, %run_scoped3A_46, %dma_start3A_93] : memref<32x108x96xi32, #tpu.memory_space<hbm>> -> memref<1x1x96xi32, #tpu.memory_space<hbm>>
      %dma_start3A_95 = tpu.memref_squeeze %dma_start3A_94 : memref<1x1x96xi32, #tpu.memory_space<hbm>> -> memref<96xi32, #tpu.memory_space<hbm>>
      tpu.enqueue_dma source(%dma_start3A_95 : memref<96xi32, #tpu.memory_space<hbm>>) target(%arg8 : memref<96xi32, #tpu.memory_space<vmem>>) target_semaphore(%run_scoped3A_89 : memref<!tpu.dma_semaphore, #tpu.memory_space<semaphore_mem>>)
      %dma_wait3A_96 = arith.constant 0 : i32
      %dma_wait3A_97 = tpu.memref_slice %arg4[%add3A, %run_scoped3A_46, %dma_wait3A_96] : memref<32x108x96xi32, #tpu.memory_space<hbm>> -> memref<1x1x96xi32, #tpu.memory_space<hbm>>
      %dma_wait3A_98 = tpu.memref_squeeze %dma_wait3A_97 : memref<1x1x96xi32, #tpu.memory_space<hbm>> -> memref<96xi32, #tpu.memory_space<hbm>>
      %dma_wait3A_99 = arith.constant 0 : i32
      %dma_wait3A_100 = tpu.memref_slice %arg4[%add3A, %run_scoped3A_46, %dma_wait3A_99] : memref<32x108x96xi32, #tpu.memory_space<hbm>> -> memref<1x1x96xi32, #tpu.memory_space<hbm>>
      %dma_wait3A_101 = tpu.memref_squeeze %dma_wait3A_100 : memref<1x1x96xi32, #tpu.memory_space<hbm>> -> memref<96xi32, #tpu.memory_space<hbm>>
      tpu.wait_dma2 semaphore(%run_scoped3A_89 : memref<!tpu.dma_semaphore, #tpu.memory_space<semaphore_mem>>) src(%dma_wait3A_101 : memref<96xi32, #tpu.memory_space<hbm>>) dst(%arg8 : memref<96xi32, #tpu.memory_space<vmem>>)
      tpu.yield
    }) : () -> ()
    %run_scoped3A_47 = arith.constant 0 : i32
    "tpu.region"() ({
      %run_scoped3A_89 = tpu.sem_alloc : memref<!tpu.dma_semaphore, #tpu.memory_space<semaphore_mem>>
      %dma_start3A_90 = arith.constant 0 : i32
      %dma_start3A_91 = tpu.memref_slice %arg5[%add3A, %run_scoped3A_47, %dma_start3A_90] : memref<32x108x96xi32, #tpu.memory_space<hbm>> -> memref<1x1x96xi32, #tpu.memory_space<hbm>>
      %dma_start3A_92 = tpu.memref_squeeze %dma_start3A_91 : memref<1x1x96xi32, #tpu.memory_space<hbm>> -> memref<96xi32, #tpu.memory_space<hbm>>
      %dma_start3A_93 = arith.constant 0 : i32
      %dma_start3A_94 = tpu.memref_slice %arg5[%add3A, %run_scoped3A_47, %dma_start3A_93] : memref<32x108x96xi32, #tpu.memory_space<hbm>> -> memref<1x1x96xi32, #tpu.memory_space<hbm>>
      %dma_start3A_95 = tpu.memref_squeeze %dma_start3A_94 : memref<1x1x96xi32, #tpu.memory_space<hbm>> -> memref<96xi32, #tpu.memory_space<hbm>>
      tpu.enqueue_dma source(%dma_start3A_95 : memref<96xi32, #tpu.memory_space<hbm>>) target(%arg10 : memref<96xi32, #tpu.memory_space<vmem>>) target_semaphore(%run_scoped3A_89 : memref<!tpu.dma_semaphore, #tpu.memory_space<semaphore_mem>>)
      %dma_wait3A_96 = arith.constant 0 : i32
      %dma_wait3A_97 = tpu.memref_slice %arg5[%add3A, %run_scoped3A_47, %dma_wait3A_96] : memref<32x108x96xi32, #tpu.memory_space<hbm>> -> memref<1x1x96xi32, #tpu.memory_space<hbm>>
      %dma_wait3A_98 = tpu.memref_squeeze %dma_wait3A_97 : memref<1x1x96xi32, #tpu.memory_space<hbm>> -> memref<96xi32, #tpu.memory_space<hbm>>
      %dma_wait3A_99 = arith.constant 0 : i32
      %dma_wait3A_100 = tpu.memref_slice %arg5[%add3A, %run_scoped3A_47, %dma_wait3A_99] : memref<32x108x96xi32, #tpu.memory_space<hbm>> -> memref<1x1x96xi32, #tpu.memory_space<hbm>>
      %dma_wait3A_101 = tpu.memref_squeeze %dma_wait3A_100 : memref<1x1x96xi32, #tpu.memory_space<hbm>> -> memref<96xi32, #tpu.memory_space<hbm>>
      tpu.wait_dma2 semaphore(%run_scoped3A_89 : memref<!tpu.dma_semaphore, #tpu.memory_space<semaphore_mem>>) src(%dma_wait3A_101 : memref<96xi32, #tpu.memory_space<hbm>>) dst(%arg10 : memref<96xi32, #tpu.memory_space<vmem>>)
      tpu.yield
    }) : () -> ()
    %dma_start3A = arith.constant 0 : i32
    %dma_start3A_48 = arith.constant 0 : i32
    %dma_start3A_49 = tpu.memref_slice %arg2[%dma_start3A, %dma_start3A_48] : memref<10000x128xf32, #tpu.memory_space<hbm>> -> memref<10000x128xf32, #tpu.memory_space<hbm>>
    tpu.enqueue_indirect_dma source(%dma_start3A_49 : memref<10000x128xf32, #tpu.memory_space<hbm>>) target(%arg14 : memref<96x128xf32, #tpu.memory_space<vmem>>) offsets(%arg8 : memref<96xi32, #tpu.memory_space<vmem>>) semaphore(%arg23 : memref<!tpu.dma_semaphore, #tpu.memory_space<semaphore_mem>>)
    %dma_start3A_50 = arith.constant 1 : i32
    %dma_start3A_51 = arith.constant 0 : i32
    %dma_start3A_52 = tpu.memref_slice %arg4[%add3A, %dma_start3A_50, %dma_start3A_51] : memref<32x108x96xi32, #tpu.memory_space<hbm>> -> memref<1x1x96xi32, #tpu.memory_space<hbm>>
    %dma_start3A_53 = tpu.memref_squeeze %dma_start3A_52 : memref<1x1x96xi32, #tpu.memory_space<hbm>> -> memref<96xi32, #tpu.memory_space<hbm>>
    %dma_start3A_54 = arith.constant 0 : i32
    %dma_start3A_55 = tpu.memref_slice %arg4[%add3A, %dma_start3A_50, %dma_start3A_54] : memref<32x108x96xi32, #tpu.memory_space<hbm>> -> memref<1x1x96xi32, #tpu.memory_space<hbm>>
    %dma_start3A_56 = tpu.memref_squeeze %dma_start3A_55 : memref<1x1x96xi32, #tpu.memory_space<hbm>> -> memref<96xi32, #tpu.memory_space<hbm>>
    tpu.enqueue_dma source(%dma_start3A_56 : memref<96xi32, #tpu.memory_space<hbm>>) target(%arg9 : memref<96xi32, #tpu.memory_space<vmem>>) target_semaphore(%arg26 : memref<!tpu.dma_semaphore, #tpu.memory_space<semaphore_mem>>)
    %dma_start3A_57 = arith.constant 1 : i32
    %dma_start3A_58 = arith.constant 0 : i32
    %dma_start3A_59 = tpu.memref_slice %arg5[%add3A, %dma_start3A_57, %dma_start3A_58] : memref<32x108x96xi32, #tpu.memory_space<hbm>> -> memref<1x1x96xi32, #tpu.memory_space<hbm>>
    %dma_start3A_60 = tpu.memref_squeeze %dma_start3A_59 : memref<1x1x96xi32, #tpu.memory_space<hbm>> -> memref<96xi32, #tpu.memory_space<hbm>>
    %dma_start3A_61 = arith.constant 0 : i32
    %dma_start3A_62 = tpu.memref_slice %arg5[%add3A, %dma_start3A_57, %dma_start3A_61] : memref<32x108x96xi32, #tpu.memory_space<hbm>> -> memref<1x1x96xi32, #tpu.memory_space<hbm>>
    %dma_start3A_63 = tpu.memref_squeeze %dma_start3A_62 : memref<1x1x96xi32, #tpu.memory_space<hbm>> -> memref<96xi32, #tpu.memory_space<hbm>>
    tpu.enqueue_dma source(%dma_start3A_63 : memref<96xi32, #tpu.memory_space<hbm>>) target(%arg11 : memref<96xi32, #tpu.memory_space<vmem>>) target_semaphore(%arg26 : memref<!tpu.dma_semaphore, #tpu.memory_space<semaphore_mem>>)
    %scan3A_64 = arith.constant 0 : i32
    %scan3A_65 = arith.constant 0 : i32
    %scan3A_66 = arith.constant 54 : i32
    %scan3A_67 = arith.addi %scan3A_65, %scan3A_66 : i32
    %scan3A_68 = arith.constant 1 : i32
    %scan3A_69 = scf.for %scan3A_89 = %scan3A_65 to %scan3A_67 step %scan3A_68 iter_args(%scan3A_90 = %scan3A_64) -> (i32)  : i32 {
      %mul3A_91 = arith.constant 2 : i32
      %mul3A_92 = arith.muli %scan3A_89, %mul3A_91 : i32
      %add3A_93 = arith.constant 0 : i32
      %add3A_94 = arith.addi %mul3A_92, %add3A_93 : i32
      %add3A_95 = arith.constant 1 : i32
      %add3A_96 = arith.addi %add3A_94, %add3A_95 : i32
      %lt3A = arith.constant 108 : i32
      %lt3A_97 = arith.cmpi slt, %add3A_96, %lt3A : i32
      %ge3A = arith.constant 1 : i32
      %ge3A_98 = arith.cmpi sge, %add3A_94, %ge3A : i32
      %and3A = arith.andi %lt3A_97, %ge3A_98 : i1
      %convert_element_type3A = arith.extui %and3A : i1 to i32
      %cond3A = arith.constant 0 : i32
      %cond3A_99 = arith.cmpi ne, %convert_element_type3A, %cond3A : i32
      scf.if %cond3A_99 {
        %dma_wait3A_420 = arith.constant 0 : i32
        %dma_wait3A_421 = arith.constant 0 : i32
        %dma_wait3A_422 = tpu.memref_slice %arg21[%dma_wait3A_420, %dma_wait3A_421] : memref<10240x128xf32, #tpu.memory_space<vmem_shared>> -> memref<10240x128xf32, #tpu.memory_space<vmem_shared>>
        tpu.wait_indirect_dma semaphore(%arg28 : memref<!tpu.dma_semaphore, #tpu.memory_space<semaphore_mem>>) src(%arg15 : memref<96x128xf32, #tpu.memory_space<vmem>>) dst(%dma_wait3A_422 : memref<10240x128xf32, #tpu.memory_space<vmem_shared>>)
        %dma_wait3A_423 = arith.constant 0 : i32
        %dma_wait3A_424 = tpu.memref_slice %arg22[%dma_wait3A_423] : memref<10240xf32, #tpu.memory_space<vmem_shared>> -> memref<10240xf32, #tpu.memory_space<vmem_shared>>
        tpu.wait_indirect_dma semaphore(%arg28 : memref<!tpu.dma_semaphore, #tpu.memory_space<semaphore_mem>>) src(%arg17 : memref<96xf32, #tpu.memory_space<vmem>>) dst(%dma_wait3A_424 : memref<10240xf32, #tpu.memory_space<vmem_shared>>)
      } else {
      }
      %add3A_100 = arith.constant 1 : i32
      %add3A_101 = arith.addi %add3A_94, %add3A_100 : i32
      %lt3A_102 = arith.constant 108 : i32
      %lt3A_103 = arith.cmpi slt, %add3A_101, %lt3A_102 : i32
      %convert_element_type3A_104 = arith.extui %lt3A_103 : i1 to i32
      %cond3A_105 = arith.constant 0 : i32
      %cond3A_106 = arith.cmpi ne, %convert_element_type3A_104, %cond3A_105 : i32
      scf.if %cond3A_106 {
        %dma_wait3A_420 = arith.constant 0 : i32
        %dma_wait3A_421 = arith.constant 0 : i32
        %dma_wait3A_422 = tpu.memref_slice %arg4[%add3A, %dma_wait3A_420, %dma_wait3A_421] : memref<32x108x96xi32, #tpu.memory_space<hbm>> -> memref<1x1x96xi32, #tpu.memory_space<hbm>>
        %dma_wait3A_423 = tpu.memref_squeeze %dma_wait3A_422 : memref<1x1x96xi32, #tpu.memory_space<hbm>> -> memref<96xi32, #tpu.memory_space<hbm>>
        %dma_wait3A_424 = arith.constant 0 : i32
        %dma_wait3A_425 = tpu.memref_slice %arg4[%add3A, %dma_wait3A_420, %dma_wait3A_424] : memref<32x108x96xi32, #tpu.memory_space<hbm>> -> memref<1x1x96xi32, #tpu.memory_space<hbm>>
        %dma_wait3A_426 = tpu.memref_squeeze %dma_wait3A_425 : memref<1x1x96xi32, #tpu.memory_space<hbm>> -> memref<96xi32, #tpu.memory_space<hbm>>
        tpu.wait_dma2 semaphore(%arg26 : memref<!tpu.dma_semaphore, #tpu.memory_space<semaphore_mem>>) src(%dma_wait3A_426 : memref<96xi32, #tpu.memory_space<hbm>>) dst(%arg9 : memref<96xi32, #tpu.memory_space<vmem>>)
        %dma_wait3A_427 = arith.constant 0 : i32
        %dma_wait3A_428 = arith.constant 0 : i32
        %dma_wait3A_429 = tpu.memref_slice %arg5[%add3A, %dma_wait3A_427, %dma_wait3A_428] : memref<32x108x96xi32, #tpu.memory_space<hbm>> -> memref<1x1x96xi32, #tpu.memory_space<hbm>>
        %dma_wait3A_430 = tpu.memref_squeeze %dma_wait3A_429 : memref<1x1x96xi32, #tpu.memory_space<hbm>> -> memref<96xi32, #tpu.memory_space<hbm>>
        %dma_wait3A_431 = arith.constant 0 : i32
        %dma_wait3A_432 = tpu.memref_slice %arg5[%add3A, %dma_wait3A_427, %dma_wait3A_431] : memref<32x108x96xi32, #tpu.memory_space<hbm>> -> memref<1x1x96xi32, #tpu.memory_space<hbm>>
        %dma_wait3A_433 = tpu.memref_squeeze %dma_wait3A_432 : memref<1x1x96xi32, #tpu.memory_space<hbm>> -> memref<96xi32, #tpu.memory_space<hbm>>
        tpu.wait_dma2 semaphore(%arg26 : memref<!tpu.dma_semaphore, #tpu.memory_space<semaphore_mem>>) src(%dma_wait3A_433 : memref<96xi32, #tpu.memory_space<hbm>>) dst(%arg11 : memref<96xi32, #tpu.memory_space<vmem>>)
        %dma_start3A_434 = arith.constant 0 : i32
        %dma_start3A_435 = arith.constant 0 : i32
        %dma_start3A_436 = tpu.memref_slice %arg2[%dma_start3A_434, %dma_start3A_435] : memref<10000x128xf32, #tpu.memory_space<hbm>> -> memref<10000x128xf32, #tpu.memory_space<hbm>>
        tpu.enqueue_indirect_dma source(%dma_start3A_436 : memref<10000x128xf32, #tpu.memory_space<hbm>>) target(%arg15 : memref<96x128xf32, #tpu.memory_space<vmem>>) offsets(%arg9 : memref<96xi32, #tpu.memory_space<vmem>>) semaphore(%arg24 : memref<!tpu.dma_semaphore, #tpu.memory_space<semaphore_mem>>)
      } else {
      }
      %dma_wait3A_107 = arith.constant 0 : i32
      %dma_wait3A_108 = arith.constant 0 : i32
      %dma_wait3A_109 = tpu.memref_slice %arg2[%dma_wait3A_107, %dma_wait3A_108] : memref<10000x128xf32, #tpu.memory_space<hbm>> -> memref<10000x128xf32, #tpu.memory_space<hbm>>
      tpu.wait_indirect_dma semaphore(%arg23 : memref<!tpu.dma_semaphore, #tpu.memory_space<semaphore_mem>>) src(%dma_wait3A_109 : memref<10000x128xf32, #tpu.memory_space<hbm>>) dst(%arg14 : memref<96x128xf32, #tpu.memory_space<vmem>>)
      %get3A = arith.constant 0 : index
      %get3A_110 = tpu.vector_load %arg8[%get3A] {strides = array<i32>} : memref<96xi32, #tpu.memory_space<vmem>>, vector<16xi32>,
      %get3A_111 = arith.constant 0 : index
      %get3A_112 = tpu.vector_load %arg10[%get3A_111] {strides = array<i32>} : memref<96xi32, #tpu.memory_space<vmem>>, vector<16xi32>,
      %gather3A = tpu.vector_load_idx %arg18[%get3A_110] : memref<10240xf32, #tpu.memory_space<vmem>>[vector<16xi32>], vector<16xf32>,
      %gather3A_113 = tpu.vector_load_idx %arg19[%get3A_112] : memref<10240xf32, #tpu.memory_space<vmem>>[vector<16xi32>], vector<16xf32>,
      %add3A_114 = arith.addf %gather3A, %gather3A_113 : vector<16xf32>
      %ge3A_115 = arith.constant 0.000000e+00 : f32
      %ge3A_116 = vector.broadcast %ge3A_115 : f32 to vector<16xf32>
      %ge3A_117 = arith.cmpf oge, %add3A_114, %ge3A_116 : vector<16xf32>
      %mul3A_118 = arith.constant 2.000000e-01 : f32
      %mul3A_119 = vector.broadcast %mul3A_118 : f32 to vector<16xf32>
      %mul3A_120 = arith.mulf %add3A_114, %mul3A_119 : vector<16xf32>
      %select_n3A = arith.select %ge3A_117, %add3A_114, %mul3A_120 : vector<16xi1>, vector<16xf32>
      %exp3A = math.exp %select_n3A : vector<16xf32>
      %swap3A = arith.constant 0 : index
      %swap3A_121 = tpu.vector_load %arg16[%swap3A] {strides = array<i32>} : memref<96xf32, #tpu.memory_space<vmem>>, vector<16xf32>,
      tpu.vector_store %arg16[%swap3A], %exp3A {strides = array<i32>} : memref<96xf32, #tpu.memory_space<vmem>>, vector<16xf32>,
      %get3A_122 = arith.constant 16 : index
      %get3A_123 = tpu.vector_load %arg8[%get3A_122] {strides = array<i32>} : memref<96xi32, #tpu.memory_space<vmem>>, vector<16xi32>,
      %get3A_124 = arith.constant 16 : index
      %get3A_125 = tpu.vector_load %arg10[%get3A_124] {strides = array<i32>} : memref<96xi32, #tpu.memory_space<vmem>>, vector<16xi32>,
      %gather3A_126 = tpu.vector_load_idx %arg18[%get3A_123] : memref<10240xf32, #tpu.memory_space<vmem>>[vector<16xi32>], vector<16xf32>,
      %gather3A_127 = tpu.vector_load_idx %arg19[%get3A_125] : memref<10240xf32, #tpu.memory_space<vmem>>[vector<16xi32>], vector<16xf32>,
      %add3A_128 = arith.addf %gather3A_126, %gather3A_127 : vector<16xf32>
      %ge3A_129 = arith.constant 0.000000e+00 : f32
      %ge3A_130 = vector.broadcast %ge3A_129 : f32 to vector<16xf32>
      %ge3A_131 = arith.cmpf oge, %add3A_128, %ge3A_130 : vector<16xf32>
      %mul3A_132 = arith.constant 2.000000e-01 : f32
      %mul3A_133 = vector.broadcast %mul3A_132 : f32 to vector<16xf32>
      %mul3A_134 = arith.mulf %add3A_128, %mul3A_133 : vector<16xf32>
      %select_n3A_135 = arith.select %ge3A_131, %add3A_128, %mul3A_134 : vector<16xi1>, vector<16xf32>
      %exp3A_136 = math.exp %select_n3A_135 : vector<16xf32>
      %swap3A_137 = arith.constant 16 : index
      %swap3A_138 = tpu.vector_load %arg16[%swap3A_137] {strides = array<i32>} : memref<96xf32, #tpu.memory_space<vmem>>, vector<16xf32>,
      tpu.vector_store %arg16[%swap3A_137], %exp3A_136 {strides = array<i32>} : memref<96xf32, #tpu.memory_space<vmem>>, vector<16xf32>,
      %get3A_139 = arith.constant 32 : index
      %get3A_140 = tpu.vector_load %arg8[%get3A_139] {strides = array<i32>} : memref<96xi32, #tpu.memory_space<vmem>>, vector<16xi32>,
      %get3A_141 = arith.constant 32 : index
      %get3A_142 = tpu.vector_load %arg10[%get3A_141] {strides = array<i32>} : memref<96xi32, #tpu.memory_space<vmem>>, vector<16xi32>,
      %gather3A_143 = tpu.vector_load_idx %arg18[%get3A_140] : memref<10240xf32, #tpu.memory_space<vmem>>[vector<16xi32>], vector<16xf32>,
      %gather3A_144 = tpu.vector_load_idx %arg19[%get3A_142] : memref<10240xf32, #tpu.memory_space<vmem>>[vector<16xi32>], vector<16xf32>,
      %add3A_145 = arith.addf %gather3A_143, %gather3A_144 : vector<16xf32>
      %ge3A_146 = arith.constant 0.000000e+00 : f32
      %ge3A_147 = vector.broadcast %ge3A_146 : f32 to vector<16xf32>
      %ge3A_148 = arith.cmpf oge, %add3A_145, %ge3A_147 : vector<16xf32>
      %mul3A_149 = arith.constant 2.000000e-01 : f32
      %mul3A_150 = vector.broadcast %mul3A_149 : f32 to vector<16xf32>
      %mul3A_151 = arith.mulf %add3A_145, %mul3A_150 : vector<16xf32>
      %select_n3A_152 = arith.select %ge3A_148, %add3A_145, %mul3A_151 : vector<16xi1>, vector<16xf32>
      %exp3A_153 = math.exp %select_n3A_152 : vector<16xf32>
      %swap3A_154 = arith.constant 32 : index
      %swap3A_155 = tpu.vector_load %arg16[%swap3A_154] {strides = array<i32>} : memref<96xf32, #tpu.memory_space<vmem>>, vector<16xf32>,
      tpu.vector_store %arg16[%swap3A_154], %exp3A_153 {strides = array<i32>} : memref<96xf32, #tpu.memory_space<vmem>>, vector<16xf32>,
      %get3A_156 = arith.constant 48 : index
      %get3A_157 = tpu.vector_load %arg8[%get3A_156] {strides = array<i32>} : memref<96xi32, #tpu.memory_space<vmem>>, vector<16xi32>,
      %get3A_158 = arith.constant 48 : index
      %get3A_159 = tpu.vector_load %arg10[%get3A_158] {strides = array<i32>} : memref<96xi32, #tpu.memory_space<vmem>>, vector<16xi32>,
      %gather3A_160 = tpu.vector_load_idx %arg18[%get3A_157] : memref<10240xf32, #tpu.memory_space<vmem>>[vector<16xi32>], vector<16xf32>,
      %gather3A_161 = tpu.vector_load_idx %arg19[%get3A_159] : memref<10240xf32, #tpu.memory_space<vmem>>[vector<16xi32>], vector<16xf32>,
      %add3A_162 = arith.addf %gather3A_160, %gather3A_161 : vector<16xf32>
      %ge3A_163 = arith.constant 0.000000e+00 : f32
      %ge3A_164 = vector.broadcast %ge3A_163 : f32 to vector<16xf32>
      %ge3A_165 = arith.cmpf oge, %add3A_162, %ge3A_164 : vector<16xf32>
      %mul3A_166 = arith.constant 2.000000e-01 : f32
      %mul3A_167 = vector.broadcast %mul3A_166 : f32 to vector<16xf32>
      %mul3A_168 = arith.mulf %add3A_162, %mul3A_167 : vector<16xf32>
      %select_n3A_169 = arith.select %ge3A_165, %add3A_162, %mul3A_168 : vector<16xi1>, vector<16xf32>
      %exp3A_170 = math.exp %select_n3A_169 : vector<16xf32>
      %swap3A_171 = arith.constant 48 : index
      %swap3A_172 = tpu.vector_load %arg16[%swap3A_171] {strides = array<i32>} : memref<96xf32, #tpu.memory_space<vmem>>, vector<16xf32>,
      tpu.vector_store %arg16[%swap3A_171], %exp3A_170 {strides = array<i32>} : memref<96xf32, #tpu.memory_space<vmem>>, vector<16xf32>,
      %get3A_173 = arith.constant 64 : index
      %get3A_174 = tpu.vector_load %arg8[%get3A_173] {strides = array<i32>} : memref<96xi32, #tpu.memory_space<vmem>>, vector<16xi32>,
      %get3A_175 = arith.constant 64 : index
      %get3A_176 = tpu.vector_load %arg10[%get3A_175] {strides = array<i32>} : memref<96xi32, #tpu.memory_space<vmem>>, vector<16xi32>,
      %gather3A_177 = tpu.vector_load_idx %arg18[%get3A_174] : memref<10240xf32, #tpu.memory_space<vmem>>[vector<16xi32>], vector<16xf32>,
      %gather3A_178 = tpu.vector_load_idx %arg19[%get3A_176] : memref<10240xf32, #tpu.memory_space<vmem>>[vector<16xi32>], vector<16xf32>,
      %add3A_179 = arith.addf %gather3A_177, %gather3A_178 : vector<16xf32>
      %ge3A_180 = arith.constant 0.000000e+00 : f32
      %ge3A_181 = vector.broadcast %ge3A_180 : f32 to vector<16xf32>
      %ge3A_182 = arith.cmpf oge, %add3A_179, %ge3A_181 : vector<16xf32>
      %mul3A_183 = arith.constant 2.000000e-01 : f32
      %mul3A_184 = vector.broadcast %mul3A_183 : f32 to vector<16xf32>
      %mul3A_185 = arith.mulf %add3A_179, %mul3A_184 : vector<16xf32>
      %select_n3A_186 = arith.select %ge3A_182, %add3A_179, %mul3A_185 : vector<16xi1>, vector<16xf32>
      %exp3A_187 = math.exp %select_n3A_186 : vector<16xf32>
      %swap3A_188 = arith.constant 64 : index
      %swap3A_189 = tpu.vector_load %arg16[%swap3A_188] {strides = array<i32>} : memref<96xf32, #tpu.memory_space<vmem>>, vector<16xf32>,
      tpu.vector_store %arg16[%swap3A_188], %exp3A_187 {strides = array<i32>} : memref<96xf32, #tpu.memory_space<vmem>>, vector<16xf32>,
      %get3A_190 = arith.constant 80 : index
      %get3A_191 = tpu.vector_load %arg8[%get3A_190] {strides = array<i32>} : memref<96xi32, #tpu.memory_space<vmem>>, vector<16xi32>,
      %get3A_192 = arith.constant 80 : index
      %get3A_193 = tpu.vector_load %arg10[%get3A_192] {strides = array<i32>} : memref<96xi32, #tpu.memory_space<vmem>>, vector<16xi32>,
      %gather3A_194 = tpu.vector_load_idx %arg18[%get3A_191] : memref<10240xf32, #tpu.memory_space<vmem>>[vector<16xi32>], vector<16xf32>,
      %gather3A_195 = tpu.vector_load_idx %arg19[%get3A_193] : memref<10240xf32, #tpu.memory_space<vmem>>[vector<16xi32>], vector<16xf32>,
      %add3A_196 = arith.addf %gather3A_194, %gather3A_195 : vector<16xf32>
      %ge3A_197 = arith.constant 0.000000e+00 : f32
      %ge3A_198 = vector.broadcast %ge3A_197 : f32 to vector<16xf32>
      %ge3A_199 = arith.cmpf oge, %add3A_196, %ge3A_198 : vector<16xf32>
      %mul3A_200 = arith.constant 2.000000e-01 : f32
      %mul3A_201 = vector.broadcast %mul3A_200 : f32 to vector<16xf32>
      %mul3A_202 = arith.mulf %add3A_196, %mul3A_201 : vector<16xf32>
      %select_n3A_203 = arith.select %ge3A_199, %add3A_196, %mul3A_202 : vector<16xi1>, vector<16xf32>
      %exp3A_204 = math.exp %select_n3A_203 : vector<16xf32>
      %swap3A_205 = arith.constant 80 : index
      %swap3A_206 = tpu.vector_load %arg16[%swap3A_205] {strides = array<i32>} : memref<96xf32, #tpu.memory_space<vmem>>, vector<16xf32>,
      tpu.vector_store %arg16[%swap3A_205], %exp3A_204 {strides = array<i32>} : memref<96xf32, #tpu.memory_space<vmem>>, vector<16xf32>,
      %scan3A_207 = arith.constant 0 : i32
      %scan3A_208 = arith.constant 0 : i32
      %scan3A_209 = arith.constant 96 : i32
      %scan3A_210 = arith.addi %scan3A_208, %scan3A_209 : i32
      %scan3A_211 = arith.constant 4 : i32
      %scan3A_212 = scf.for %scan3A_420 = %scan3A_208 to %scan3A_210 step %scan3A_211 iter_args(%scan3A_421 = %scan3A_207) -> (i32)  : i32 {
        %broadcast_in_dim3A_422 = arith.constant 0 : i32
        %broadcast_in_dim3A_423 = vector.broadcast %broadcast_in_dim3A_422 : i32 to vector<16xi32>
        %add3A_424 = vector.broadcast %scan3A_420 : i32 to vector<16xi32>
        %add3A_425 = arith.addi %broadcast_in_dim3A_423, %add3A_424 : vector<16xi32>
        %gather3A_426 = tpu.vector_load_idx %arg16[%add3A_425] : memref<96xf32, #tpu.memory_space<vmem>>[vector<16xi32>], vector<16xf32>,
        %get3A_427 = arith.index_cast %scan3A_420 : i32 to index
        %get3A_428 = arith.constant 0 : index
        %get3A_429 = tpu.vector_load %arg14[%get3A_427, %get3A_428] {strides = array<i32>} : memref<96x128xf32, #tpu.memory_space<vmem>>, vector<16xf32>,
        %mul3A_430 = arith.mulf %get3A_429, %gather3A_426 : vector<16xf32>
        %swap3A_431 = arith.index_cast %scan3A_420 : i32 to index
        %swap3A_432 = arith.constant 0 : index
        %swap3A_433 = tpu.vector_load %arg14[%swap3A_431, %swap3A_432] {strides = array<i32>} : memref<96x128xf32, #tpu.memory_space<vmem>>, vector<16xf32>,
        tpu.vector_store %arg14[%swap3A_431, %swap3A_432], %mul3A_430 {strides = array<i32>} : memref<96x128xf32, #tpu.memory_space<vmem>>, vector<16xf32>,
        %get3A_434 = arith.index_cast %scan3A_420 : i32 to index
        %get3A_435 = arith.constant 16 : index
        %get3A_436 = tpu.vector_load %arg14[%get3A_434, %get3A_435] {strides = array<i32>} : memref<96x128xf32, #tpu.memory_space<vmem>>, vector<16xf32>,
        %mul3A_437 = arith.mulf %get3A_436, %gather3A_426 : vector<16xf32>
        %swap3A_438 = arith.index_cast %scan3A_420 : i32 to index
        %swap3A_439 = arith.constant 16 : index
        %swap3A_440 = tpu.vector_load %arg14[%swap3A_438, %swap3A_439] {strides = array<i32>} : memref<96x128xf32, #tpu.memory_space<vmem>>, vector<16xf32>,
        tpu.vector_store %arg14[%swap3A_438, %swap3A_439], %mul3A_437 {strides = array<i32>} : memref<96x128xf32, #tpu.memory_space<vmem>>, vector<16xf32>,
        %get3A_441 = arith.index_cast %scan3A_420 : i32 to index
        %get3A_442 = arith.constant 32 : index
        %get3A_443 = tpu.vector_load %arg14[%get3A_441, %get3A_442] {strides = array<i32>} : memref<96x128xf32, #tpu.memory_space<vmem>>, vector<16xf32>,
        %mul3A_444 = arith.mulf %get3A_443, %gather3A_426 : vector<16xf32>
        %swap3A_445 = arith.index_cast %scan3A_420 : i32 to index
        %swap3A_446 = arith.constant 32 : index
        %swap3A_447 = tpu.vector_load %arg14[%swap3A_445, %swap3A_446] {strides = array<i32>} : memref<96x128xf32, #tpu.memory_space<vmem>>, vector<16xf32>,
        tpu.vector_store %arg14[%swap3A_445, %swap3A_446], %mul3A_444 {strides = array<i32>} : memref<96x128xf32, #tpu.memory_space<vmem>>, vector<16xf32>,
        %get3A_448 = arith.index_cast %scan3A_420 : i32 to index
        %get3A_449 = arith.constant 48 : index
        %get3A_450 = tpu.vector_load %arg14[%get3A_448, %get3A_449] {strides = array<i32>} : memref<96x128xf32, #tpu.memory_space<vmem>>, vector<16xf32>,
        %mul3A_451 = arith.mulf %get3A_450, %gather3A_426 : vector<16xf32>
        %swap3A_452 = arith.index_cast %scan3A_420 : i32 to index
        %swap3A_453 = arith.constant 48 : index
        %swap3A_454 = tpu.vector_load %arg14[%swap3A_452, %swap3A_453] {strides = array<i32>} : memref<96x128xf32, #tpu.memory_space<vmem>>, vector<16xf32>,
        tpu.vector_store %arg14[%swap3A_452, %swap3A_453], %mul3A_451 {strides = array<i32>} : memref<96x128xf32, #tpu.memory_space<vmem>>, vector<16xf32>,
        %get3A_455 = arith.index_cast %scan3A_420 : i32 to index
        %get3A_456 = arith.constant 64 : index
        %get3A_457 = tpu.vector_load %arg14[%get3A_455, %get3A_456] {strides = array<i32>} : memref<96x128xf32, #tpu.memory_space<vmem>>, vector<16xf32>,
        %mul3A_458 = arith.mulf %get3A_457, %gather3A_426 : vector<16xf32>
        %swap3A_459 = arith.index_cast %scan3A_420 : i32 to index
        %swap3A_460 = arith.constant 64 : index
        %swap3A_461 = tpu.vector_load %arg14[%swap3A_459, %swap3A_460] {strides = array<i32>} : memref<96x128xf32, #tpu.memory_space<vmem>>, vector<16xf32>,
        tpu.vector_store %arg14[%swap3A_459, %swap3A_460], %mul3A_458 {strides = array<i32>} : memref<96x128xf32, #tpu.memory_space<vmem>>, vector<16xf32>,
        %get3A_462 = arith.index_cast %scan3A_420 : i32 to index
        %get3A_463 = arith.constant 80 : index
        %get3A_464 = tpu.vector_load %arg14[%get3A_462, %get3A_463] {strides = array<i32>} : memref<96x128xf32, #tpu.memory_space<vmem>>, vector<16xf32>,
        %mul3A_465 = arith.mulf %get3A_464, %gather3A_426 : vector<16xf32>
        %swap3A_466 = arith.index_cast %scan3A_420 : i32 to index
        %swap3A_467 = arith.constant 80 : index
        %swap3A_468 = tpu.vector_load %arg14[%swap3A_466, %swap3A_467] {strides = array<i32>} : memref<96x128xf32, #tpu.memory_space<vmem>>, vector<16xf32>,
        tpu.vector_store %arg14[%swap3A_466, %swap3A_467], %mul3A_465 {strides = array<i32>} : memref<96x128xf32, #tpu.memory_space<vmem>>, vector<16xf32>,
        %get3A_469 = arith.index_cast %scan3A_420 : i32 to index
        %get3A_470 = arith.constant 96 : index
        %get3A_471 = tpu.vector_load %arg14[%get3A_469, %get3A_470] {strides = array<i32>} : memref<96x128xf32, #tpu.memory_space<vmem>>, vector<16xf32>,
        %mul3A_472 = arith.mulf %get3A_471, %gather3A_426 : vector<16xf32>
        %swap3A_473 = arith.index_cast %scan3A_420 : i32 to index
        %swap3A_474 = arith.constant 96 : index
        %swap3A_475 = tpu.vector_load %arg14[%swap3A_473, %swap3A_474] {strides = array<i32>} : memref<96x128xf32, #tpu.memory_space<vmem>>, vector<16xf32>,
        tpu.vector_store %arg14[%swap3A_473, %swap3A_474], %mul3A_472 {strides = array<i32>} : memref<96x128xf32, #tpu.memory_space<vmem>>, vector<16xf32>,
        %get3A_476 = arith.index_cast %scan3A_420 : i32 to index
        %get3A_477 = arith.constant 112 : index
        %get3A_478 = tpu.vector_load %arg14[%get3A_476, %get3A_477] {strides = array<i32>} : memref<96x128xf32, #tpu.memory_space<vmem>>, vector<16xf32>,
        %mul3A_479 = arith.mulf %get3A_478, %gather3A_426 : vector<16xf32>
        %swap3A_480 = arith.index_cast %scan3A_420 : i32 to index
        %swap3A_481 = arith.constant 112 : index
        %swap3A_482 = tpu.vector_load %arg14[%swap3A_480, %swap3A_481] {strides = array<i32>} : memref<96x128xf32, #tpu.memory_space<vmem>>, vector<16xf32>,
        tpu.vector_store %arg14[%swap3A_480, %swap3A_481], %mul3A_479 {strides = array<i32>} : memref<96x128xf32, #tpu.memory_space<vmem>>, vector<16xf32>,
        %scan3A_483 = arith.constant 0 : i32
        %scan3A_484 = arith.constant 1 : i32
        %scan3A_485 = arith.addi %scan3A_420, %scan3A_484 : i32
        %broadcast_in_dim3A_486 = arith.constant 0 : i32
        %broadcast_in_dim3A_487 = vector.broadcast %broadcast_in_dim3A_486 : i32 to vector<16xi32>
        %add3A_488 = vector.broadcast %scan3A_485 : i32 to vector<16xi32>
        %add3A_489 = arith.addi %broadcast_in_dim3A_487, %add3A_488 : vector<16xi32>
        %gather3A_490 = tpu.vector_load_idx %arg16[%add3A_489] : memref<96xf32, #tpu.memory_space<vmem>>[vector<16xi32>], vector<16xf32>,
        %get3A_491 = arith.index_cast %scan3A_485 : i32 to index
        %get3A_492 = arith.constant 0 : index
        %get3A_493 = tpu.vector_load %arg14[%get3A_491, %get3A_492] {strides = array<i32>} : memref<96x128xf32, #tpu.memory_space<vmem>>, vector<16xf32>,
        %mul3A_494 = arith.mulf %get3A_493, %gather3A_490 : vector<16xf32>
        %swap3A_495 = arith.index_cast %scan3A_485 : i32 to index
        %swap3A_496 = arith.constant 0 : index
        %swap3A_497 = tpu.vector_load %arg14[%swap3A_495, %swap3A_496] {strides = array<i32>} : memref<96x128xf32, #tpu.memory_space<vmem>>, vector<16xf32>,
        tpu.vector_store %arg14[%swap3A_495, %swap3A_496], %mul3A_494 {strides = array<i32>} : memref<96x128xf32, #tpu.memory_space<vmem>>, vector<16xf32>,
        %get3A_498 = arith.index_cast %scan3A_485 : i32 to index
        %get3A_499 = arith.constant 16 : index
        %get3A_500 = tpu.vector_load %arg14[%get3A_498, %get3A_499] {strides = array<i32>} : memref<96x128xf32, #tpu.memory_space<vmem>>, vector<16xf32>,
        %mul3A_501 = arith.mulf %get3A_500, %gather3A_490 : vector<16xf32>
        %swap3A_502 = arith.index_cast %scan3A_485 : i32 to index
        %swap3A_503 = arith.constant 16 : index
        %swap3A_504 = tpu.vector_load %arg14[%swap3A_502, %swap3A_503] {strides = array<i32>} : memref<96x128xf32, #tpu.memory_space<vmem>>, vector<16xf32>,
        tpu.vector_store %arg14[%swap3A_502, %swap3A_503], %mul3A_501 {strides = array<i32>} : memref<96x128xf32, #tpu.memory_space<vmem>>, vector<16xf32>,
        %get3A_505 = arith.index_cast %scan3A_485 : i32 to index
        %get3A_506 = arith.constant 32 : index
        %get3A_507 = tpu.vector_load %arg14[%get3A_505, %get3A_506] {strides = array<i32>} : memref<96x128xf32, #tpu.memory_space<vmem>>, vector<16xf32>,
        %mul3A_508 = arith.mulf %get3A_507, %gather3A_490 : vector<16xf32>
        %swap3A_509 = arith.index_cast %scan3A_485 : i32 to index
        %swap3A_510 = arith.constant 32 : index
        %swap3A_511 = tpu.vector_load %arg14[%swap3A_509, %swap3A_510] {strides = array<i32>} : memref<96x128xf32, #tpu.memory_space<vmem>>, vector<16xf32>,
        tpu.vector_store %arg14[%swap3A_509, %swap3A_510], %mul3A_508 {strides = array<i32>} : memref<96x128xf32, #tpu.memory_space<vmem>>, vector<16xf32>,
        %get3A_512 = arith.index_cast %scan3A_485 : i32 to index
        %get3A_513 = arith.constant 48 : index
        %get3A_514 = tpu.vector_load %arg14[%get3A_512, %get3A_513] {strides = array<i32>} : memref<96x128xf32, #tpu.memory_space<vmem>>, vector<16xf32>,
        %mul3A_515 = arith.mulf %get3A_514, %gather3A_490 : vector<16xf32>
        %swap3A_516 = arith.index_cast %scan3A_485 : i32 to index
        %swap3A_517 = arith.constant 48 : index
        %swap3A_518 = tpu.vector_load %arg14[%swap3A_516, %swap3A_517] {strides = array<i32>} : memref<96x128xf32, #tpu.memory_space<vmem>>, vector<16xf32>,
        tpu.vector_store %arg14[%swap3A_516, %swap3A_517], %mul3A_515 {strides = array<i32>} : memref<96x128xf32, #tpu.memory_space<vmem>>, vector<16xf32>,
        %get3A_519 = arith.index_cast %scan3A_485 : i32 to index
        %get3A_520 = arith.constant 64 : index
        %get3A_521 = tpu.vector_load %arg14[%get3A_519, %get3A_520] {strides = array<i32>} : memref<96x128xf32, #tpu.memory_space<vmem>>, vector<16xf32>,
        %mul3A_522 = arith.mulf %get3A_521, %gather3A_490 : vector<16xf32>
        %swap3A_523 = arith.index_cast %scan3A_485 : i32 to index
        %swap3A_524 = arith.constant 64 : index
        %swap3A_525 = tpu.vector_load %arg14[%swap3A_523, %swap3A_524] {strides = array<i32>} : memref<96x128xf32, #tpu.memory_space<vmem>>, vector<16xf32>,
        tpu.vector_store %arg14[%swap3A_523, %swap3A_524], %mul3A_522 {strides = array<i32>} : memref<96x128xf32, #tpu.memory_space<vmem>>, vector<16xf32>,
        %get3A_526 = arith.index_cast %scan3A_485 : i32 to index
        %get3A_527 = arith.constant 80 : index
        %get3A_528 = tpu.vector_load %arg14[%get3A_526, %get3A_527] {strides = array<i32>} : memref<96x128xf32, #tpu.memory_space<vmem>>, vector<16xf32>,
        %mul3A_529 = arith.mulf %get3A_528, %gather3A_490 : vector<16xf32>
        %swap3A_530 = arith.index_cast %scan3A_485 : i32 to index
        %swap3A_531 = arith.constant 80 : index
        %swap3A_532 = tpu.vector_load %arg14[%swap3A_530, %swap3A_531] {strides = array<i32>} : memref<96x128xf32, #tpu.memory_space<vmem>>, vector<16xf32>,
        tpu.vector_store %arg14[%swap3A_530, %swap3A_531], %mul3A_529 {strides = array<i32>} : memref<96x128xf32, #tpu.memory_space<vmem>>, vector<16xf32>,
        %get3A_533 = arith.index_cast %scan3A_485 : i32 to index
        %get3A_534 = arith.constant 96 : index
        %get3A_535 = tpu.vector_load %arg14[%get3A_533, %get3A_534] {strides = array<i32>} : memref<96x128xf32, #tpu.memory_space<vmem>>, vector<16xf32>,
        %mul3A_536 = arith.mulf %get3A_535, %gather3A_490 : vector<16xf32>
        %swap3A_537 = arith.index_cast %scan3A_485 : i32 to index
        %swap3A_538 = arith.constant 96 : index
        %swap3A_539 = tpu.vector_load %arg14[%swap3A_537, %swap3A_538] {strides = array<i32>} : memref<96x128xf32, #tpu.memory_space<vmem>>, vector<16xf32>,
        tpu.vector_store %arg14[%swap3A_537, %swap3A_538], %mul3A_536 {strides = array<i32>} : memref<96x128xf32, #tpu.memory_space<vmem>>, vector<16xf32>,
        %get3A_540 = arith.index_cast %scan3A_485 : i32 to index
        %get3A_541 = arith.constant 112 : index
        %get3A_542 = tpu.vector_load %arg14[%get3A_540, %get3A_541] {strides = array<i32>} : memref<96x128xf32, #tpu.memory_space<vmem>>, vector<16xf32>,
        %mul3A_543 = arith.mulf %get3A_542, %gather3A_490 : vector<16xf32>
        %swap3A_544 = arith.index_cast %scan3A_485 : i32 to index
        %swap3A_545 = arith.constant 112 : index
        %swap3A_546 = tpu.vector_load %arg14[%swap3A_544, %swap3A_545] {strides = array<i32>} : memref<96x128xf32, #tpu.memory_space<vmem>>, vector<16xf32>,
        tpu.vector_store %arg14[%swap3A_544, %swap3A_545], %mul3A_543 {strides = array<i32>} : memref<96x128xf32, #tpu.memory_space<vmem>>, vector<16xf32>,
        %scan3A_547 = arith.constant 0 : i32
        %scan3A_548 = arith.constant 2 : i32
        %scan3A_549 = arith.addi %scan3A_420, %scan3A_548 : i32
        %broadcast_in_dim3A_550 = arith.constant 0 : i32
        %broadcast_in_dim3A_551 = vector.broadcast %broadcast_in_dim3A_550 : i32 to vector<16xi32>
        %add3A_552 = vector.broadcast %scan3A_549 : i32 to vector<16xi32>
        %add3A_553 = arith.addi %broadcast_in_dim3A_551, %add3A_552 : vector<16xi32>
        %gather3A_554 = tpu.vector_load_idx %arg16[%add3A_553] : memref<96xf32, #tpu.memory_space<vmem>>[vector<16xi32>], vector<16xf32>,
        %get3A_555 = arith.index_cast %scan3A_549 : i32 to index
        %get3A_556 = arith.constant 0 : index
        %get3A_557 = tpu.vector_load %arg14[%get3A_555, %get3A_556] {strides = array<i32>} : memref<96x128xf32, #tpu.memory_space<vmem>>, vector<16xf32>,
        %mul3A_558 = arith.mulf %get3A_557, %gather3A_554 : vector<16xf32>
        %swap3A_559 = arith.index_cast %scan3A_549 : i32 to index
        %swap3A_560 = arith.constant 0 : index
        %swap3A_561 = tpu.vector_load %arg14[%swap3A_559, %swap3A_560] {strides = array<i32>} : memref<96x128xf32, #tpu.memory_space<vmem>>, vector<16xf32>,
        tpu.vector_store %arg14[%swap3A_559, %swap3A_560], %mul3A_558 {strides = array<i32>} : memref<96x128xf32, #tpu.memory_space<vmem>>, vector<16xf32>,
        %get3A_562 = arith.index_cast %scan3A_549 : i32 to index
        %get3A_563 = arith.constant 16 : index
        %get3A_564 = tpu.vector_load %arg14[%get3A_562, %get3A_563] {strides = array<i32>} : memref<96x128xf32, #tpu.memory_space<vmem>>, vector<16xf32>,
        %mul3A_565 = arith.mulf %get3A_564, %gather3A_554 : vector<16xf32>
        %swap3A_566 = arith.index_cast %scan3A_549 : i32 to index
        %swap3A_567 = arith.constant 16 : index
        %swap3A_568 = tpu.vector_load %arg14[%swap3A_566, %swap3A_567] {strides = array<i32>} : memref<96x128xf32, #tpu.memory_space<vmem>>, vector<16xf32>,
        tpu.vector_store %arg14[%swap3A_566, %swap3A_567], %mul3A_565 {strides = array<i32>} : memref<96x128xf32, #tpu.memory_space<vmem>>, vector<16xf32>,
        %get3A_569 = arith.index_cast %scan3A_549 : i32 to index
        %get3A_570 = arith.constant 32 : index
        %get3A_571 = tpu.vector_load %arg14[%get3A_569, %get3A_570] {strides = array<i32>} : memref<96x128xf32, #tpu.memory_space<vmem>>, vector<16xf32>,
        %mul3A_572 = arith.mulf %get3A_571, %gather3A_554 : vector<16xf32>
        %swap3A_573 = arith.index_cast %scan3A_549 : i32 to index
        %swap3A_574 = arith.constant 32 : index
        %swap3A_575 = tpu.vector_load %arg14[%swap3A_573, %swap3A_574] {strides = array<i32>} : memref<96x128xf32, #tpu.memory_space<vmem>>, vector<16xf32>,
        tpu.vector_store %arg14[%swap3A_573, %swap3A_574], %mul3A_572 {strides = array<i32>} : memref<96x128xf32, #tpu.memory_space<vmem>>, vector<16xf32>,
        %get3A_576 = arith.index_cast %scan3A_549 : i32 to index
        %get3A_577 = arith.constant 48 : index
        %get3A_578 = tpu.vector_load %arg14[%get3A_576, %get3A_577] {strides = array<i32>} : memref<96x128xf32, #tpu.memory_space<vmem>>, vector<16xf32>,
        %mul3A_579 = arith.mulf %get3A_578, %gather3A_554 : vector<16xf32>
        %swap3A_580 = arith.index_cast %scan3A_549 : i32 to index
        %swap3A_581 = arith.constant 48 : index
        %swap3A_582 = tpu.vector_load %arg14[%swap3A_580, %swap3A_581] {strides = array<i32>} : memref<96x128xf32, #tpu.memory_space<vmem>>, vector<16xf32>,
        tpu.vector_store %arg14[%swap3A_580, %swap3A_581], %mul3A_579 {strides = array<i32>} : memref<96x128xf32, #tpu.memory_space<vmem>>, vector<16xf32>,
        %get3A_583 = arith.index_cast %scan3A_549 : i32 to index
        %get3A_584 = arith.constant 64 : index
        %get3A_585 = tpu.vector_load %arg14[%get3A_583, %get3A_584] {strides = array<i32>} : memref<96x128xf32, #tpu.memory_space<vmem>>, vector<16xf32>,
        %mul3A_586 = arith.mulf %get3A_585, %gather3A_554 : vector<16xf32>
        %swap3A_587 = arith.index_cast %scan3A_549 : i32 to index
        %swap3A_588 = arith.constant 64 : index
        %swap3A_589 = tpu.vector_load %arg14[%swap3A_587, %swap3A_588] {strides = array<i32>} : memref<96x128xf32, #tpu.memory_space<vmem>>, vector<16xf32>,
        tpu.vector_store %arg14[%swap3A_587, %swap3A_588], %mul3A_586 {strides = array<i32>} : memref<96x128xf32, #tpu.memory_space<vmem>>, vector<16xf32>,
        %get3A_590 = arith.index_cast %scan3A_549 : i32 to index
        %get3A_591 = arith.constant 80 : index
        %get3A_592 = tpu.vector_load %arg14[%get3A_590, %get3A_591] {strides = array<i32>} : memref<96x128xf32, #tpu.memory_space<vmem>>, vector<16xf32>,
        %mul3A_593 = arith.mulf %get3A_592, %gather3A_554 : vector<16xf32>
        %swap3A_594 = arith.index_cast %scan3A_549 : i32 to index
        %swap3A_595 = arith.constant 80 : index
        %swap3A_596 = tpu.vector_load %arg14[%swap3A_594, %swap3A_595] {strides = array<i32>} : memref<96x128xf32, #tpu.memory_space<vmem>>, vector<16xf32>,
        tpu.vector_store %arg14[%swap3A_594, %swap3A_595], %mul3A_593 {strides = array<i32>} : memref<96x128xf32, #tpu.memory_space<vmem>>, vector<16xf32>,
        %get3A_597 = arith.index_cast %scan3A_549 : i32 to index
        %get3A_598 = arith.constant 96 : index
        %get3A_599 = tpu.vector_load %arg14[%get3A_597, %get3A_598] {strides = array<i32>} : memref<96x128xf32, #tpu.memory_space<vmem>>, vector<16xf32>,
        %mul3A_600 = arith.mulf %get3A_599, %gather3A_554 : vector<16xf32>
        %swap3A_601 = arith.index_cast %scan3A_549 : i32 to index
        %swap3A_602 = arith.constant 96 : index
        %swap3A_603 = tpu.vector_load %arg14[%swap3A_601, %swap3A_602] {strides = array<i32>} : memref<96x128xf32, #tpu.memory_space<vmem>>, vector<16xf32>,
        tpu.vector_store %arg14[%swap3A_601, %swap3A_602], %mul3A_600 {strides = array<i32>} : memref<96x128xf32, #tpu.memory_space<vmem>>, vector<16xf32>,
        %get3A_604 = arith.index_cast %scan3A_549 : i32 to index
        %get3A_605 = arith.constant 112 : index
        %get3A_606 = tpu.vector_load %arg14[%get3A_604, %get3A_605] {strides = array<i32>} : memref<96x128xf32, #tpu.memory_space<vmem>>, vector<16xf32>,
        %mul3A_607 = arith.mulf %get3A_606, %gather3A_554 : vector<16xf32>
        %swap3A_608 = arith.index_cast %scan3A_549 : i32 to index
        %swap3A_609 = arith.constant 112 : index
        %swap3A_610 = tpu.vector_load %arg14[%swap3A_608, %swap3A_609] {strides = array<i32>} : memref<96x128xf32, #tpu.memory_space<vmem>>, vector<16xf32>,
        tpu.vector_store %arg14[%swap3A_608, %swap3A_609], %mul3A_607 {strides = array<i32>} : memref<96x128xf32, #tpu.memory_space<vmem>>, vector<16xf32>,
        %scan3A_611 = arith.constant 0 : i32
        %scan3A_612 = arith.constant 3 : i32
        %scan3A_613 = arith.addi %scan3A_420, %scan3A_612 : i32
        %broadcast_in_dim3A_614 = arith.constant 0 : i32
        %broadcast_in_dim3A_615 = vector.broadcast %broadcast_in_dim3A_614 : i32 to vector<16xi32>
        %add3A_616 = vector.broadcast %scan3A_613 : i32 to vector<16xi32>
        %add3A_617 = arith.addi %broadcast_in_dim3A_615, %add3A_616 : vector<16xi32>
        %gather3A_618 = tpu.vector_load_idx %arg16[%add3A_617] : memref<96xf32, #tpu.memory_space<vmem>>[vector<16xi32>], vector<16xf32>,
        %get3A_619 = arith.index_cast %scan3A_613 : i32 to index
        %get3A_620 = arith.constant 0 : index
        %get3A_621 = tpu.vector_load %arg14[%get3A_619, %get3A_620] {strides = array<i32>} : memref<96x128xf32, #tpu.memory_space<vmem>>, vector<16xf32>,
        %mul3A_622 = arith.mulf %get3A_621, %gather3A_618 : vector<16xf32>
        %swap3A_623 = arith.index_cast %scan3A_613 : i32 to index
        %swap3A_624 = arith.constant 0 : index
        %swap3A_625 = tpu.vector_load %arg14[%swap3A_623, %swap3A_624] {strides = array<i32>} : memref<96x128xf32, #tpu.memory_space<vmem>>, vector<16xf32>,
        tpu.vector_store %arg14[%swap3A_623, %swap3A_624], %mul3A_622 {strides = array<i32>} : memref<96x128xf32, #tpu.memory_space<vmem>>, vector<16xf32>,
        %get3A_626 = arith.index_cast %scan3A_613 : i32 to index
        %get3A_627 = arith.constant 16 : index
        %get3A_628 = tpu.vector_load %arg14[%get3A_626, %get3A_627] {strides = array<i32>} : memref<96x128xf32, #tpu.memory_space<vmem>>, vector<16xf32>,
        %mul3A_629 = arith.mulf %get3A_628, %gather3A_618 : vector<16xf32>
        %swap3A_630 = arith.index_cast %scan3A_613 : i32 to index
        %swap3A_631 = arith.constant 16 : index
        %swap3A_632 = tpu.vector_load %arg14[%swap3A_630, %swap3A_631] {strides = array<i32>} : memref<96x128xf32, #tpu.memory_space<vmem>>, vector<16xf32>,
        tpu.vector_store %arg14[%swap3A_630, %swap3A_631], %mul3A_629 {strides = array<i32>} : memref<96x128xf32, #tpu.memory_space<vmem>>, vector<16xf32>,
        %get3A_633 = arith.index_cast %scan3A_613 : i32 to index
        %get3A_634 = arith.constant 32 : index
        %get3A_635 = tpu.vector_load %arg14[%get3A_633, %get3A_634] {strides = array<i32>} : memref<96x128xf32, #tpu.memory_space<vmem>>, vector<16xf32>,
        %mul3A_636 = arith.mulf %get3A_635, %gather3A_618 : vector<16xf32>
        %swap3A_637 = arith.index_cast %scan3A_613 : i32 to index
        %swap3A_638 = arith.constant 32 : index
        %swap3A_639 = tpu.vector_load %arg14[%swap3A_637, %swap3A_638] {strides = array<i32>} : memref<96x128xf32, #tpu.memory_space<vmem>>, vector<16xf32>,
        tpu.vector_store %arg14[%swap3A_637, %swap3A_638], %mul3A_636 {strides = array<i32>} : memref<96x128xf32, #tpu.memory_space<vmem>>, vector<16xf32>,
        %get3A_640 = arith.index_cast %scan3A_613 : i32 to index
        %get3A_641 = arith.constant 48 : index
        %get3A_642 = tpu.vector_load %arg14[%get3A_640, %get3A_641] {strides = array<i32>} : memref<96x128xf32, #tpu.memory_space<vmem>>, vector<16xf32>,
        %mul3A_643 = arith.mulf %get3A_642, %gather3A_618 : vector<16xf32>
        %swap3A_644 = arith.index_cast %scan3A_613 : i32 to index
        %swap3A_645 = arith.constant 48 : index
        %swap3A_646 = tpu.vector_load %arg14[%swap3A_644, %swap3A_645] {strides = array<i32>} : memref<96x128xf32, #tpu.memory_space<vmem>>, vector<16xf32>,
        tpu.vector_store %arg14[%swap3A_644, %swap3A_645], %mul3A_643 {strides = array<i32>} : memref<96x128xf32, #tpu.memory_space<vmem>>, vector<16xf32>,
        %get3A_647 = arith.index_cast %scan3A_613 : i32 to index
        %get3A_648 = arith.constant 64 : index
        %get3A_649 = tpu.vector_load %arg14[%get3A_647, %get3A_648] {strides = array<i32>} : memref<96x128xf32, #tpu.memory_space<vmem>>, vector<16xf32>,
        %mul3A_650 = arith.mulf %get3A_649, %gather3A_618 : vector<16xf32>
        %swap3A_651 = arith.index_cast %scan3A_613 : i32 to index
        %swap3A_652 = arith.constant 64 : index
        %swap3A_653 = tpu.vector_load %arg14[%swap3A_651, %swap3A_652] {strides = array<i32>} : memref<96x128xf32, #tpu.memory_space<vmem>>, vector<16xf32>,
        tpu.vector_store %arg14[%swap3A_651, %swap3A_652], %mul3A_650 {strides = array<i32>} : memref<96x128xf32, #tpu.memory_space<vmem>>, vector<16xf32>,
        %get3A_654 = arith.index_cast %scan3A_613 : i32 to index
        %get3A_655 = arith.constant 80 : index
        %get3A_656 = tpu.vector_load %arg14[%get3A_654, %get3A_655] {strides = array<i32>} : memref<96x128xf32, #tpu.memory_space<vmem>>, vector<16xf32>,
        %mul3A_657 = arith.mulf %get3A_656, %gather3A_618 : vector<16xf32>
        %swap3A_658 = arith.index_cast %scan3A_613 : i32 to index
        %swap3A_659 = arith.constant 80 : index
        %swap3A_660 = tpu.vector_load %arg14[%swap3A_658, %swap3A_659] {strides = array<i32>} : memref<96x128xf32, #tpu.memory_space<vmem>>, vector<16xf32>,
        tpu.vector_store %arg14[%swap3A_658, %swap3A_659], %mul3A_657 {strides = array<i32>} : memref<96x128xf32, #tpu.memory_space<vmem>>, vector<16xf32>,
        %get3A_661 = arith.index_cast %scan3A_613 : i32 to index
        %get3A_662 = arith.constant 96 : index
        %get3A_663 = tpu.vector_load %arg14[%get3A_661, %get3A_662] {strides = array<i32>} : memref<96x128xf32, #tpu.memory_space<vmem>>, vector<16xf32>,
        %mul3A_664 = arith.mulf %get3A_663, %gather3A_618 : vector<16xf32>
        %swap3A_665 = arith.index_cast %scan3A_613 : i32 to index
        %swap3A_666 = arith.constant 96 : index
        %swap3A_667 = tpu.vector_load %arg14[%swap3A_665, %swap3A_666] {strides = array<i32>} : memref<96x128xf32, #tpu.memory_space<vmem>>, vector<16xf32>,
        tpu.vector_store %arg14[%swap3A_665, %swap3A_666], %mul3A_664 {strides = array<i32>} : memref<96x128xf32, #tpu.memory_space<vmem>>, vector<16xf32>,
        %get3A_668 = arith.index_cast %scan3A_613 : i32 to index
        %get3A_669 = arith.constant 112 : index
        %get3A_670 = tpu.vector_load %arg14[%get3A_668, %get3A_669] {strides = array<i32>} : memref<96x128xf32, #tpu.memory_space<vmem>>, vector<16xf32>,
        %mul3A_671 = arith.mulf %get3A_670, %gather3A_618 : vector<16xf32>
        %swap3A_672 = arith.index_cast %scan3A_613 : i32 to index
        %swap3A_673 = arith.constant 112 : index
        %swap3A_674 = tpu.vector_load %arg14[%swap3A_672, %swap3A_673] {strides = array<i32>} : memref<96x128xf32, #tpu.memory_space<vmem>>, vector<16xf32>,
        tpu.vector_store %arg14[%swap3A_672, %swap3A_673], %mul3A_671 {strides = array<i32>} : memref<96x128xf32, #tpu.memory_space<vmem>>, vector<16xf32>,
        %scan3A_675 = arith.constant 0 : i32
        scf.yield %scan3A_675 : i32
      }
      %scan3A_213 = arith.constant 96 : i32
      %get3A_214 = arith.constant 0 : index
      %get3A_215 = tpu.vector_load %arg10[%get3A_214] {strides = array<i32>} : memref<96xi32, #tpu.memory_space<vmem>>, vector<16xi32>,
      %swap3A_216 = arith.constant 0 : index
      %swap3A_217 = tpu.vector_load %arg12[%swap3A_216] {strides = array<i32>} : memref<96xi32, #tpu.memory_space<vmem>>, vector<16xi32>,
      tpu.vector_store %arg12[%swap3A_216], %get3A_215 {strides = array<i32>} : memref<96xi32, #tpu.memory_space<vmem>>, vector<16xi32>,
      %get3A_218 = arith.constant 16 : index
      %get3A_219 = tpu.vector_load %arg10[%get3A_218] {strides = array<i32>} : memref<96xi32, #tpu.memory_space<vmem>>, vector<16xi32>,
      %swap3A_220 = arith.constant 16 : index
      %swap3A_221 = tpu.vector_load %arg12[%swap3A_220] {strides = array<i32>} : memref<96xi32, #tpu.memory_space<vmem>>, vector<16xi32>,
      tpu.vector_store %arg12[%swap3A_220], %get3A_219 {strides = array<i32>} : memref<96xi32, #tpu.memory_space<vmem>>, vector<16xi32>,
      %get3A_222 = arith.constant 32 : index
      %get3A_223 = tpu.vector_load %arg10[%get3A_222] {strides = array<i32>} : memref<96xi32, #tpu.memory_space<vmem>>, vector<16xi32>,
      %swap3A_224 = arith.constant 32 : index
      %swap3A_225 = tpu.vector_load %arg12[%swap3A_224] {strides = array<i32>} : memref<96xi32, #tpu.memory_space<vmem>>, vector<16xi32>,
      tpu.vector_store %arg12[%swap3A_224], %get3A_223 {strides = array<i32>} : memref<96xi32, #tpu.memory_space<vmem>>, vector<16xi32>,
      %get3A_226 = arith.constant 48 : index
      %get3A_227 = tpu.vector_load %arg10[%get3A_226] {strides = array<i32>} : memref<96xi32, #tpu.memory_space<vmem>>, vector<16xi32>,
      %swap3A_228 = arith.constant 48 : index
      %swap3A_229 = tpu.vector_load %arg12[%swap3A_228] {strides = array<i32>} : memref<96xi32, #tpu.memory_space<vmem>>, vector<16xi32>,
      tpu.vector_store %arg12[%swap3A_228], %get3A_227 {strides = array<i32>} : memref<96xi32, #tpu.memory_space<vmem>>, vector<16xi32>,
      %get3A_230 = arith.constant 64 : index
      %get3A_231 = tpu.vector_load %arg10[%get3A_230] {strides = array<i32>} : memref<96xi32, #tpu.memory_space<vmem>>, vector<16xi32>,
      %swap3A_232 = arith.constant 64 : index
      %swap3A_233 = tpu.vector_load %arg12[%swap3A_232] {strides = array<i32>} : memref<96xi32, #tpu.memory_space<vmem>>, vector<16xi32>,
      tpu.vector_store %arg12[%swap3A_232], %get3A_231 {strides = array<i32>} : memref<96xi32, #tpu.memory_space<vmem>>, vector<16xi32>,
      %get3A_234 = arith.constant 80 : index
      %get3A_235 = tpu.vector_load %arg10[%get3A_234] {strides = array<i32>} : memref<96xi32, #tpu.memory_space<vmem>>, vector<16xi32>,
      %swap3A_236 = arith.constant 80 : index
      %swap3A_237 = tpu.vector_load %arg12[%swap3A_236] {strides = array<i32>} : memref<96xi32, #tpu.memory_space<vmem>>, vector<16xi32>,
      tpu.vector_store %arg12[%swap3A_236], %get3A_235 {strides = array<i32>} : memref<96xi32, #tpu.memory_space<vmem>>, vector<16xi32>,
      %dma_start3A_238 = arith.constant 0 : i32
      %dma_start3A_239 = arith.constant 0 : i32
      %dma_start3A_240 = tpu.memref_slice %arg21[%dma_start3A_238, %dma_start3A_239] : memref<10240x128xf32, #tpu.memory_space<vmem_shared>> -> memref<10240x128xf32, #tpu.memory_space<vmem_shared>>
      tpu.enqueue_indirect_dma source(%arg14 : memref<96x128xf32, #tpu.memory_space<vmem>>) target(%dma_start3A_240 : memref<10240x128xf32, #tpu.memory_space<vmem_shared>>) offsets(%arg12 : memref<96xi32, #tpu.memory_space<vmem>>) semaphore(%arg27 : memref<!tpu.dma_semaphore, #tpu.memory_space<semaphore_mem>>) {add = true}
      %dma_start3A_241 = arith.constant 0 : i32
      %dma_start3A_242 = tpu.memref_slice %arg22[%dma_start3A_241] : memref<10240xf32, #tpu.memory_space<vmem_shared>> -> memref<10240xf32, #tpu.memory_space<vmem_shared>>
      tpu.enqueue_indirect_dma source(%arg16 : memref<96xf32, #tpu.memory_space<vmem>>) target(%dma_start3A_242 : memref<10240xf32, #tpu.memory_space<vmem_shared>>) offsets(%arg12 : memref<96xi32, #tpu.memory_space<vmem>>) semaphore(%arg27 : memref<!tpu.dma_semaphore, #tpu.memory_space<semaphore_mem>>) {add = true}
      %add3A_243 = arith.constant 2 : i32
      %add3A_244 = arith.addi %add3A_94, %add3A_243 : i32
      %lt3A_245 = arith.constant 108 : i32
      %lt3A_246 = arith.cmpi slt, %add3A_244, %lt3A_245 : i32
      %convert_element_type3A_247 = arith.extui %lt3A_246 : i1 to i32
      %cond3A_248 = arith.constant 0 : i32
      %cond3A_249 = arith.cmpi ne, %convert_element_type3A_247, %cond3A_248 : i32
      scf.if %cond3A_249 {
        %add3A_420 = arith.constant 2 : i32
        %add3A_421 = arith.addi %add3A_94, %add3A_420 : i32
        %dma_start3A_422 = arith.constant 0 : i32
        %dma_start3A_423 = tpu.memref_slice %arg4[%add3A, %add3A_421, %dma_start3A_422] : memref<32x108x96xi32, #tpu.memory_space<hbm>> -> memref<1x1x96xi32, #tpu.memory_space<hbm>>
        %dma_start3A_424 = tpu.memref_squeeze %dma_start3A_423 : memref<1x1x96xi32, #tpu.memory_space<hbm>> -> memref<96xi32, #tpu.memory_space<hbm>>
        %dma_start3A_425 = arith.constant 0 : i32
        %dma_start3A_426 = tpu.memref_slice %arg4[%add3A, %add3A_421, %dma_start3A_425] : memref<32x108x96xi32, #tpu.memory_space<hbm>> -> memref<1x1x96xi32, #tpu.memory_space<hbm>>
        %dma_start3A_427 = tpu.memref_squeeze %dma_start3A_426 : memref<1x1x96xi32, #tpu.memory_space<hbm>> -> memref<96xi32, #tpu.memory_space<hbm>>
        tpu.enqueue_dma source(%dma_start3A_427 : memref<96xi32, #tpu.memory_space<hbm>>) target(%arg8 : memref<96xi32, #tpu.memory_space<vmem>>) target_semaphore(%arg25 : memref<!tpu.dma_semaphore, #tpu.memory_space<semaphore_mem>>)
        %add3A_428 = arith.constant 2 : i32
        %add3A_429 = arith.addi %add3A_94, %add3A_428 : i32
        %dma_start3A_430 = arith.constant 0 : i32
        %dma_start3A_431 = tpu.memref_slice %arg5[%add3A, %add3A_429, %dma_start3A_430] : memref<32x108x96xi32, #tpu.memory_space<hbm>> -> memref<1x1x96xi32, #tpu.memory_space<hbm>>
        %dma_start3A_432 = tpu.memref_squeeze %dma_start3A_431 : memref<1x1x96xi32, #tpu.memory_space<hbm>> -> memref<96xi32, #tpu.memory_space<hbm>>
        %dma_start3A_433 = arith.constant 0 : i32
        %dma_start3A_434 = tpu.memref_slice %arg5[%add3A, %add3A_429, %dma_start3A_433] : memref<32x108x96xi32, #tpu.memory_space<hbm>> -> memref<1x1x96xi32, #tpu.memory_space<hbm>>
        %dma_start3A_435 = tpu.memref_squeeze %dma_start3A_434 : memref<1x1x96xi32, #tpu.memory_space<hbm>> -> memref<96xi32, #tpu.memory_space<hbm>>
        tpu.enqueue_dma source(%dma_start3A_435 : memref<96xi32, #tpu.memory_space<hbm>>) target(%arg10 : memref<96xi32, #tpu.memory_space<vmem>>) target_semaphore(%arg25 : memref<!tpu.dma_semaphore, #tpu.memory_space<semaphore_mem>>)
      } else {
      }
      %mul3A_250 = arith.constant 2 : i32
      %mul3A_251 = arith.muli %scan3A_89, %mul3A_250 : i32
      %add3A_252 = arith.constant 1 : i32
      %add3A_253 = arith.addi %mul3A_251, %add3A_252 : i32
      %add3A_254 = arith.constant 1 : i32
      %add3A_255 = arith.addi %add3A_253, %add3A_254 : i32
      %lt3A_256 = arith.constant 108 : i32
      %lt3A_257 = arith.cmpi slt, %add3A_255, %lt3A_256 : i32
      %ge3A_258 = arith.constant 1 : i32
      %ge3A_259 = arith.cmpi sge, %add3A_253, %ge3A_258 : i32
      %and3A_260 = arith.andi %lt3A_257, %ge3A_259 : i1
      %convert_element_type3A_261 = arith.extui %and3A_260 : i1 to i32
      %cond3A_262 = arith.constant 0 : i32
      %cond3A_263 = arith.cmpi ne, %convert_element_type3A_261, %cond3A_262 : i32
      scf.if %cond3A_263 {
        %dma_wait3A_420 = arith.constant 0 : i32
        %dma_wait3A_421 = arith.constant 0 : i32
        %dma_wait3A_422 = tpu.memref_slice %arg21[%dma_wait3A_420, %dma_wait3A_421] : memref<10240x128xf32, #tpu.memory_space<vmem_shared>> -> memref<10240x128xf32, #tpu.memory_space<vmem_shared>>
        tpu.wait_indirect_dma semaphore(%arg27 : memref<!tpu.dma_semaphore, #tpu.memory_space<semaphore_mem>>) src(%arg14 : memref<96x128xf32, #tpu.memory_space<vmem>>) dst(%dma_wait3A_422 : memref<10240x128xf32, #tpu.memory_space<vmem_shared>>)
        %dma_wait3A_423 = arith.constant 0 : i32
        %dma_wait3A_424 = tpu.memref_slice %arg22[%dma_wait3A_423] : memref<10240xf32, #tpu.memory_space<vmem_shared>> -> memref<10240xf32, #tpu.memory_space<vmem_shared>>
        tpu.wait_indirect_dma semaphore(%arg27 : memref<!tpu.dma_semaphore, #tpu.memory_space<semaphore_mem>>) src(%arg16 : memref<96xf32, #tpu.memory_space<vmem>>) dst(%dma_wait3A_424 : memref<10240xf32, #tpu.memory_space<vmem_shared>>)
      } else {
      }
      %add3A_264 = arith.constant 1 : i32
      %add3A_265 = arith.addi %add3A_253, %add3A_264 : i32
      %lt3A_266 = arith.constant 108 : i32
      %lt3A_267 = arith.cmpi slt, %add3A_265, %lt3A_266 : i32
      %convert_element_type3A_268 = arith.extui %lt3A_267 : i1 to i32
      %cond3A_269 = arith.constant 0 : i32
      %cond3A_270 = arith.cmpi ne, %convert_element_type3A_268, %cond3A_269 : i32
      scf.if %cond3A_270 {
        %dma_wait3A_420 = arith.constant 0 : i32
        %dma_wait3A_421 = arith.constant 0 : i32
        %dma_wait3A_422 = tpu.memref_slice %arg4[%add3A, %dma_wait3A_420, %dma_wait3A_421] : memref<32x108x96xi32, #tpu.memory_space<hbm>> -> memref<1x1x96xi32, #tpu.memory_space<hbm>>
        %dma_wait3A_423 = tpu.memref_squeeze %dma_wait3A_422 : memref<1x1x96xi32, #tpu.memory_space<hbm>> -> memref<96xi32, #tpu.memory_space<hbm>>
        %dma_wait3A_424 = arith.constant 0 : i32
        %dma_wait3A_425 = tpu.memref_slice %arg4[%add3A, %dma_wait3A_420, %dma_wait3A_424] : memref<32x108x96xi32, #tpu.memory_space<hbm>> -> memref<1x1x96xi32, #tpu.memory_space<hbm>>
        %dma_wait3A_426 = tpu.memref_squeeze %dma_wait3A_425 : memref<1x1x96xi32, #tpu.memory_space<hbm>> -> memref<96xi32, #tpu.memory_space<hbm>>
        tpu.wait_dma2 semaphore(%arg25 : memref<!tpu.dma_semaphore, #tpu.memory_space<semaphore_mem>>) src(%dma_wait3A_426 : memref<96xi32, #tpu.memory_space<hbm>>) dst(%arg8 : memref<96xi32, #tpu.memory_space<vmem>>)
        %dma_wait3A_427 = arith.constant 0 : i32
        %dma_wait3A_428 = arith.constant 0 : i32
        %dma_wait3A_429 = tpu.memref_slice %arg5[%add3A, %dma_wait3A_427, %dma_wait3A_428] : memref<32x108x96xi32, #tpu.memory_space<hbm>> -> memref<1x1x96xi32, #tpu.memory_space<hbm>>
        %dma_wait3A_430 = tpu.memref_squeeze %dma_wait3A_429 : memref<1x1x96xi32, #tpu.memory_space<hbm>> -> memref<96xi32, #tpu.memory_space<hbm>>
        %dma_wait3A_431 = arith.constant 0 : i32
        %dma_wait3A_432 = tpu.memref_slice %arg5[%add3A, %dma_wait3A_427, %dma_wait3A_431] : memref<32x108x96xi32, #tpu.memory_space<hbm>> -> memref<1x1x96xi32, #tpu.memory_space<hbm>>
        %dma_wait3A_433 = tpu.memref_squeeze %dma_wait3A_432 : memref<1x1x96xi32, #tpu.memory_space<hbm>> -> memref<96xi32, #tpu.memory_space<hbm>>
        tpu.wait_dma2 semaphore(%arg25 : memref<!tpu.dma_semaphore, #tpu.memory_space<semaphore_mem>>) src(%dma_wait3A_433 : memref<96xi32, #tpu.memory_space<hbm>>) dst(%arg10 : memref<96xi32, #tpu.memory_space<vmem>>)
        %dma_start3A_434 = arith.constant 0 : i32
        %dma_start3A_435 = arith.constant 0 : i32
        %dma_start3A_436 = tpu.memref_slice %arg2[%dma_start3A_434, %dma_start3A_435] : memref<10000x128xf32, #tpu.memory_space<hbm>> -> memref<10000x128xf32, #tpu.memory_space<hbm>>
        tpu.enqueue_indirect_dma source(%dma_start3A_436 : memref<10000x128xf32, #tpu.memory_space<hbm>>) target(%arg14 : memref<96x128xf32, #tpu.memory_space<vmem>>) offsets(%arg8 : memref<96xi32, #tpu.memory_space<vmem>>) semaphore(%arg23 : memref<!tpu.dma_semaphore, #tpu.memory_space<semaphore_mem>>)
      } else {
      }
      %dma_wait3A_271 = arith.constant 0 : i32
      %dma_wait3A_272 = arith.constant 0 : i32
      %dma_wait3A_273 = tpu.memref_slice %arg2[%dma_wait3A_271, %dma_wait3A_272] : memref<10000x128xf32, #tpu.memory_space<hbm>> -> memref<10000x128xf32, #tpu.memory_space<hbm>>
      tpu.wait_indirect_dma semaphore(%arg24 : memref<!tpu.dma_semaphore, #tpu.memory_space<semaphore_mem>>) src(%dma_wait3A_273 : memref<10000x128xf32, #tpu.memory_space<hbm>>) dst(%arg15 : memref<96x128xf32, #tpu.memory_space<vmem>>)
      %get3A_274 = arith.constant 0 : index
      %get3A_275 = tpu.vector_load %arg9[%get3A_274] {strides = array<i32>} : memref<96xi32, #tpu.memory_space<vmem>>, vector<16xi32>,
      %get3A_276 = arith.constant 0 : index
      %get3A_277 = tpu.vector_load %arg11[%get3A_276] {strides = array<i32>} : memref<96xi32, #tpu.memory_space<vmem>>, vector<16xi32>,
      %gather3A_278 = tpu.vector_load_idx %arg18[%get3A_275] : memref<10240xf32, #tpu.memory_space<vmem>>[vector<16xi32>], vector<16xf32>,
      %gather3A_279 = tpu.vector_load_idx %arg19[%get3A_277] : memref<10240xf32, #tpu.memory_space<vmem>>[vector<16xi32>], vector<16xf32>,
      %add3A_280 = arith.addf %gather3A_278, %gather3A_279 : vector<16xf32>
      %ge3A_281 = arith.constant 0.000000e+00 : f32
      %ge3A_282 = vector.broadcast %ge3A_281 : f32 to vector<16xf32>
      %ge3A_283 = arith.cmpf oge, %add3A_280, %ge3A_282 : vector<16xf32>
      %mul3A_284 = arith.constant 2.000000e-01 : f32
      %mul3A_285 = vector.broadcast %mul3A_284 : f32 to vector<16xf32>
      %mul3A_286 = arith.mulf %add3A_280, %mul3A_285 : vector<16xf32>
      %select_n3A_287 = arith.select %ge3A_283, %add3A_280, %mul3A_286 : vector<16xi1>, vector<16xf32>
      %exp3A_288 = math.exp %select_n3A_287 : vector<16xf32>
      %swap3A_289 = arith.constant 0 : index
      %swap3A_290 = tpu.vector_load %arg17[%swap3A_289] {strides = array<i32>} : memref<96xf32, #tpu.memory_space<vmem>>, vector<16xf32>,
      tpu.vector_store %arg17[%swap3A_289], %exp3A_288 {strides = array<i32>} : memref<96xf32, #tpu.memory_space<vmem>>, vector<16xf32>,
      %get3A_291 = arith.constant 16 : index
      %get3A_292 = tpu.vector_load %arg9[%get3A_291] {strides = array<i32>} : memref<96xi32, #tpu.memory_space<vmem>>, vector<16xi32>,
      %get3A_293 = arith.constant 16 : index
      %get3A_294 = tpu.vector_load %arg11[%get3A_293] {strides = array<i32>} : memref<96xi32, #tpu.memory_space<vmem>>, vector<16xi32>,
      %gather3A_295 = tpu.vector_load_idx %arg18[%get3A_292] : memref<10240xf32, #tpu.memory_space<vmem>>[vector<16xi32>], vector<16xf32>,
      %gather3A_296 = tpu.vector_load_idx %arg19[%get3A_294] : memref<10240xf32, #tpu.memory_space<vmem>>[vector<16xi32>], vector<16xf32>,
      %add3A_297 = arith.addf %gather3A_295, %gather3A_296 : vector<16xf32>
      %ge3A_298 = arith.constant 0.000000e+00 : f32
      %ge3A_299 = vector.broadcast %ge3A_298 : f32 to vector<16xf32>
      %ge3A_300 = arith.cmpf oge, %add3A_297, %ge3A_299 : vector<16xf32>
      %mul3A_301 = arith.constant 2.000000e-01 : f32
      %mul3A_302 = vector.broadcast %mul3A_301 : f32 to vector<16xf32>
      %mul3A_303 = arith.mulf %add3A_297, %mul3A_302 : vector<16xf32>
      %select_n3A_304 = arith.select %ge3A_300, %add3A_297, %mul3A_303 : vector<16xi1>, vector<16xf32>
      %exp3A_305 = math.exp %select_n3A_304 : vector<16xf32>
      %swap3A_306 = arith.constant 16 : index
      %swap3A_307 = tpu.vector_load %arg17[%swap3A_306] {strides = array<i32>} : memref<96xf32, #tpu.memory_space<vmem>>, vector<16xf32>,
      tpu.vector_store %arg17[%swap3A_306], %exp3A_305 {strides = array<i32>} : memref<96xf32, #tpu.memory_space<vmem>>, vector<16xf32>,
      %get3A_308 = arith.constant 32 : index
      %get3A_309 = tpu.vector_load %arg9[%get3A_308] {strides = array<i32>} : memref<96xi32, #tpu.memory_space<vmem>>, vector<16xi32>,
      %get3A_310 = arith.constant 32 : index
      %get3A_311 = tpu.vector_load %arg11[%get3A_310] {strides = array<i32>} : memref<96xi32, #tpu.memory_space<vmem>>, vector<16xi32>,
      %gather3A_312 = tpu.vector_load_idx %arg18[%get3A_309] : memref<10240xf32, #tpu.memory_space<vmem>>[vector<16xi32>], vector<16xf32>,
      %gather3A_313 = tpu.vector_load_idx %arg19[%get3A_311] : memref<10240xf32, #tpu.memory_space<vmem>>[vector<16xi32>], vector<16xf32>,
      %add3A_314 = arith.addf %gather3A_312, %gather3A_313 : vector<16xf32>
      %ge3A_315 = arith.constant 0.000000e+00 : f32
      %ge3A_316 = vector.broadcast %ge3A_315 : f32 to vector<16xf32>
      %ge3A_317 = arith.cmpf oge, %add3A_314, %ge3A_316 : vector<16xf32>
      %mul3A_318 = arith.constant 2.000000e-01 : f32
      %mul3A_319 = vector.broadcast %mul3A_318 : f32 to vector<16xf32>
      %mul3A_320 = arith.mulf %add3A_314, %mul3A_319 : vector<16xf32>
      %select_n3A_321 = arith.select %ge3A_317, %add3A_314, %mul3A_320 : vector<16xi1>, vector<16xf32>
      %exp3A_322 = math.exp %select_n3A_321 : vector<16xf32>
      %swap3A_323 = arith.constant 32 : index
      %swap3A_324 = tpu.vector_load %arg17[%swap3A_323] {strides = array<i32>} : memref<96xf32, #tpu.memory_space<vmem>>, vector<16xf32>,
      tpu.vector_store %arg17[%swap3A_323], %exp3A_322 {strides = array<i32>} : memref<96xf32, #tpu.memory_space<vmem>>, vector<16xf32>,
      %get3A_325 = arith.constant 48 : index
      %get3A_326 = tpu.vector_load %arg9[%get3A_325] {strides = array<i32>} : memref<96xi32, #tpu.memory_space<vmem>>, vector<16xi32>,
      %get3A_327 = arith.constant 48 : index
      %get3A_328 = tpu.vector_load %arg11[%get3A_327] {strides = array<i32>} : memref<96xi32, #tpu.memory_space<vmem>>, vector<16xi32>,
      %gather3A_329 = tpu.vector_load_idx %arg18[%get3A_326] : memref<10240xf32, #tpu.memory_space<vmem>>[vector<16xi32>], vector<16xf32>,
      %gather3A_330 = tpu.vector_load_idx %arg19[%get3A_328] : memref<10240xf32, #tpu.memory_space<vmem>>[vector<16xi32>], vector<16xf32>,
      %add3A_331 = arith.addf %gather3A_329, %gather3A_330 : vector<16xf32>
      %ge3A_332 = arith.constant 0.000000e+00 : f32
      %ge3A_333 = vector.broadcast %ge3A_332 : f32 to vector<16xf32>
      %ge3A_334 = arith.cmpf oge, %add3A_331, %ge3A_333 : vector<16xf32>
      %mul3A_335 = arith.constant 2.000000e-01 : f32
      %mul3A_336 = vector.broadcast %mul3A_335 : f32 to vector<16xf32>
      %mul3A_337 = arith.mulf %add3A_331, %mul3A_336 : vector<16xf32>
      %select_n3A_338 = arith.select %ge3A_334, %add3A_331, %mul3A_337 : vector<16xi1>, vector<16xf32>
      %exp3A_339 = math.exp %select_n3A_338 : vector<16xf32>
      %swap3A_340 = arith.constant 48 : index
      %swap3A_341 = tpu.vector_load %arg17[%swap3A_340] {strides = array<i32>} : memref<96xf32, #tpu.memory_space<vmem>>, vector<16xf32>,
      tpu.vector_store %arg17[%swap3A_340], %exp3A_339 {strides = array<i32>} : memref<96xf32, #tpu.memory_space<vmem>>, vector<16xf32>,
      %get3A_342 = arith.constant 64 : index
      %get3A_343 = tpu.vector_load %arg9[%get3A_342] {strides = array<i32>} : memref<96xi32, #tpu.memory_space<vmem>>, vector<16xi32>,
      %get3A_344 = arith.constant 64 : index
      %get3A_345 = tpu.vector_load %arg11[%get3A_344] {strides = array<i32>} : memref<96xi32, #tpu.memory_space<vmem>>, vector<16xi32>,
      %gather3A_346 = tpu.vector_load_idx %arg18[%get3A_343] : memref<10240xf32, #tpu.memory_space<vmem>>[vector<16xi32>], vector<16xf32>,
      %gather3A_347 = tpu.vector_load_idx %arg19[%get3A_345] : memref<10240xf32, #tpu.memory_space<vmem>>[vector<16xi32>], vector<16xf32>,
      %add3A_348 = arith.addf %gather3A_346, %gather3A_347 : vector<16xf32>
      %ge3A_349 = arith.constant 0.000000e+00 : f32
      %ge3A_350 = vector.broadcast %ge3A_349 : f32 to vector<16xf32>
      %ge3A_351 = arith.cmpf oge, %add3A_348, %ge3A_350 : vector<16xf32>
      %mul3A_352 = arith.constant 2.000000e-01 : f32
      %mul3A_353 = vector.broadcast %mul3A_352 : f32 to vector<16xf32>
      %mul3A_354 = arith.mulf %add3A_348, %mul3A_353 : vector<16xf32>
      %select_n3A_355 = arith.select %ge3A_351, %add3A_348, %mul3A_354 : vector<16xi1>, vector<16xf32>
      %exp3A_356 = math.exp %select_n3A_355 : vector<16xf32>
      %swap3A_357 = arith.constant 64 : index
      %swap3A_358 = tpu.vector_load %arg17[%swap3A_357] {strides = array<i32>} : memref<96xf32, #tpu.memory_space<vmem>>, vector<16xf32>,
      tpu.vector_store %arg17[%swap3A_357], %exp3A_356 {strides = array<i32>} : memref<96xf32, #tpu.memory_space<vmem>>, vector<16xf32>,
      %get3A_359 = arith.constant 80 : index
      %get3A_360 = tpu.vector_load %arg9[%get3A_359] {strides = array<i32>} : memref<96xi32, #tpu.memory_space<vmem>>, vector<16xi32>,
      %get3A_361 = arith.constant 80 : index
      %get3A_362 = tpu.vector_load %arg11[%get3A_361] {strides = array<i32>} : memref<96xi32, #tpu.memory_space<vmem>>, vector<16xi32>,
      %gather3A_363 = tpu.vector_load_idx %arg18[%get3A_360] : memref<10240xf32, #tpu.memory_space<vmem>>[vector<16xi32>], vector<16xf32>,
      %gather3A_364 = tpu.vector_load_idx %arg19[%get3A_362] : memref<10240xf32, #tpu.memory_space<vmem>>[vector<16xi32>], vector<16xf32>,
      %add3A_365 = arith.addf %gather3A_363, %gather3A_364 : vector<16xf32>
      %ge3A_366 = arith.constant 0.000000e+00 : f32
      %ge3A_367 = vector.broadcast %ge3A_366 : f32 to vector<16xf32>
      %ge3A_368 = arith.cmpf oge, %add3A_365, %ge3A_367 : vector<16xf32>
      %mul3A_369 = arith.constant 2.000000e-01 : f32
      %mul3A_370 = vector.broadcast %mul3A_369 : f32 to vector<16xf32>
      %mul3A_371 = arith.mulf %add3A_365, %mul3A_370 : vector<16xf32>
      %select_n3A_372 = arith.select %ge3A_368, %add3A_365, %mul3A_371 : vector<16xi1>, vector<16xf32>
      %exp3A_373 = math.exp %select_n3A_372 : vector<16xf32>
      %swap3A_374 = arith.constant 80 : index
      %swap3A_375 = tpu.vector_load %arg17[%swap3A_374] {strides = array<i32>} : memref<96xf32, #tpu.memory_space<vmem>>, vector<16xf32>,
      tpu.vector_store %arg17[%swap3A_374], %exp3A_373 {strides = array<i32>} : memref<96xf32, #tpu.memory_space<vmem>>, vector<16xf32>,
      %scan3A_376 = arith.constant 0 : i32
      %scan3A_377 = arith.constant 0 : i32
      %scan3A_378 = arith.constant 96 : i32
      %scan3A_379 = arith.addi %scan3A_377, %scan3A_378 : i32
      %scan3A_380 = arith.constant 4 : i32
      %scan3A_381 = scf.for %scan3A_420 = %scan3A_377 to %scan3A_379 step %scan3A_380 iter_args(%scan3A_421 = %scan3A_376) -> (i32)  : i32 {
        %broadcast_in_dim3A_422 = arith.constant 0 : i32
        %broadcast_in_dim3A_423 = vector.broadcast %broadcast_in_dim3A_422 : i32 to vector<16xi32>
        %add3A_424 = vector.broadcast %scan3A_420 : i32 to vector<16xi32>
        %add3A_425 = arith.addi %broadcast_in_dim3A_423, %add3A_424 : vector<16xi32>
        %gather3A_426 = tpu.vector_load_idx %arg17[%add3A_425] : memref<96xf32, #tpu.memory_space<vmem>>[vector<16xi32>], vector<16xf32>,
        %get3A_427 = arith.index_cast %scan3A_420 : i32 to index
        %get3A_428 = arith.constant 0 : index
        %get3A_429 = tpu.vector_load %arg15[%get3A_427, %get3A_428] {strides = array<i32>} : memref<96x128xf32, #tpu.memory_space<vmem>>, vector<16xf32>,
        %mul3A_430 = arith.mulf %get3A_429, %gather3A_426 : vector<16xf32>
        %swap3A_431 = arith.index_cast %scan3A_420 : i32 to index
        %swap3A_432 = arith.constant 0 : index
        %swap3A_433 = tpu.vector_load %arg15[%swap3A_431, %swap3A_432] {strides = array<i32>} : memref<96x128xf32, #tpu.memory_space<vmem>>, vector<16xf32>,
        tpu.vector_store %arg15[%swap3A_431, %swap3A_432], %mul3A_430 {strides = array<i32>} : memref<96x128xf32, #tpu.memory_space<vmem>>, vector<16xf32>,
        %get3A_434 = arith.index_cast %scan3A_420 : i32 to index
        %get3A_435 = arith.constant 16 : index
        %get3A_436 = tpu.vector_load %arg15[%get3A_434, %get3A_435] {strides = array<i32>} : memref<96x128xf32, #tpu.memory_space<vmem>>, vector<16xf32>,
        %mul3A_437 = arith.mulf %get3A_436, %gather3A_426 : vector<16xf32>
        %swap3A_438 = arith.index_cast %scan3A_420 : i32 to index
        %swap3A_439 = arith.constant 16 : index
        %swap3A_440 = tpu.vector_load %arg15[%swap3A_438, %swap3A_439] {strides = array<i32>} : memref<96x128xf32, #tpu.memory_space<vmem>>, vector<16xf32>,
        tpu.vector_store %arg15[%swap3A_438, %swap3A_439], %mul3A_437 {strides = array<i32>} : memref<96x128xf32, #tpu.memory_space<vmem>>, vector<16xf32>,
        %get3A_441 = arith.index_cast %scan3A_420 : i32 to index
        %get3A_442 = arith.constant 32 : index
        %get3A_443 = tpu.vector_load %arg15[%get3A_441, %get3A_442] {strides = array<i32>} : memref<96x128xf32, #tpu.memory_space<vmem>>, vector<16xf32>,
        %mul3A_444 = arith.mulf %get3A_443, %gather3A_426 : vector<16xf32>
        %swap3A_445 = arith.index_cast %scan3A_420 : i32 to index
        %swap3A_446 = arith.constant 32 : index
        %swap3A_447 = tpu.vector_load %arg15[%swap3A_445, %swap3A_446] {strides = array<i32>} : memref<96x128xf32, #tpu.memory_space<vmem>>, vector<16xf32>,
        tpu.vector_store %arg15[%swap3A_445, %swap3A_446], %mul3A_444 {strides = array<i32>} : memref<96x128xf32, #tpu.memory_space<vmem>>, vector<16xf32>,
        %get3A_448 = arith.index_cast %scan3A_420 : i32 to index
        %get3A_449 = arith.constant 48 : index
        %get3A_450 = tpu.vector_load %arg15[%get3A_448, %get3A_449] {strides = array<i32>} : memref<96x128xf32, #tpu.memory_space<vmem>>, vector<16xf32>,
        %mul3A_451 = arith.mulf %get3A_450, %gather3A_426 : vector<16xf32>
        %swap3A_452 = arith.index_cast %scan3A_420 : i32 to index
        %swap3A_453 = arith.constant 48 : index
        %swap3A_454 = tpu.vector_load %arg15[%swap3A_452, %swap3A_453] {strides = array<i32>} : memref<96x128xf32, #tpu.memory_space<vmem>>, vector<16xf32>,
        tpu.vector_store %arg15[%swap3A_452, %swap3A_453], %mul3A_451 {strides = array<i32>} : memref<96x128xf32, #tpu.memory_space<vmem>>, vector<16xf32>,
        %get3A_455 = arith.index_cast %scan3A_420 : i32 to index
        %get3A_456 = arith.constant 64 : index
        %get3A_457 = tpu.vector_load %arg15[%get3A_455, %get3A_456] {strides = array<i32>} : memref<96x128xf32, #tpu.memory_space<vmem>>, vector<16xf32>,
        %mul3A_458 = arith.mulf %get3A_457, %gather3A_426 : vector<16xf32>
        %swap3A_459 = arith.index_cast %scan3A_420 : i32 to index
        %swap3A_460 = arith.constant 64 : index
        %swap3A_461 = tpu.vector_load %arg15[%swap3A_459, %swap3A_460] {strides = array<i32>} : memref<96x128xf32, #tpu.memory_space<vmem>>, vector<16xf32>,
        tpu.vector_store %arg15[%swap3A_459, %swap3A_460], %mul3A_458 {strides = array<i32>} : memref<96x128xf32, #tpu.memory_space<vmem>>, vector<16xf32>,
        %get3A_462 = arith.index_cast %scan3A_420 : i32 to index
        %get3A_463 = arith.constant 80 : index
        %get3A_464 = tpu.vector_load %arg15[%get3A_462, %get3A_463] {strides = array<i32>} : memref<96x128xf32, #tpu.memory_space<vmem>>, vector<16xf32>,
        %mul3A_465 = arith.mulf %get3A_464, %gather3A_426 : vector<16xf32>
        %swap3A_466 = arith.index_cast %scan3A_420 : i32 to index
        %swap3A_467 = arith.constant 80 : index
        %swap3A_468 = tpu.vector_load %arg15[%swap3A_466, %swap3A_467] {strides = array<i32>} : memref<96x128xf32, #tpu.memory_space<vmem>>, vector<16xf32>,
        tpu.vector_store %arg15[%swap3A_466, %swap3A_467], %mul3A_465 {strides = array<i32>} : memref<96x128xf32, #tpu.memory_space<vmem>>, vector<16xf32>,
        %get3A_469 = arith.index_cast %scan3A_420 : i32 to index
        %get3A_470 = arith.constant 96 : index
        %get3A_471 = tpu.vector_load %arg15[%get3A_469, %get3A_470] {strides = array<i32>} : memref<96x128xf32, #tpu.memory_space<vmem>>, vector<16xf32>,
        %mul3A_472 = arith.mulf %get3A_471, %gather3A_426 : vector<16xf32>
        %swap3A_473 = arith.index_cast %scan3A_420 : i32 to index
        %swap3A_474 = arith.constant 96 : index
        %swap3A_475 = tpu.vector_load %arg15[%swap3A_473, %swap3A_474] {strides = array<i32>} : memref<96x128xf32, #tpu.memory_space<vmem>>, vector<16xf32>,
        tpu.vector_store %arg15[%swap3A_473, %swap3A_474], %mul3A_472 {strides = array<i32>} : memref<96x128xf32, #tpu.memory_space<vmem>>, vector<16xf32>,
        %get3A_476 = arith.index_cast %scan3A_420 : i32 to index
        %get3A_477 = arith.constant 112 : index
        %get3A_478 = tpu.vector_load %arg15[%get3A_476, %get3A_477] {strides = array<i32>} : memref<96x128xf32, #tpu.memory_space<vmem>>, vector<16xf32>,
        %mul3A_479 = arith.mulf %get3A_478, %gather3A_426 : vector<16xf32>
        %swap3A_480 = arith.index_cast %scan3A_420 : i32 to index
        %swap3A_481 = arith.constant 112 : index
        %swap3A_482 = tpu.vector_load %arg15[%swap3A_480, %swap3A_481] {strides = array<i32>} : memref<96x128xf32, #tpu.memory_space<vmem>>, vector<16xf32>,
        tpu.vector_store %arg15[%swap3A_480, %swap3A_481], %mul3A_479 {strides = array<i32>} : memref<96x128xf32, #tpu.memory_space<vmem>>, vector<16xf32>,
        %scan3A_483 = arith.constant 0 : i32
        %scan3A_484 = arith.constant 1 : i32
        %scan3A_485 = arith.addi %scan3A_420, %scan3A_484 : i32
        %broadcast_in_dim3A_486 = arith.constant 0 : i32
        %broadcast_in_dim3A_487 = vector.broadcast %broadcast_in_dim3A_486 : i32 to vector<16xi32>
        %add3A_488 = vector.broadcast %scan3A_485 : i32 to vector<16xi32>
        %add3A_489 = arith.addi %broadcast_in_dim3A_487, %add3A_488 : vector<16xi32>
        %gather3A_490 = tpu.vector_load_idx %arg17[%add3A_489] : memref<96xf32, #tpu.memory_space<vmem>>[vector<16xi32>], vector<16xf32>,
        %get3A_491 = arith.index_cast %scan3A_485 : i32 to index
        %get3A_492 = arith.constant 0 : index
        %get3A_493 = tpu.vector_load %arg15[%get3A_491, %get3A_492] {strides = array<i32>} : memref<96x128xf32, #tpu.memory_space<vmem>>, vector<16xf32>,
        %mul3A_494 = arith.mulf %get3A_493, %gather3A_490 : vector<16xf32>
        %swap3A_495 = arith.index_cast %scan3A_485 : i32 to index
        %swap3A_496 = arith.constant 0 : index
        %swap3A_497 = tpu.vector_load %arg15[%swap3A_495, %swap3A_496] {strides = array<i32>} : memref<96x128xf32, #tpu.memory_space<vmem>>, vector<16xf32>,
        tpu.vector_store %arg15[%swap3A_495, %swap3A_496], %mul3A_494 {strides = array<i32>} : memref<96x128xf32, #tpu.memory_space<vmem>>, vector<16xf32>,
        %get3A_498 = arith.index_cast %scan3A_485 : i32 to index
        %get3A_499 = arith.constant 16 : index
        %get3A_500 = tpu.vector_load %arg15[%get3A_498, %get3A_499] {strides = array<i32>} : memref<96x128xf32, #tpu.memory_space<vmem>>, vector<16xf32>,
        %mul3A_501 = arith.mulf %get3A_500, %gather3A_490 : vector<16xf32>
        %swap3A_502 = arith.index_cast %scan3A_485 : i32 to index
        %swap3A_503 = arith.constant 16 : index
        %swap3A_504 = tpu.vector_load %arg15[%swap3A_502, %swap3A_503] {strides = array<i32>} : memref<96x128xf32, #tpu.memory_space<vmem>>, vector<16xf32>,
        tpu.vector_store %arg15[%swap3A_502, %swap3A_503], %mul3A_501 {strides = array<i32>} : memref<96x128xf32, #tpu.memory_space<vmem>>, vector<16xf32>,
        %get3A_505 = arith.index_cast %scan3A_485 : i32 to index
        %get3A_506 = arith.constant 32 : index
        %get3A_507 = tpu.vector_load %arg15[%get3A_505, %get3A_506] {strides = array<i32>} : memref<96x128xf32, #tpu.memory_space<vmem>>, vector<16xf32>,
        %mul3A_508 = arith.mulf %get3A_507, %gather3A_490 : vector<16xf32>
        %swap3A_509 = arith.index_cast %scan3A_485 : i32 to index
        %swap3A_510 = arith.constant 32 : index
        %swap3A_511 = tpu.vector_load %arg15[%swap3A_509, %swap3A_510] {strides = array<i32>} : memref<96x128xf32, #tpu.memory_space<vmem>>, vector<16xf32>,
        tpu.vector_store %arg15[%swap3A_509, %swap3A_510], %mul3A_508 {strides = array<i32>} : memref<96x128xf32, #tpu.memory_space<vmem>>, vector<16xf32>,
        %get3A_512 = arith.index_cast %scan3A_485 : i32 to index
        %get3A_513 = arith.constant 48 : index
        %get3A_514 = tpu.vector_load %arg15[%get3A_512, %get3A_513] {strides = array<i32>} : memref<96x128xf32, #tpu.memory_space<vmem>>, vector<16xf32>,
        %mul3A_515 = arith.mulf %get3A_514, %gather3A_490 : vector<16xf32>
        %swap3A_516 = arith.index_cast %scan3A_485 : i32 to index
        %swap3A_517 = arith.constant 48 : index
        %swap3A_518 = tpu.vector_load %arg15[%swap3A_516, %swap3A_517] {strides = array<i32>} : memref<96x128xf32, #tpu.memory_space<vmem>>, vector<16xf32>,
        tpu.vector_store %arg15[%swap3A_516, %swap3A_517], %mul3A_515 {strides = array<i32>} : memref<96x128xf32, #tpu.memory_space<vmem>>, vector<16xf32>,
        %get3A_519 = arith.index_cast %scan3A_485 : i32 to index
        %get3A_520 = arith.constant 64 : index
        %get3A_521 = tpu.vector_load %arg15[%get3A_519, %get3A_520] {strides = array<i32>} : memref<96x128xf32, #tpu.memory_space<vmem>>, vector<16xf32>,
        %mul3A_522 = arith.mulf %get3A_521, %gather3A_490 : vector<16xf32>
        %swap3A_523 = arith.index_cast %scan3A_485 : i32 to index
        %swap3A_524 = arith.constant 64 : index
        %swap3A_525 = tpu.vector_load %arg15[%swap3A_523, %swap3A_524] {strides = array<i32>} : memref<96x128xf32, #tpu.memory_space<vmem>>, vector<16xf32>,
        tpu.vector_store %arg15[%swap3A_523, %swap3A_524], %mul3A_522 {strides = array<i32>} : memref<96x128xf32, #tpu.memory_space<vmem>>, vector<16xf32>,
        %get3A_526 = arith.index_cast %scan3A_485 : i32 to index
        %get3A_527 = arith.constant 80 : index
        %get3A_528 = tpu.vector_load %arg15[%get3A_526, %get3A_527] {strides = array<i32>} : memref<96x128xf32, #tpu.memory_space<vmem>>, vector<16xf32>,
        %mul3A_529 = arith.mulf %get3A_528, %gather3A_490 : vector<16xf32>
        %swap3A_530 = arith.index_cast %scan3A_485 : i32 to index
        %swap3A_531 = arith.constant 80 : index
        %swap3A_532 = tpu.vector_load %arg15[%swap3A_530, %swap3A_531] {strides = array<i32>} : memref<96x128xf32, #tpu.memory_space<vmem>>, vector<16xf32>,
        tpu.vector_store %arg15[%swap3A_530, %swap3A_531], %mul3A_529 {strides = array<i32>} : memref<96x128xf32, #tpu.memory_space<vmem>>, vector<16xf32>,
        %get3A_533 = arith.index_cast %scan3A_485 : i32 to index
        %get3A_534 = arith.constant 96 : index
        %get3A_535 = tpu.vector_load %arg15[%get3A_533, %get3A_534] {strides = array<i32>} : memref<96x128xf32, #tpu.memory_space<vmem>>, vector<16xf32>,
        %mul3A_536 = arith.mulf %get3A_535, %gather3A_490 : vector<16xf32>
        %swap3A_537 = arith.index_cast %scan3A_485 : i32 to index
        %swap3A_538 = arith.constant 96 : index
        %swap3A_539 = tpu.vector_load %arg15[%swap3A_537, %swap3A_538] {strides = array<i32>} : memref<96x128xf32, #tpu.memory_space<vmem>>, vector<16xf32>,
        tpu.vector_store %arg15[%swap3A_537, %swap3A_538], %mul3A_536 {strides = array<i32>} : memref<96x128xf32, #tpu.memory_space<vmem>>, vector<16xf32>,
        %get3A_540 = arith.index_cast %scan3A_485 : i32 to index
        %get3A_541 = arith.constant 112 : index
        %get3A_542 = tpu.vector_load %arg15[%get3A_540, %get3A_541] {strides = array<i32>} : memref<96x128xf32, #tpu.memory_space<vmem>>, vector<16xf32>,
        %mul3A_543 = arith.mulf %get3A_542, %gather3A_490 : vector<16xf32>
        %swap3A_544 = arith.index_cast %scan3A_485 : i32 to index
        %swap3A_545 = arith.constant 112 : index
        %swap3A_546 = tpu.vector_load %arg15[%swap3A_544, %swap3A_545] {strides = array<i32>} : memref<96x128xf32, #tpu.memory_space<vmem>>, vector<16xf32>,
        tpu.vector_store %arg15[%swap3A_544, %swap3A_545], %mul3A_543 {strides = array<i32>} : memref<96x128xf32, #tpu.memory_space<vmem>>, vector<16xf32>,
        %scan3A_547 = arith.constant 0 : i32
        %scan3A_548 = arith.constant 2 : i32
        %scan3A_549 = arith.addi %scan3A_420, %scan3A_548 : i32
        %broadcast_in_dim3A_550 = arith.constant 0 : i32
        %broadcast_in_dim3A_551 = vector.broadcast %broadcast_in_dim3A_550 : i32 to vector<16xi32>
        %add3A_552 = vector.broadcast %scan3A_549 : i32 to vector<16xi32>
        %add3A_553 = arith.addi %broadcast_in_dim3A_551, %add3A_552 : vector<16xi32>
        %gather3A_554 = tpu.vector_load_idx %arg17[%add3A_553] : memref<96xf32, #tpu.memory_space<vmem>>[vector<16xi32>], vector<16xf32>,
        %get3A_555 = arith.index_cast %scan3A_549 : i32 to index
        %get3A_556 = arith.constant 0 : index
        %get3A_557 = tpu.vector_load %arg15[%get3A_555, %get3A_556] {strides = array<i32>} : memref<96x128xf32, #tpu.memory_space<vmem>>, vector<16xf32>,
        %mul3A_558 = arith.mulf %get3A_557, %gather3A_554 : vector<16xf32>
        %swap3A_559 = arith.index_cast %scan3A_549 : i32 to index
        %swap3A_560 = arith.constant 0 : index
        %swap3A_561 = tpu.vector_load %arg15[%swap3A_559, %swap3A_560] {strides = array<i32>} : memref<96x128xf32, #tpu.memory_space<vmem>>, vector<16xf32>,
        tpu.vector_store %arg15[%swap3A_559, %swap3A_560], %mul3A_558 {strides = array<i32>} : memref<96x128xf32, #tpu.memory_space<vmem>>, vector<16xf32>,
        %get3A_562 = arith.index_cast %scan3A_549 : i32 to index
        %get3A_563 = arith.constant 16 : index
        %get3A_564 = tpu.vector_load %arg15[%get3A_562, %get3A_563] {strides = array<i32>} : memref<96x128xf32, #tpu.memory_space<vmem>>, vector<16xf32>,
        %mul3A_565 = arith.mulf %get3A_564, %gather3A_554 : vector<16xf32>
        %swap3A_566 = arith.index_cast %scan3A_549 : i32 to index
        %swap3A_567 = arith.constant 16 : index
        %swap3A_568 = tpu.vector_load %arg15[%swap3A_566, %swap3A_567] {strides = array<i32>} : memref<96x128xf32, #tpu.memory_space<vmem>>, vector<16xf32>,
        tpu.vector_store %arg15[%swap3A_566, %swap3A_567], %mul3A_565 {strides = array<i32>} : memref<96x128xf32, #tpu.memory_space<vmem>>, vector<16xf32>,
        %get3A_569 = arith.index_cast %scan3A_549 : i32 to index
        %get3A_570 = arith.constant 32 : index
        %get3A_571 = tpu.vector_load %arg15[%get3A_569, %get3A_570] {strides = array<i32>} : memref<96x128xf32, #tpu.memory_space<vmem>>, vector<16xf32>,
        %mul3A_572 = arith.mulf %get3A_571, %gather3A_554 : vector<16xf32>
        %swap3A_573 = arith.index_cast %scan3A_549 : i32 to index
        %swap3A_574 = arith.constant 32 : index
        %swap3A_575 = tpu.vector_load %arg15[%swap3A_573, %swap3A_574] {strides = array<i32>} : memref<96x128xf32, #tpu.memory_space<vmem>>, vector<16xf32>,
        tpu.vector_store %arg15[%swap3A_573, %swap3A_574], %mul3A_572 {strides = array<i32>} : memref<96x128xf32, #tpu.memory_space<vmem>>, vector<16xf32>,
        %get3A_576 = arith.index_cast %scan3A_549 : i32 to index
        %get3A_577 = arith.constant 48 : index
        %get3A_578 = tpu.vector_load %arg15[%get3A_576, %get3A_577] {strides = array<i32>} : memref<96x128xf32, #tpu.memory_space<vmem>>, vector<16xf32>,
        %mul3A_579 = arith.mulf %get3A_578, %gather3A_554 : vector<16xf32>
        %swap3A_580 = arith.index_cast %scan3A_549 : i32 to index
        %swap3A_581 = arith.constant 48 : index
        %swap3A_582 = tpu.vector_load %arg15[%swap3A_580, %swap3A_581] {strides = array<i32>} : memref<96x128xf32, #tpu.memory_space<vmem>>, vector<16xf32>,
        tpu.vector_store %arg15[%swap3A_580, %swap3A_581], %mul3A_579 {strides = array<i32>} : memref<96x128xf32, #tpu.memory_space<vmem>>, vector<16xf32>,
        %get3A_583 = arith.index_cast %scan3A_549 : i32 to index
        %get3A_584 = arith.constant 64 : index
        %get3A_585 = tpu.vector_load %arg15[%get3A_583, %get3A_584] {strides = array<i32>} : memref<96x128xf32, #tpu.memory_space<vmem>>, vector<16xf32>,
        %mul3A_586 = arith.mulf %get3A_585, %gather3A_554 : vector<16xf32>
        %swap3A_587 = arith.index_cast %scan3A_549 : i32 to index
        %swap3A_588 = arith.constant 64 : index
        %swap3A_589 = tpu.vector_load %arg15[%swap3A_587, %swap3A_588] {strides = array<i32>} : memref<96x128xf32, #tpu.memory_space<vmem>>, vector<16xf32>,
        tpu.vector_store %arg15[%swap3A_587, %swap3A_588], %mul3A_586 {strides = array<i32>} : memref<96x128xf32, #tpu.memory_space<vmem>>, vector<16xf32>,
        %get3A_590 = arith.index_cast %scan3A_549 : i32 to index
        %get3A_591 = arith.constant 80 : index
        %get3A_592 = tpu.vector_load %arg15[%get3A_590, %get3A_591] {strides = array<i32>} : memref<96x128xf32, #tpu.memory_space<vmem>>, vector<16xf32>,
        %mul3A_593 = arith.mulf %get3A_592, %gather3A_554 : vector<16xf32>
        %swap3A_594 = arith.index_cast %scan3A_549 : i32 to index
        %swap3A_595 = arith.constant 80 : index
        %swap3A_596 = tpu.vector_load %arg15[%swap3A_594, %swap3A_595] {strides = array<i32>} : memref<96x128xf32, #tpu.memory_space<vmem>>, vector<16xf32>,
        tpu.vector_store %arg15[%swap3A_594, %swap3A_595], %mul3A_593 {strides = array<i32>} : memref<96x128xf32, #tpu.memory_space<vmem>>, vector<16xf32>,
        %get3A_597 = arith.index_cast %scan3A_549 : i32 to index
        %get3A_598 = arith.constant 96 : index
        %get3A_599 = tpu.vector_load %arg15[%get3A_597, %get3A_598] {strides = array<i32>} : memref<96x128xf32, #tpu.memory_space<vmem>>, vector<16xf32>,
        %mul3A_600 = arith.mulf %get3A_599, %gather3A_554 : vector<16xf32>
        %swap3A_601 = arith.index_cast %scan3A_549 : i32 to index
        %swap3A_602 = arith.constant 96 : index
        %swap3A_603 = tpu.vector_load %arg15[%swap3A_601, %swap3A_602] {strides = array<i32>} : memref<96x128xf32, #tpu.memory_space<vmem>>, vector<16xf32>,
        tpu.vector_store %arg15[%swap3A_601, %swap3A_602], %mul3A_600 {strides = array<i32>} : memref<96x128xf32, #tpu.memory_space<vmem>>, vector<16xf32>,
        %get3A_604 = arith.index_cast %scan3A_549 : i32 to index
        %get3A_605 = arith.constant 112 : index
        %get3A_606 = tpu.vector_load %arg15[%get3A_604, %get3A_605] {strides = array<i32>} : memref<96x128xf32, #tpu.memory_space<vmem>>, vector<16xf32>,
        %mul3A_607 = arith.mulf %get3A_606, %gather3A_554 : vector<16xf32>
        %swap3A_608 = arith.index_cast %scan3A_549 : i32 to index
        %swap3A_609 = arith.constant 112 : index
        %swap3A_610 = tpu.vector_load %arg15[%swap3A_608, %swap3A_609] {strides = array<i32>} : memref<96x128xf32, #tpu.memory_space<vmem>>, vector<16xf32>,
        tpu.vector_store %arg15[%swap3A_608, %swap3A_609], %mul3A_607 {strides = array<i32>} : memref<96x128xf32, #tpu.memory_space<vmem>>, vector<16xf32>,
        %scan3A_611 = arith.constant 0 : i32
        %scan3A_612 = arith.constant 3 : i32
        %scan3A_613 = arith.addi %scan3A_420, %scan3A_612 : i32
        %broadcast_in_dim3A_614 = arith.constant 0 : i32
        %broadcast_in_dim3A_615 = vector.broadcast %broadcast_in_dim3A_614 : i32 to vector<16xi32>
        %add3A_616 = vector.broadcast %scan3A_613 : i32 to vector<16xi32>
        %add3A_617 = arith.addi %broadcast_in_dim3A_615, %add3A_616 : vector<16xi32>
        %gather3A_618 = tpu.vector_load_idx %arg17[%add3A_617] : memref<96xf32, #tpu.memory_space<vmem>>[vector<16xi32>], vector<16xf32>,
        %get3A_619 = arith.index_cast %scan3A_613 : i32 to index
        %get3A_620 = arith.constant 0 : index
        %get3A_621 = tpu.vector_load %arg15[%get3A_619, %get3A_620] {strides = array<i32>} : memref<96x128xf32, #tpu.memory_space<vmem>>, vector<16xf32>,
        %mul3A_622 = arith.mulf %get3A_621, %gather3A_618 : vector<16xf32>
        %swap3A_623 = arith.index_cast %scan3A_613 : i32 to index
        %swap3A_624 = arith.constant 0 : index
        %swap3A_625 = tpu.vector_load %arg15[%swap3A_623, %swap3A_624] {strides = array<i32>} : memref<96x128xf32, #tpu.memory_space<vmem>>, vector<16xf32>,
        tpu.vector_store %arg15[%swap3A_623, %swap3A_624], %mul3A_622 {strides = array<i32>} : memref<96x128xf32, #tpu.memory_space<vmem>>, vector<16xf32>,
        %get3A_626 = arith.index_cast %scan3A_613 : i32 to index
        %get3A_627 = arith.constant 16 : index
        %get3A_628 = tpu.vector_load %arg15[%get3A_626, %get3A_627] {strides = array<i32>} : memref<96x128xf32, #tpu.memory_space<vmem>>, vector<16xf32>,
        %mul3A_629 = arith.mulf %get3A_628, %gather3A_618 : vector<16xf32>
        %swap3A_630 = arith.index_cast %scan3A_613 : i32 to index
        %swap3A_631 = arith.constant 16 : index
        %swap3A_632 = tpu.vector_load %arg15[%swap3A_630, %swap3A_631] {strides = array<i32>} : memref<96x128xf32, #tpu.memory_space<vmem>>, vector<16xf32>,
        tpu.vector_store %arg15[%swap3A_630, %swap3A_631], %mul3A_629 {strides = array<i32>} : memref<96x128xf32, #tpu.memory_space<vmem>>, vector<16xf32>,
        %get3A_633 = arith.index_cast %scan3A_613 : i32 to index
        %get3A_634 = arith.constant 32 : index
        %get3A_635 = tpu.vector_load %arg15[%get3A_633, %get3A_634] {strides = array<i32>} : memref<96x128xf32, #tpu.memory_space<vmem>>, vector<16xf32>,
        %mul3A_636 = arith.mulf %get3A_635, %gather3A_618 : vector<16xf32>
        %swap3A_637 = arith.index_cast %scan3A_613 : i32 to index
        %swap3A_638 = arith.constant 32 : index
        %swap3A_639 = tpu.vector_load %arg15[%swap3A_637, %swap3A_638] {strides = array<i32>} : memref<96x128xf32, #tpu.memory_space<vmem>>, vector<16xf32>,
        tpu.vector_store %arg15[%swap3A_637, %swap3A_638], %mul3A_636 {strides = array<i32>} : memref<96x128xf32, #tpu.memory_space<vmem>>, vector<16xf32>,
        %get3A_640 = arith.index_cast %scan3A_613 : i32 to index
        %get3A_641 = arith.constant 48 : index
        %get3A_642 = tpu.vector_load %arg15[%get3A_640, %get3A_641] {strides = array<i32>} : memref<96x128xf32, #tpu.memory_space<vmem>>, vector<16xf32>,
        %mul3A_643 = arith.mulf %get3A_642, %gather3A_618 : vector<16xf32>
        %swap3A_644 = arith.index_cast %scan3A_613 : i32 to index
        %swap3A_645 = arith.constant 48 : index
        %swap3A_646 = tpu.vector_load %arg15[%swap3A_644, %swap3A_645] {strides = array<i32>} : memref<96x128xf32, #tpu.memory_space<vmem>>, vector<16xf32>,
        tpu.vector_store %arg15[%swap3A_644, %swap3A_645], %mul3A_643 {strides = array<i32>} : memref<96x128xf32, #tpu.memory_space<vmem>>, vector<16xf32>,
        %get3A_647 = arith.index_cast %scan3A_613 : i32 to index
        %get3A_648 = arith.constant 64 : index
        %get3A_649 = tpu.vector_load %arg15[%get3A_647, %get3A_648] {strides = array<i32>} : memref<96x128xf32, #tpu.memory_space<vmem>>, vector<16xf32>,
        %mul3A_650 = arith.mulf %get3A_649, %gather3A_618 : vector<16xf32>
        %swap3A_651 = arith.index_cast %scan3A_613 : i32 to index
        %swap3A_652 = arith.constant 64 : index
        %swap3A_653 = tpu.vector_load %arg15[%swap3A_651, %swap3A_652] {strides = array<i32>} : memref<96x128xf32, #tpu.memory_space<vmem>>, vector<16xf32>,
        tpu.vector_store %arg15[%swap3A_651, %swap3A_652], %mul3A_650 {strides = array<i32>} : memref<96x128xf32, #tpu.memory_space<vmem>>, vector<16xf32>,
        %get3A_654 = arith.index_cast %scan3A_613 : i32 to index
        %get3A_655 = arith.constant 80 : index
        %get3A_656 = tpu.vector_load %arg15[%get3A_654, %get3A_655] {strides = array<i32>} : memref<96x128xf32, #tpu.memory_space<vmem>>, vector<16xf32>,
        %mul3A_657 = arith.mulf %get3A_656, %gather3A_618 : vector<16xf32>
        %swap3A_658 = arith.index_cast %scan3A_613 : i32 to index
        %swap3A_659 = arith.constant 80 : index
        %swap3A_660 = tpu.vector_load %arg15[%swap3A_658, %swap3A_659] {strides = array<i32>} : memref<96x128xf32, #tpu.memory_space<vmem>>, vector<16xf32>,
        tpu.vector_store %arg15[%swap3A_658, %swap3A_659], %mul3A_657 {strides = array<i32>} : memref<96x128xf32, #tpu.memory_space<vmem>>, vector<16xf32>,
        %get3A_661 = arith.index_cast %scan3A_613 : i32 to index
        %get3A_662 = arith.constant 96 : index
        %get3A_663 = tpu.vector_load %arg15[%get3A_661, %get3A_662] {strides = array<i32>} : memref<96x128xf32, #tpu.memory_space<vmem>>, vector<16xf32>,
        %mul3A_664 = arith.mulf %get3A_663, %gather3A_618 : vector<16xf32>
        %swap3A_665 = arith.index_cast %scan3A_613 : i32 to index
        %swap3A_666 = arith.constant 96 : index
        %swap3A_667 = tpu.vector_load %arg15[%swap3A_665, %swap3A_666] {strides = array<i32>} : memref<96x128xf32, #tpu.memory_space<vmem>>, vector<16xf32>,
        tpu.vector_store %arg15[%swap3A_665, %swap3A_666], %mul3A_664 {strides = array<i32>} : memref<96x128xf32, #tpu.memory_space<vmem>>, vector<16xf32>,
        %get3A_668 = arith.index_cast %scan3A_613 : i32 to index
        %get3A_669 = arith.constant 112 : index
        %get3A_670 = tpu.vector_load %arg15[%get3A_668, %get3A_669] {strides = array<i32>} : memref<96x128xf32, #tpu.memory_space<vmem>>, vector<16xf32>,
        %mul3A_671 = arith.mulf %get3A_670, %gather3A_618 : vector<16xf32>
        %swap3A_672 = arith.index_cast %scan3A_613 : i32 to index
        %swap3A_673 = arith.constant 112 : index
        %swap3A_674 = tpu.vector_load %arg15[%swap3A_672, %swap3A_673] {strides = array<i32>} : memref<96x128xf32, #tpu.memory_space<vmem>>, vector<16xf32>,
        tpu.vector_store %arg15[%swap3A_672, %swap3A_673], %mul3A_671 {strides = array<i32>} : memref<96x128xf32, #tpu.memory_space<vmem>>, vector<16xf32>,
        %scan3A_675 = arith.constant 0 : i32
        scf.yield %scan3A_675 : i32
      }
      %scan3A_382 = arith.constant 96 : i32
      %get3A_383 = arith.constant 0 : index
      %get3A_384 = tpu.vector_load %arg11[%get3A_383] {strides = array<i32>} : memref<96xi32, #tpu.memory_space<vmem>>, vector<16xi32>,
      %swap3A_385 = arith.constant 0 : index
      %swap3A_386 = tpu.vector_load %arg13[%swap3A_385] {strides = array<i32>} : memref<96xi32, #tpu.memory_space<vmem>>, vector<16xi32>,
      tpu.vector_store %arg13[%swap3A_385], %get3A_384 {strides = array<i32>} : memref<96xi32, #tpu.memory_space<vmem>>, vector<16xi32>,
      %get3A_387 = arith.constant 16 : index
      %get3A_388 = tpu.vector_load %arg11[%get3A_387] {strides = array<i32>} : memref<96xi32, #tpu.memory_space<vmem>>, vector<16xi32>,
      %swap3A_389 = arith.constant 16 : index
      %swap3A_390 = tpu.vector_load %arg13[%swap3A_389] {strides = array<i32>} : memref<96xi32, #tpu.memory_space<vmem>>, vector<16xi32>,
      tpu.vector_store %arg13[%swap3A_389], %get3A_388 {strides = array<i32>} : memref<96xi32, #tpu.memory_space<vmem>>, vector<16xi32>,
      %get3A_391 = arith.constant 32 : index
      %get3A_392 = tpu.vector_load %arg11[%get3A_391] {strides = array<i32>} : memref<96xi32, #tpu.memory_space<vmem>>, vector<16xi32>,
      %swap3A_393 = arith.constant 32 : index
      %swap3A_394 = tpu.vector_load %arg13[%swap3A_393] {strides = array<i32>} : memref<96xi32, #tpu.memory_space<vmem>>, vector<16xi32>,
      tpu.vector_store %arg13[%swap3A_393], %get3A_392 {strides = array<i32>} : memref<96xi32, #tpu.memory_space<vmem>>, vector<16xi32>,
      %get3A_395 = arith.constant 48 : index
      %get3A_396 = tpu.vector_load %arg11[%get3A_395] {strides = array<i32>} : memref<96xi32, #tpu.memory_space<vmem>>, vector<16xi32>,
      %swap3A_397 = arith.constant 48 : index
      %swap3A_398 = tpu.vector_load %arg13[%swap3A_397] {strides = array<i32>} : memref<96xi32, #tpu.memory_space<vmem>>, vector<16xi32>,
      tpu.vector_store %arg13[%swap3A_397], %get3A_396 {strides = array<i32>} : memref<96xi32, #tpu.memory_space<vmem>>, vector<16xi32>,
      %get3A_399 = arith.constant 64 : index
      %get3A_400 = tpu.vector_load %arg11[%get3A_399] {strides = array<i32>} : memref<96xi32, #tpu.memory_space<vmem>>, vector<16xi32>,
      %swap3A_401 = arith.constant 64 : index
      %swap3A_402 = tpu.vector_load %arg13[%swap3A_401] {strides = array<i32>} : memref<96xi32, #tpu.memory_space<vmem>>, vector<16xi32>,
      tpu.vector_store %arg13[%swap3A_401], %get3A_400 {strides = array<i32>} : memref<96xi32, #tpu.memory_space<vmem>>, vector<16xi32>,
      %get3A_403 = arith.constant 80 : index
      %get3A_404 = tpu.vector_load %arg11[%get3A_403] {strides = array<i32>} : memref<96xi32, #tpu.memory_space<vmem>>, vector<16xi32>,
      %swap3A_405 = arith.constant 80 : index
      %swap3A_406 = tpu.vector_load %arg13[%swap3A_405] {strides = array<i32>} : memref<96xi32, #tpu.memory_space<vmem>>, vector<16xi32>,
      tpu.vector_store %arg13[%swap3A_405], %get3A_404 {strides = array<i32>} : memref<96xi32, #tpu.memory_space<vmem>>, vector<16xi32>,
      %dma_start3A_407 = arith.constant 0 : i32
      %dma_start3A_408 = arith.constant 0 : i32
      %dma_start3A_409 = tpu.memref_slice %arg21[%dma_start3A_407, %dma_start3A_408] : memref<10240x128xf32, #tpu.memory_space<vmem_shared>> -> memref<10240x128xf32, #tpu.memory_space<vmem_shared>>
      tpu.enqueue_indirect_dma source(%arg15 : memref<96x128xf32, #tpu.memory_space<vmem>>) target(%dma_start3A_409 : memref<10240x128xf32, #tpu.memory_space<vmem_shared>>) offsets(%arg13 : memref<96xi32, #tpu.memory_space<vmem>>) semaphore(%arg28 : memref<!tpu.dma_semaphore, #tpu.memory_space<semaphore_mem>>) {add = true}
      %dma_start3A_410 = arith.constant 0 : i32
      %dma_start3A_411 = tpu.memref_slice %arg22[%dma_start3A_410] : memref<10240xf32, #tpu.memory_space<vmem_shared>> -> memref<10240xf32, #tpu.memory_space<vmem_shared>>
      tpu.enqueue_indirect_dma source(%arg17 : memref<96xf32, #tpu.memory_space<vmem>>) target(%dma_start3A_411 : memref<10240xf32, #tpu.memory_space<vmem_shared>>) offsets(%arg13 : memref<96xi32, #tpu.memory_space<vmem>>) semaphore(%arg28 : memref<!tpu.dma_semaphore, #tpu.memory_space<semaphore_mem>>) {add = true}
      %add3A_412 = arith.constant 2 : i32
      %add3A_413 = arith.addi %add3A_253, %add3A_412 : i32
      %lt3A_414 = arith.constant 108 : i32
      %lt3A_415 = arith.cmpi slt, %add3A_413, %lt3A_414 : i32
      %convert_element_type3A_416 = arith.extui %lt3A_415 : i1 to i32
      %cond3A_417 = arith.constant 0 : i32
      %cond3A_418 = arith.cmpi ne, %convert_element_type3A_416, %cond3A_417 : i32
      scf.if %cond3A_418 {
        %add3A_420 = arith.constant 2 : i32
        %add3A_421 = arith.addi %add3A_253, %add3A_420 : i32
        %dma_start3A_422 = arith.constant 0 : i32
        %dma_start3A_423 = tpu.memref_slice %arg4[%add3A, %add3A_421, %dma_start3A_422] : memref<32x108x96xi32, #tpu.memory_space<hbm>> -> memref<1x1x96xi32, #tpu.memory_space<hbm>>
        %dma_start3A_424 = tpu.memref_squeeze %dma_start3A_423 : memref<1x1x96xi32, #tpu.memory_space<hbm>> -> memref<96xi32, #tpu.memory_space<hbm>>
        %dma_start3A_425 = arith.constant 0 : i32
        %dma_start3A_426 = tpu.memref_slice %arg4[%add3A, %add3A_421, %dma_start3A_425] : memref<32x108x96xi32, #tpu.memory_space<hbm>> -> memref<1x1x96xi32, #tpu.memory_space<hbm>>
        %dma_start3A_427 = tpu.memref_squeeze %dma_start3A_426 : memref<1x1x96xi32, #tpu.memory_space<hbm>> -> memref<96xi32, #tpu.memory_space<hbm>>
        tpu.enqueue_dma source(%dma_start3A_427 : memref<96xi32, #tpu.memory_space<hbm>>) target(%arg9 : memref<96xi32, #tpu.memory_space<vmem>>) target_semaphore(%arg26 : memref<!tpu.dma_semaphore, #tpu.memory_space<semaphore_mem>>)
        %add3A_428 = arith.constant 2 : i32
        %add3A_429 = arith.addi %add3A_253, %add3A_428 : i32
        %dma_start3A_430 = arith.constant 0 : i32
        %dma_start3A_431 = tpu.memref_slice %arg5[%add3A, %add3A_429, %dma_start3A_430] : memref<32x108x96xi32, #tpu.memory_space<hbm>> -> memref<1x1x96xi32, #tpu.memory_space<hbm>>
        %dma_start3A_432 = tpu.memref_squeeze %dma_start3A_431 : memref<1x1x96xi32, #tpu.memory_space<hbm>> -> memref<96xi32, #tpu.memory_space<hbm>>
        %dma_start3A_433 = arith.constant 0 : i32
        %dma_start3A_434 = tpu.memref_slice %arg5[%add3A, %add3A_429, %dma_start3A_433] : memref<32x108x96xi32, #tpu.memory_space<hbm>> -> memref<1x1x96xi32, #tpu.memory_space<hbm>>
        %dma_start3A_435 = tpu.memref_squeeze %dma_start3A_434 : memref<1x1x96xi32, #tpu.memory_space<hbm>> -> memref<96xi32, #tpu.memory_space<hbm>>
        tpu.enqueue_dma source(%dma_start3A_435 : memref<96xi32, #tpu.memory_space<hbm>>) target(%arg11 : memref<96xi32, #tpu.memory_space<vmem>>) target_semaphore(%arg26 : memref<!tpu.dma_semaphore, #tpu.memory_space<semaphore_mem>>)
      } else {
      }
      %scan3A_419 = arith.constant 0 : i32
      scf.yield %scan3A_419 : i32
    }
    %scan3A_70 = arith.constant 54 : i32
    %dma_wait3A = arith.constant 0 : i32
    %dma_wait3A_71 = arith.constant 0 : i32
    %dma_wait3A_72 = tpu.memref_slice %arg21[%dma_wait3A, %dma_wait3A_71] : memref<10240x128xf32, #tpu.memory_space<vmem_shared>> -> memref<10240x128xf32, #tpu.memory_space<vmem_shared>>
    tpu.wait_indirect_dma semaphore(%arg27 : memref<!tpu.dma_semaphore, #tpu.memory_space<semaphore_mem>>) src(%arg14 : memref<96x128xf32, #tpu.memory_space<vmem>>) dst(%dma_wait3A_72 : memref<10240x128xf32, #tpu.memory_space<vmem_shared>>)
    %dma_wait3A_73 = arith.constant 0 : i32
    %dma_wait3A_74 = tpu.memref_slice %arg22[%dma_wait3A_73] : memref<10240xf32, #tpu.memory_space<vmem_shared>> -> memref<10240xf32, #tpu.memory_space<vmem_shared>>
    tpu.wait_indirect_dma semaphore(%arg27 : memref<!tpu.dma_semaphore, #tpu.memory_space<semaphore_mem>>) src(%arg16 : memref<96xf32, #tpu.memory_space<vmem>>) dst(%dma_wait3A_74 : memref<10240xf32, #tpu.memory_space<vmem_shared>>)
    %dma_wait3A_75 = arith.constant 0 : i32
    %dma_wait3A_76 = arith.constant 0 : i32
    %dma_wait3A_77 = tpu.memref_slice %arg21[%dma_wait3A_75, %dma_wait3A_76] : memref<10240x128xf32, #tpu.memory_space<vmem_shared>> -> memref<10240x128xf32, #tpu.memory_space<vmem_shared>>
    tpu.wait_indirect_dma semaphore(%arg28 : memref<!tpu.dma_semaphore, #tpu.memory_space<semaphore_mem>>) src(%arg15 : memref<96x128xf32, #tpu.memory_space<vmem>>) dst(%dma_wait3A_77 : memref<10240x128xf32, #tpu.memory_space<vmem_shared>>)
    %dma_wait3A_78 = arith.constant 0 : i32
    %dma_wait3A_79 = tpu.memref_slice %arg22[%dma_wait3A_78] : memref<10240xf32, #tpu.memory_space<vmem_shared>> -> memref<10240xf32, #tpu.memory_space<vmem_shared>>
    tpu.wait_indirect_dma semaphore(%arg28 : memref<!tpu.dma_semaphore, #tpu.memory_space<semaphore_mem>>) src(%arg17 : memref<96xf32, #tpu.memory_space<vmem>>) dst(%dma_wait3A_79 : memref<10240xf32, #tpu.memory_space<vmem_shared>>)
    %barrier3A_80 = arith.constant 0 : index
    tpu.barrier barrier_id(%barrier3A_80)
    %mul3A_81 = arith.constant 640 : i32
    %mul3A_82 = arith.muli %arg1, %mul3A_81 : i32
    %mul3A_83 = arith.constant 640 : i32
    %mul3A_84 = arith.muli %arg1, %mul3A_83 : i32
    "tpu.region"() ({
      %run_scoped3A_89 = tpu.sem_alloc : memref<!tpu.dma_semaphore, #tpu.memory_space<semaphore_mem>>
      %dma_start3A_90 = arith.constant 0 : i32
      %dma_start3A_91 = tpu.memref_slice %arg6[%arg0, %mul3A_84, %dma_start3A_90] : memref<2x10240x128xf32, #tpu.memory_space<hbm>> -> memref<1x640x128xf32, #tpu.memory_space<hbm>>
      %dma_start3A_92 = tpu.memref_squeeze %dma_start3A_91 : memref<1x640x128xf32, #tpu.memory_space<hbm>> -> memref<640x128xf32, #tpu.memory_space<hbm>>
      %dma_start3A_93 = arith.constant 0 : i32
      %dma_start3A_94 = tpu.memref_slice %arg21[%mul3A_82, %dma_start3A_93] : memref<10240x128xf32, #tpu.memory_space<vmem_shared>> -> memref<640x128xf32, #tpu.memory_space<vmem_shared>>
      tpu.enqueue_dma source(%dma_start3A_94 : memref<640x128xf32, #tpu.memory_space<vmem_shared>>) target(%dma_start3A_92 : memref<640x128xf32, #tpu.memory_space<hbm>>) target_semaphore(%run_scoped3A_89 : memref<!tpu.dma_semaphore, #tpu.memory_space<semaphore_mem>>)
      %dma_wait3A_95 = arith.constant 0 : i32
      %dma_wait3A_96 = tpu.memref_slice %arg6[%arg0, %mul3A_84, %dma_wait3A_95] : memref<2x10240x128xf32, #tpu.memory_space<hbm>> -> memref<1x640x128xf32, #tpu.memory_space<hbm>>
      %dma_wait3A_97 = tpu.memref_squeeze %dma_wait3A_96 : memref<1x640x128xf32, #tpu.memory_space<hbm>> -> memref<640x128xf32, #tpu.memory_space<hbm>>
      %dma_wait3A_98 = arith.constant 0 : i32
      %dma_wait3A_99 = tpu.memref_slice %arg21[%mul3A_82, %dma_wait3A_98] : memref<10240x128xf32, #tpu.memory_space<vmem_shared>> -> memref<640x128xf32, #tpu.memory_space<vmem_shared>>
      tpu.wait_dma2 semaphore(%run_scoped3A_89 : memref<!tpu.dma_semaphore, #tpu.memory_space<semaphore_mem>>) src(%dma_wait3A_99 : memref<640x128xf32, #tpu.memory_space<vmem_shared>>) dst(%dma_wait3A_97 : memref<640x128xf32, #tpu.memory_space<hbm>>)
      tpu.yield
    }) : () -> ()
    %mul3A_85 = arith.constant 640 : i32
    %mul3A_86 = arith.muli %arg1, %mul3A_85 : i32
    %mul3A_87 = arith.constant 640 : i32
    %mul3A_88 = arith.muli %arg1, %mul3A_87 : i32
    "tpu.region"() ({
      %run_scoped3A_89 = tpu.sem_alloc : memref<!tpu.dma_semaphore, #tpu.memory_space<semaphore_mem>>
      %dma_start3A_90 = tpu.memref_slice %arg7[%arg0, %mul3A_88] : memref<2x10240xf32, #tpu.memory_space<hbm>> -> memref<1x640xf32, #tpu.memory_space<hbm>>
      %dma_start3A_91 = tpu.memref_squeeze %dma_start3A_90 : memref<1x640xf32, #tpu.memory_space<hbm>> -> memref<640xf32, #tpu.memory_space<hbm>>
      %dma_start3A_92 = tpu.memref_slice %arg22[%mul3A_86] : memref<10240xf32, #tpu.memory_space<vmem_shared>> -> memref<640xf32, #tpu.memory_space<vmem_shared>>
      tpu.enqueue_dma source(%dma_start3A_92 : memref<640xf32, #tpu.memory_space<vmem_shared>>) target(%dma_start3A_91 : memref<640xf32, #tpu.memory_space<hbm>>) target_semaphore(%run_scoped3A_89 : memref<!tpu.dma_semaphore, #tpu.memory_space<semaphore_mem>>)
      %dma_wait3A_93 = tpu.memref_slice %arg7[%arg0, %mul3A_88] : memref<2x10240xf32, #tpu.memory_space<hbm>> -> memref<1x640xf32, #tpu.memory_space<hbm>>
      %dma_wait3A_94 = tpu.memref_squeeze %dma_wait3A_93 : memref<1x640xf32, #tpu.memory_space<hbm>> -> memref<640xf32, #tpu.memory_space<hbm>>
      %dma_wait3A_95 = tpu.memref_slice %arg22[%mul3A_86] : memref<10240xf32, #tpu.memory_space<vmem_shared>> -> memref<640xf32, #tpu.memory_space<vmem_shared>>
      tpu.wait_dma2 semaphore(%run_scoped3A_89 : memref<!tpu.dma_semaphore, #tpu.memory_space<semaphore_mem>>) src(%dma_wait3A_95 : memref<640xf32, #tpu.memory_space<vmem_shared>>) dst(%dma_wait3A_94 : memref<640xf32, #tpu.memory_space<hbm>>)
      tpu.yield
    }) : () -> ()
    return
  }
}

module attributes {stable_mosaic.version = 14 : i64} {
  func.func @_tc1_body(%arg0: i32, %arg1: memref<512x128xf32, #tpu.memory_space<vmem>>, %arg2: memref<512x128xf32, #tpu.memory_space<vmem>>, %arg3: memref<128x128xf32, #tpu.memory_space<vmem>>, %arg4: memref<128x128xf32, #tpu.memory_space<vmem>>, %arg5: memref<1x128xf32, #tpu.memory_space<vmem>>, %arg6: memref<1x128xf32, #tpu.memory_space<vmem>>, %arg7: memref<512x128xf32, #tpu.memory_space<vmem>>, %arg8: memref<2x512xf32, #tpu.memory_space<vmem>>) attributes {dimension_semantics = [#tpu.dimension_semantics<arbitrary>], iteration_bounds = array<i64: 20>, scalar_prefetch = 0 : i64, scratch_operands = 0 : i64, tpu.core_type = #tpu.core_type<tc>, window_params = [{transform_indices = @transform_0, window_bounds = array<i64: 512, 128>}, {transform_indices = @transform_1, window_bounds = array<i64: 512, 128>}, {pipeline_mode = #tpu.pipeline_mode<synchronous>, transform_indices = @transform_2, window_bounds = array<i64: 128, 128>}, {pipeline_mode = #tpu.pipeline_mode<synchronous>, transform_indices = @transform_3, window_bounds = array<i64: 128, 128>}, {pipeline_mode = #tpu.pipeline_mode<synchronous>, transform_indices = @transform_4, window_bounds = array<i64: 1, 128>}, {pipeline_mode = #tpu.pipeline_mode<synchronous>, transform_indices = @transform_5, window_bounds = array<i64: 1, 128>}, {transform_indices = @transform_6, window_bounds = array<i64: 512, 128>}, {transform_indices = @transform_7, window_bounds = array<i64: 2, 512>}]} {
    %get3A = arith.constant 0 : index
    %get3A_0 = arith.constant 0 : index
    %get3A_1 = vector.load %arg1[%get3A, %get3A_0] : memref<512x128xf32, #tpu.memory_space<vmem>>, vector<512x128xf32>
    %get3A_2 = arith.constant 0 : index
    %get3A_3 = arith.constant 0 : index
    %get3A_4 = vector.load %arg3[%get3A_2, %get3A_3] : memref<128x128xf32, #tpu.memory_space<vmem>>, vector<128x128xf32>
    %dot_general3A = arith.constant dense<0.000000e+00> : vector<512x128xf32>
    %dot_general3A_5 = tpu.matmul %get3A_1, %get3A_4, %dot_general3A {dimension_numbers = #tpu.dot_dimension_numbers<[1], [0], [0], [1], [0, 0, 1, 1], [], []>, transpose_lhs_hint = false} : vector<512x128xf32>, vector<128x128xf32>, vector<512x128xf32> -> vector<512x128xf32>
    %get3A_6 = arith.constant 0 : index
    %get3A_7 = arith.constant 0 : index
    %get3A_8 = vector.load %arg2[%get3A_6, %get3A_7] : memref<512x128xf32, #tpu.memory_space<vmem>>, vector<512x128xf32>
    %get3A_9 = arith.constant 0 : index
    %get3A_10 = arith.constant 0 : index
    %get3A_11 = vector.load %arg4[%get3A_9, %get3A_10] : memref<128x128xf32, #tpu.memory_space<vmem>>, vector<128x128xf32>
    %dot_general3A_12 = arith.constant dense<0.000000e+00> : vector<512x128xf32>
    %dot_general3A_13 = tpu.matmul %get3A_8, %get3A_11, %dot_general3A_12 {dimension_numbers = #tpu.dot_dimension_numbers<[1], [0], [0], [1], [0, 0, 1, 1], [], []>, transpose_lhs_hint = false} : vector<512x128xf32>, vector<128x128xf32>, vector<512x128xf32> -> vector<512x128xf32>
    %add3A = arith.addf %dot_general3A_5, %dot_general3A_13 : vector<512x128xf32>
    %swap3A = arith.constant 0 : index
    %swap3A_14 = arith.constant 0 : index
    %swap3A_15 = vector.load %arg7[%swap3A, %swap3A_14] : memref<512x128xf32, #tpu.memory_space<vmem>>, vector<512x128xf32>
    tpu.vector_store %arg7[%swap3A, %swap3A_14], %add3A {strides = array<i32>} : memref<512x128xf32, #tpu.memory_space<vmem>>, vector<512x128xf32>,
    %get3A_16 = arith.constant 0 : index
    %get3A_17 = arith.constant 0 : index
    %get3A_18 = vector.load %arg5[%get3A_16, %get3A_17] : memref<1x128xf32, #tpu.memory_space<vmem>>, vector<1x128xf32>
    %get3A_19 = vector.shape_cast %get3A_18 : vector<1x128xf32> to vector<128xf32>
    %dot_general3A_20 = arith.constant dense<0.000000e+00> : vector<512xf32>
    %dot_general3A_21 = tpu.matmul %add3A, %get3A_19, %dot_general3A_20 {dimension_numbers = #tpu.dot_dimension_numbers<[1], [0], [0], [], [0, 0], [], []>, transpose_lhs_hint = false} : vector<512x128xf32>, vector<128xf32>, vector<512xf32> -> vector<512xf32>
    %swap3A_22 = arith.constant 0 : index
    %swap3A_23 = arith.constant 0 : index
    %swap3A_24 = vector.load %arg8[%swap3A_22, %swap3A_23] : memref<2x512xf32, #tpu.memory_space<vmem>>, vector<1x512xf32>
    %swap3A_25 = vector.shape_cast %swap3A_24 : vector<1x512xf32> to vector<512xf32>
    %swap3A_26 = vector.shape_cast %dot_general3A_21 : vector<512xf32> to vector<1x512xf32>
    tpu.vector_store %arg8[%swap3A_22, %swap3A_23], %swap3A_26 {strides = array<i32>} : memref<2x512xf32, #tpu.memory_space<vmem>>, vector<1x512xf32>,
    %get3A_27 = arith.constant 0 : index
    %get3A_28 = arith.constant 0 : index
    %get3A_29 = vector.load %arg6[%get3A_27, %get3A_28] : memref<1x128xf32, #tpu.memory_space<vmem>>, vector<1x128xf32>
    %get3A_30 = vector.shape_cast %get3A_29 : vector<1x128xf32> to vector<128xf32>
    %dot_general3A_31 = arith.constant dense<0.000000e+00> : vector<512xf32>
    %dot_general3A_32 = tpu.matmul %add3A, %get3A_30, %dot_general3A_31 {dimension_numbers = #tpu.dot_dimension_numbers<[1], [0], [0], [], [0, 0], [], []>, transpose_lhs_hint = false} : vector<512x128xf32>, vector<128xf32>, vector<512xf32> -> vector<512xf32>
    %swap3A_33 = arith.constant 1 : index
    %swap3A_34 = arith.constant 0 : index
    %swap3A_35 = vector.load %arg8[%swap3A_33, %swap3A_34] : memref<2x512xf32, #tpu.memory_space<vmem>>, vector<1x512xf32>
    %swap3A_36 = vector.shape_cast %swap3A_35 : vector<1x512xf32> to vector<512xf32>
    %swap3A_37 = vector.shape_cast %dot_general3A_32 : vector<512xf32> to vector<1x512xf32>
    tpu.vector_store %arg8[%swap3A_33, %swap3A_34], %swap3A_37 {strides = array<i32>} : memref<2x512xf32, #tpu.memory_space<vmem>>, vector<1x512xf32>,
    return
  }
  func.func @transform_0(%arg0: i32) -> (i32, i32) {
    %c0_i32 = arith.constant 0 : i32
    %c0_i32_0 = arith.constant 0 : i32
    return %arg0, %c0_i32 : i32, i32
  }
  func.func @transform_1(%arg0: i32) -> (i32, i32) {
    %c0_i32 = arith.constant 0 : i32
    %c0_i32_0 = arith.constant 0 : i32
    return %arg0, %c0_i32 : i32, i32
  }
  func.func @transform_2(%arg0: i32) -> (i32, i32) {
    %c0_i32 = arith.constant 0 : i32
    %c0_i32_0 = arith.constant 0 : i32
    %c0_i32_1 = arith.constant 0 : i32
    return %c0_i32, %c0_i32_0 : i32, i32
  }
  func.func @transform_3(%arg0: i32) -> (i32, i32) {
    %c0_i32 = arith.constant 0 : i32
    %c0_i32_0 = arith.constant 0 : i32
    %c0_i32_1 = arith.constant 0 : i32
    return %c0_i32, %c0_i32_0 : i32, i32
  }
  func.func @transform_4(%arg0: i32) -> (i32, i32) {
    %c0_i32 = arith.constant 0 : i32
    %c0_i32_0 = arith.constant 0 : i32
    %c0_i32_1 = arith.constant 0 : i32
    return %c0_i32, %c0_i32_0 : i32, i32
  }
  func.func @transform_5(%arg0: i32) -> (i32, i32) {
    %c0_i32 = arith.constant 0 : i32
    %c0_i32_0 = arith.constant 0 : i32
    %c0_i32_1 = arith.constant 0 : i32
    return %c0_i32, %c0_i32_0 : i32, i32
  }
  func.func @transform_6(%arg0: i32) -> (i32, i32) {
    %c0_i32 = arith.constant 0 : i32
    %c0_i32_0 = arith.constant 0 : i32
    return %arg0, %c0_i32 : i32, i32
  }
  func.func @transform_7(%arg0: i32) -> (i32, i32) {
    %c0_i32 = arith.constant 0 : i32
    %c0_i32_0 = arith.constant 0 : i32
    return %c0_i32, %arg0 : i32, i32
  }
}

module attributes {stable_mosaic.version = 14 : i64} {
  func.func @_tc_lin_body(%arg0: i32, %arg1: memref<512x128xf32, #tpu.memory_space<vmem>>, %arg2: memref<128x128xf32, #tpu.memory_space<vmem>>, %arg3: memref<1x128xf32, #tpu.memory_space<vmem>>, %arg4: memref<512x128xf32, #tpu.memory_space<vmem>>) attributes {dimension_semantics = [#tpu.dimension_semantics<arbitrary>], iteration_bounds = array<i64: 20>, scalar_prefetch = 0 : i64, scratch_operands = 0 : i64, tpu.core_type = #tpu.core_type<tc>, window_params = [{transform_indices = @transform_0, window_bounds = array<i64: 512, 128>}, {pipeline_mode = #tpu.pipeline_mode<synchronous>, transform_indices = @transform_1, window_bounds = array<i64: 128, 128>}, {pipeline_mode = #tpu.pipeline_mode<synchronous>, transform_indices = @transform_2, window_bounds = array<i64: 1, 128>}, {transform_indices = @transform_3, window_bounds = array<i64: 512, 128>}]} {
    %get3A = arith.constant 0 : index
    %get3A_0 = arith.constant 0 : index
    %get3A_1 = vector.load %arg1[%get3A, %get3A_0] : memref<512x128xf32, #tpu.memory_space<vmem>>, vector<512x128xf32>
    %get3A_2 = arith.constant 0 : index
    %get3A_3 = arith.constant 0 : index
    %get3A_4 = vector.load %arg2[%get3A_2, %get3A_3] : memref<128x128xf32, #tpu.memory_space<vmem>>, vector<128x128xf32>
    %dot_general3A = arith.constant dense<0.000000e+00> : vector<512x128xf32>
    %dot_general3A_5 = tpu.matmul %get3A_1, %get3A_4, %dot_general3A {dimension_numbers = #tpu.dot_dimension_numbers<[1], [0], [0], [1], [0, 0, 1, 1], [], []>, transpose_lhs_hint = false} : vector<512x128xf32>, vector<128x128xf32>, vector<512x128xf32> -> vector<512x128xf32>
    %get3A_6 = arith.constant 0 : index
    %get3A_7 = arith.constant 0 : index
    %get3A_8 = vector.load %arg3[%get3A_6, %get3A_7] : memref<1x128xf32, #tpu.memory_space<vmem>>, vector<1x128xf32>
    %get3A_9 = vector.shape_cast %get3A_8 : vector<1x128xf32> to vector<128xf32>
    %broadcast_in_dim3A = vector.shape_cast %get3A_9 : vector<128xf32> to vector<1x128xf32>
    %add3A = vector.broadcast %broadcast_in_dim3A : vector<1x128xf32> to vector<512x128xf32>
    %add3A_10 = arith.addf %dot_general3A_5, %add3A : vector<512x128xf32>
    %swap3A = arith.constant 0 : index
    %swap3A_11 = arith.constant 0 : index
    %swap3A_12 = vector.load %arg4[%swap3A, %swap3A_11] : memref<512x128xf32, #tpu.memory_space<vmem>>, vector<512x128xf32>
    tpu.vector_store %arg4[%swap3A, %swap3A_11], %add3A_10 {strides = array<i32>} : memref<512x128xf32, #tpu.memory_space<vmem>>, vector<512x128xf32>,
    return
  }
  func.func @transform_0(%arg0: i32) -> (i32, i32) {
    %c0_i32 = arith.constant 0 : i32
    %c0_i32_0 = arith.constant 0 : i32
    return %arg0, %c0_i32 : i32, i32
  }
  func.func @transform_1(%arg0: i32) -> (i32, i32) {
    %c0_i32 = arith.constant 0 : i32
    %c0_i32_0 = arith.constant 0 : i32
    %c0_i32_1 = arith.constant 0 : i32
    return %c0_i32, %c0_i32_0 : i32, i32
  }
  func.func @transform_2(%arg0: i32) -> (i32, i32) {
    %c0_i32 = arith.constant 0 : i32
    %c0_i32_0 = arith.constant 0 : i32
    %c0_i32_1 = arith.constant 0 : i32
    return %c0_i32, %c0_i32_0 : i32, i32
  }
  func.func @transform_3(%arg0: i32) -> (i32, i32) {
    %c0_i32 = arith.constant 0 : i32
    %c0_i32_0 = arith.constant 0 : i32
    return %arg0, %c0_i32 : i32, i32
  }
}

module attributes {stable_mosaic.version = 14 : i64} {
  func.func @_tc2_body(%arg0: i32, %arg1: memref<2x512x128xf32, #tpu.memory_space<vmem>>, %arg2: memref<2x512xf32, #tpu.memory_space<vmem>>, %arg3: memref<1x128xf32, #tpu.memory_space<vmem>>, %arg4: memref<512x128xf32, #tpu.memory_space<vmem>>) attributes {dimension_semantics = [#tpu.dimension_semantics<arbitrary>], iteration_bounds = array<i64: 20>, scalar_prefetch = 0 : i64, scratch_operands = 0 : i64, tpu.core_type = #tpu.core_type<tc>, window_params = [{transform_indices = @transform_0, window_bounds = array<i64: 2, 512, 128>}, {transform_indices = @transform_1, window_bounds = array<i64: 2, 512>}, {pipeline_mode = #tpu.pipeline_mode<synchronous>, transform_indices = @transform_2, window_bounds = array<i64: 1, 128>}, {transform_indices = @transform_3, window_bounds = array<i64: 512, 128>}]} {
    %get3A = arith.constant 0 : index
    %get3A_0 = arith.constant 0 : index
    %get3A_1 = arith.constant 0 : index
    %get3A_2 = vector.load %arg1[%get3A, %get3A_0, %get3A_1] : memref<2x512x128xf32, #tpu.memory_space<vmem>>, vector<1x512x128xf32>
    %get3A_3 = vector.shape_cast %get3A_2 : vector<1x512x128xf32> to vector<512x128xf32>
    %get3A_4 = arith.constant 1 : index
    %get3A_5 = arith.constant 0 : index
    %get3A_6 = arith.constant 0 : index
    %get3A_7 = vector.load %arg1[%get3A_4, %get3A_5, %get3A_6] : memref<2x512x128xf32, #tpu.memory_space<vmem>>, vector<1x512x128xf32>
    %get3A_8 = vector.shape_cast %get3A_7 : vector<1x512x128xf32> to vector<512x128xf32>
    %add3A = arith.addf %get3A_3, %get3A_8 : vector<512x128xf32>
    %get3A_9 = arith.constant 0 : index
    %get3A_10 = arith.constant 0 : index
    %get3A_11 = vector.load %arg2[%get3A_9, %get3A_10] : memref<2x512xf32, #tpu.memory_space<vmem>>, vector<2x512xf32>
    %reduce_sum3A = arith.constant dense<0.000000e+00> : vector<512xf32>
    %reduce_sum3A_12 = vector.multi_reduction <add>, %get3A_11, %reduce_sum3A [0] : vector<2x512xf32> to vector<512xf32>
    %add3A_13 = arith.constant 1.000000e-16 : f32
    %add3A_14 = vector.broadcast %add3A_13 : f32 to vector<512xf32>
    %add3A_15 = arith.addf %reduce_sum3A_12, %add3A_14 : vector<512xf32>
    %div3A = arith.constant 1.000000e+00 : f32
    %div3A_16 = vector.broadcast %div3A : f32 to vector<512xf32>
    %div3A_17 = arith.divf %div3A_16, %add3A_15 : vector<512xf32>
    %broadcast_in_dim3A = vector.shape_cast %div3A_17 : vector<512xf32> to vector<512x1xf32>
    %mul3A = vector.broadcast %broadcast_in_dim3A : vector<512x1xf32> to vector<512x128xf32>
    %mul3A_18 = arith.mulf %add3A, %mul3A : vector<512x128xf32>
    %get3A_19 = arith.constant 0 : index
    %get3A_20 = arith.constant 0 : index
    %get3A_21 = vector.load %arg3[%get3A_19, %get3A_20] : memref<1x128xf32, #tpu.memory_space<vmem>>, vector<1x128xf32>
    %get3A_22 = vector.shape_cast %get3A_21 : vector<1x128xf32> to vector<128xf32>
    %broadcast_in_dim3A_23 = vector.shape_cast %get3A_22 : vector<128xf32> to vector<1x128xf32>
    %add3A_24 = vector.broadcast %broadcast_in_dim3A_23 : vector<1x128xf32> to vector<512x128xf32>
    %add3A_25 = arith.addf %mul3A_18, %add3A_24 : vector<512x128xf32>
    %swap3A = arith.constant 0 : index
    %swap3A_26 = arith.constant 0 : index
    %swap3A_27 = vector.load %arg4[%swap3A, %swap3A_26] : memref<512x128xf32, #tpu.memory_space<vmem>>, vector<512x128xf32>
    tpu.vector_store %arg4[%swap3A, %swap3A_26], %add3A_25 {strides = array<i32>} : memref<512x128xf32, #tpu.memory_space<vmem>>, vector<512x128xf32>,
    return
  }
  func.func @transform_0(%arg0: i32) -> (i32, i32, i32) {
    %c0_i32 = arith.constant 0 : i32
    %c0_i32_0 = arith.constant 0 : i32
    %c0_i32_1 = arith.constant 0 : i32
    return %c0_i32, %arg0, %c0_i32_0 : i32, i32, i32
  }
  func.func @transform_1(%arg0: i32) -> (i32, i32) {
    %c0_i32 = arith.constant 0 : i32
    %c0_i32_0 = arith.constant 0 : i32
    return %c0_i32, %arg0 : i32, i32
  }
  func.func @transform_2(%arg0: i32) -> (i32, i32) {
    %c0_i32 = arith.constant 0 : i32
    %c0_i32_0 = arith.constant 0 : i32
    %c0_i32_1 = arith.constant 0 : i32
    return %c0_i32, %c0_i32_0 : i32, i32
  }
  func.func @transform_3(%arg0: i32) -> (i32, i32) {
    %c0_i32 = arith.constant 0 : i32
    %c0_i32_0 = arith.constant 0 : i32
    return %arg0, %c0_i32 : i32, i32
  }
}

</mosaic_0001>

<sc_bundles>
// kernel: kernel.6.cloned.1.call-start
scs
__scs_entry_jumppad:
0x0: {  	(pc) =	sbr.rel $0x88, $3  }
0x1: {  	(tag) =	ssettag $0x0;
	lr =	simm.s32 $0x1  }
0x2: {  	[smem:$0x3F98] =	sst lr;
	_ =	strace $0xD0000000  }
0x3: {  	_ = 	snop  }
0x4: {  	_ = 	snop  }
0x5: {  	_ = 	snop  }
0x6: {  	_ = 	snop  }
0x7: {  	_ = 	snop  }
__scs_overlays_trampoline_lowered:
0x8: {  	[smem:$0x3FA7] =	sst s0  }
0x9: {  	[smem:$0x3FA8] =	sst s1  }
0xa: {  	[smem:$0x3FA9] =	sst s2  }
0xb: {  	[smem:$0x3FAA] =	sst s3  }
0xc: {  	[smem:$0x3FAB] =	sst s4  }
0xd: {  	[smem:$0x3FAC] =	sst s5  }
0xe: {  	[smem:$0x3FAD] =	sst s6  }
0xf: {  	[smem:$0x3FAE] =	sst s7  }
0x10: {  	[smem:$0x3FAF] =	sst s8  }
0x11: {  	[smem:$0x3FB0] =	sst s9;
	s0 =	simm.s32 @!p0 $0x0  }
0x12: {  	s1 =	sld [smem:$0x3F96];
	s0 =	simm.s32 @p0 $0x1  }
0x13: {  	[smem:$0x3FB1] =	sst s0;
	s0 =	simm.s32 @!p1 $0x0  }
0x14: {  	s2 =	sld [smem:$0x3F95];
	s0 =	simm.s32 @p1 $0x1  }
0x15: {  	[smem:$0x3FB2] =	sst s0;
	s0 =	simm.s32 @!p2 $0x0  }
0x16: {  	s3 =	sld [smem:$0x3FDB];
	s0 =	simm.s32 @p2 $0x1  }
0x17: {  	s4 =	simm.s32 $0x1BF5;
	[smem:$0x3FB4] =	sst s0  }
0x18: {  	s0 =	sld [smem:$0x3F97];
	_ =	swait.ge [sflag:s4], $0x0  }
0x19: {  	s7 =	sld [smem:$0x3F98]  }
0x1a: {  	s8 =	sadd.s32 $0xFFFFE003, lr  }
0x1b: {  	s9 =	sadd.s32 $0xFFFFFEF7, lr;
	s5 =	simm.s32 $0xFFFFFFFF;
	p2 =	slt.u32 s8, $0xFFFFF086  }
0x1c: {  	p1 =	slt.u32 s9, $0xF7A;
	s5 =	simm.s32 @!p2 $0x0  }
0x1d: {  	s5 =	simm.s32 @p1 $0x1;
	p0 =	seq.s32 s7, s2  }
0x1e: {  	s7 =	smul.u32 @!p0 $0xF7A, s2;
	p2 =	seq.s32 @!p0 s5, $0x0  }
0x1f: {  	s9 =	smul.u32 $0xF7A, s1;
	s8 =	simm.s32 @!p0 $0x1BF5;
	p2 =	por !p2, p0  }
0x20: {  	[sflag:s8] =	ssyncset.s32 @!p0 $0xFFFFF086;
	s6 =	sadd.s32 @!p0 s3, s7;
	s7 =	simm.s32 @!p0 $0x108  }
0x21: {  	s3 =	sadd.s32 s3, s9;
	s6 =	sadd.s32 @!p0 $0x88, s6;
	s7 =	simm.s32 @p2 $0x1082  }
0x22: {  	[simem:s7], [sflag:s8] =	dma.local @!p0 [hbm:s6], $0xF7A  }
0x23: {  	s9 =	sor.u32 $0xD0000000, s2;
	s6 =	simm.s32 $0x108;
	_ =	swait.ge @!p0 [sflag:s8], $0x0  }
0x24: {  	s3 =	sadd.s32 $0x88, s3;
	s6 =	simm.s32 @!p1 $0x1082;
	[sflag:s4] =	ssyncset.s32 $0xFFFFF086  }
0x25: {  	[simem:s6], [sflag:s4] =	dma.local [hbm:s3], $0xF7A  }
0x26: {  	[smem:$0x3F98] =	sst s1;
	(tag) =	ssettag s2;
	_ =	strace s9  }
0x27: {  	s1 =	sld [smem:$0x3FA8]  }
0x28: {  	s2 =	sld [smem:$0x3FA9]  }
0x29: {  	s4 =	sld [smem:$0x3FAB]  }
0x2a: {  	p0 =	seq.s32 s5, $0x0;
	s5 =	sld [smem:$0x3FAC]  }
0x2b: {  	s6 =	sld [smem:$0x3FAD]  }
0x2c: {  	s7 =	sld [smem:$0x3FAE]  }
0x2d: {  	s3 =	simm.s32 $0x108;
	s8 =	sld [smem:$0x3FAF]  }
0x2e: {  	s3 =	simm.s32 @!p0 $0x1082;
	s9 =	sld [smem:$0x3FB0]  }
0x2f: {  	lr =	sadd.s32 s0, s3;
	s0 =	sld [smem:$0x3FA7]  }
0x30: {  	s3 =	sld [smem:$0x3FAA]  }
0x31: {  	[smem:$0x3FB3] =	sst s10  }
0x32: {  	s10 =	sld [smem:$0x3FB1];
	_ =	sdelay $0x3  }
0x33: {  	p0 =	seq.s32 s10, $0x1;
	s10 =	sld [smem:$0x3FB3];
	_ =	sdelay $0x3  }
0x34: {  	[smem:$0x3FB3] =	sst s10  }
0x35: {  	s10 =	sld [smem:$0x3FB2];
	_ =	sdelay $0x3  }
0x36: {  	p1 =	seq.s32 s10, $0x1;
	s10 =	sld [smem:$0x3FB3];
	_ =	sdelay $0x3  }
0x37: {  	[smem:$0x3FB3] =	sst s10  }
0x38: {  	s10 =	sld [smem:$0x3FB4]  }
0x39: {  	_ = 	snop;
	(pc) =	sbr.ind lr, $3  }
0x3a: {  	_ = 	snop  }
0x3b: {  	_ = 	snop  }
0x3c: {  	p2 =	seq.s32 s10, $0x1;
	s10 =	sld [smem:$0x3FB3]  }
0x3d: {  	_ =	shalt  }
0x3e: {  	_ =	shalt  }
0x3f: {  	_ =	shalt  }
0x40: {  	_ =	shalt  }
0x41: {  	_ =	shalt  }
0x42: {  	_ =	shalt  }
0x43: {  	_ =	shalt  }
0x44: {  	_ =	shalt  }
0x45: {  	_ =	shalt  }
0x46: {  	_ =	shalt  }
0x47: {  	_ =	shalt  }
0x48: {  	_ =	shalt  }
0x49: {  	_ =	shalt  }
0x4a: {  	_ =	shalt  }
0x4b: {  	_ =	shalt  }
0x4c: {  	_ =	shalt  }
0x4d: {  	_ =	shalt  }
0x4e: {  	_ =	shalt  }
0x4f: {  	_ =	shalt  }
0x50: {  	_ =	shalt  }
0x51: {  	_ =	shalt  }
0x52: {  	_ =	shalt  }
0x53: {  	_ =	shalt  }
0x54: {  	_ =	shalt  }
0x55: {  	_ =	shalt  }
0x56: {  	_ =	shalt  }
0x57: {  	_ =	shalt  }
0x58: {  	_ =	shalt  }
0x59: {  	_ =	shalt  }
0x5a: {  	_ =	shalt  }
0x5b: {  	_ =	shalt  }
0x5c: {  	_ =	shalt  }
0x5d: {  	_ =	shalt  }
0x5e: {  	_ =	shalt  }
0x5f: {  	_ =	shalt  }
0x60: {  	_ =	shalt  }
0x61: {  	_ =	shalt  }
0x62: {  	_ =	shalt  }
0x63: {  	_ =	shalt  }
0x64: {  	_ =	shalt  }
0x65: {  	_ =	shalt  }
0x66: {  	_ =	shalt  }
0x67: {  	_ =	shalt  }
0x68: {  	_ =	shalt  }
0x69: {  	_ =	shalt  }
0x6a: {  	_ =	shalt  }
0x6b: {  	_ =	shalt  }
0x6c: {  	_ =	shalt  }
0x6d: {  	_ =	shalt  }
0x6e: {  	_ =	shalt  }
0x6f: {  	_ =	shalt  }
0x70: {  	_ =	shalt  }
0x71: {  	_ =	shalt  }
0x72: {  	_ =	shalt  }
0x73: {  	_ =	shalt  }
0x74: {  	_ =	shalt  }
0x75: {  	_ =	shalt  }
0x76: {  	_ =	shalt  }
0x77: {  	_ =	shalt  }
0x78: {  	_ =	shalt  }
0x79: {  	_ =	shalt  }
0x7a: {  	_ =	shalt  }
0x7b: {  	_ =	shalt  }
0x7c: {  	_ =	shalt  }
0x7d: {  	_ =	shalt  }
0x7e: {  	_ =	shalt  }
0x7f: {  	_ =	shalt  }
0x80: {  	_ =	shalt  }
0x81: {  	_ =	shalt  }
0x82: {  	_ =	shalt  }
0x83: {  	_ =	shalt  }
0x84: {  	_ =	shalt  }
0x85: {  	_ =	shalt  }
0x86: {  	_ =	shalt  }
0x87: {  	_ =	shalt  }
.Lfunc_end0:
.L_simem_size_0:
called_computation_lowered:
.L_overlay_start_0:
0x88: {  	s2 =	sld [smem:$0x3FD9]  }
0x89: {  	s3 =	sld [smem:$0x3FFE];
	_ =	sdelay $0x1  }
0x8a: {  	s1 =	srdreg.scid  }
0x8b: {  	s0 =	sand.u32 $0x1, s1  }
0x8c: {  	s14 =	sshll.u32 s0, $0xA;
	s2 =	sadd.s32 s3, s2  }
0x8d: {  	s2 =	sadd.s32 s2, s14  }
0x8e: {  	[smem:$0x3FBF] =	sst s2  }
0x8f: {  	_ = 	snop  }
0x90: {  	s2 =	sld [smem:$0x3FD0];
	_ =	sdelay $0x2  }
0x91: {  	s15 =	simm.s32 $0xA;
	s4 =	simm.s32 $0x10  }
0x92: {  	[smem:s4], [sflag:s15] =	dma.local [hbm:s2], $0x1  }
0x93: {  	_ =	swait.eq [sflag:s15], $0x1  }
0x94: {  	[sflag:s15] =	ssyncset.done $0x0  }
0x95: {  	[sflag:s15] =	ssyncadd.s32 $0xFFFFFFFF  }
0x96: {  	s16 =	sld [smem:$0x11];
	(tm) =	ssettm $0x1  }
0x97: {  	s17 =	sld [smem:$0x3FFB];
	_ =	sdelay $0x3  }
0x98: {  	_ =	strace s17  }
0x99: {  	s3 =	sld [smem:$0x3FFC];
	_ =	sdelay $0x3  }
0x9a: {  	_ =	strace s3  }
0x9b: {  	s3 =	sld [smem:$0x3FFD];
	_ =	sdelay $0x3  }
0x9c: {  	_ =	strace s3  }
0x9d: {  	_ =	strace $0x8FFFFFFF  }
0x9e: {  	s18 =	sld [smem:$0x3FDB];
	_ =	sdelay $0x1  }
0x9f: {  	s19 =	simm.s32 $_scs_section_size  }
0xa0: {  	s5 =	simm.s32 $_size__tile_overlayer_lowered;
	s6 =	simm.s32 $_tile_overlayer_lowered  }
0xa1: {  	s22 =	simm.s32 $0x1BFF;
	s21 =	sshll.u32 s6, $0x1;
	s3 =	sadd.s32 s19, s18  }
0xa2: {  	s7 =	simm.s32 $0x0;
	s20 =	sshll.u32 s5, $0x1;
	s5 =	sadd.s32 s21, s3  }
0xa3: {  	[timem:s7], [sflag:s22] =	dma.local [hbm:s5], s20  }
0xa4: {  	_ =	swait.ge [sflag:s22], s20  }
0xa5: {  	s4 =	ssub.s32 $0x0, s20;
	[sflag:s22] =	ssyncset.done $0x0  }
0xa6: {  	[sflag:s22] =	ssyncadd.s32 s4;
	_ =	sdelay $0x1  }
0xa7: {  	s23 =	simm.s32 $0x1B8B  }
0xa8: {  	_ =	swait.ge [sflag:s23], $0x1  }
0xa9: {  	[sflag:s23] =	ssyncset.done $0x0  }
0xaa: {  	s25 =	simm.s32 $0x1B8E;
	s24 =	sld [smem:$0x3FFE];
	[sflag:s23] =	ssyncadd.s32 $0xFFFFFFFF  }
0xab: {  	s26 =	simm.s32 $execute0_lowered;
	[smem:$0x3FD2] =	sst s25  }
0xac: {  	s5 =	sshll.u32 s26, $0x1;
	_ =	strace $0x80000046;
	[dreg:$0x1] =	wrdreg $0xFFFFFFFF  }
0xad: {  	s28 =	simm.s32 $_size_execute0_lowered;
	s3 =	sadd.s32 s3, s5;
	[dreg:$0x0] =	wrdreg $0x0  }
0xae: {  	s5 =	sshll.u32 s28, $0x1;
	[dreg:$0x2] =	wrdreg s3  }
0xaf: {  	[dreg:$0x3] =	wrdreg s5  }
0xb0: {  	[dreg:$0x4] =	wrdreg $0xC0  }
0xb1: {  	_ =	task [dreg:s7], $0x5FFFF  }
0xb2: {  	[dreg:$0x1] =	wrdreg $0xFFFFFFFF  }
0xb3: {  	[dreg:$0x0] =	wrdreg $0x60  }
0xb4: {  	[dreg:$0x2] =	wrdreg s16  }
0xb5: {  	[dreg:$0x3] =	wrdreg s24  }
0xb6: {  	[dreg:$0x4] =	wrdreg $0xB6800  }
0xb7: {  	[dreg:$0x5] =	wrdreg $0x1F6800  }
0xb8: {  	[dreg:$0x6] =	wrdreg $0x9  }
0xb9: {  	_ =	task.clear_ibuf [dreg:s7], $0x7FFFF;
	_ =	strace $0x90000046  }
0xba: {  	s29 =	simm.s32 $0x9;
	_ =	strace $0x80000048  }
0xbb: {  	_ =	swait.ge [sflag:s29], $0x1  }
0xbc: {  	[sflag:s29] =	ssyncadd.s32 $0xFFFFFFFF  }
0xbd: {  	_ =	strace $0x90000048  }
0xbe: {  	_ =	sfence  }
0xbf: {  	s30 =	sld [smem:$0x0];
	_ =	sdelay $0x2  }
0xc0: {  	s31 =	sshll.u32 s1, $0xD;
	s1 =	sshrl.u32 s1, $0x2  }
0xc1: {  	s3 =	sand.u32 $0x4000, s31;
	s1 =	sadd.s32 s1, s30  }
0xc2: {  	s0 =	sor.u32 s3, s0;
	s1 =	sshll.u32 s1, $0x11  }
0xc3: {  	s0 =	sor.u32 s1, s0  }
0xc4: {  	s0 =	sadd.s32 $0x8F2B, s0  }
0xc5: {  	[sflag:s0] =	ssyncadd.remote.s32 $0x1  }
0xc6: {  	_ =	sfence.sel $0xFFFF  }
0xc7: {  	[dreg:$0x0] =	wrdreg $0xFFFFFFFF;
	(pc) =	sbr.abs _section_cstart, $3  }
0xc8: {  	[dreg:$0x1] =	wrdreg $0xFFFFFFFF  }
0xc9: {  	_ =	task.clear_ibuf [dreg:s7], $0x2FFFF;
	_ =	strace $0x9FFFFFFF  }
0xca: {  	(tm) =	ssettm $0x7FFFFFFF  }
0xcb: {  	_ =	shalt  }
tec
execute0_lowered:
.L_overlay_start_1:
0x0: {  	(tag) =	ssettag $0x1  }
0x1: {  	s1 =	rddreg [dreg:$0x0]  }
0x2: {  	s0 =	rddreg [dreg:$0x1]  }
0x3: {  	s2 =	rddreg [dreg:$0x2]  }
0x4: {  	s3 =	rddreg [dreg:$0x3];
	s4 =	srdreg.scid  }
0x5: {  	s5 =	simm.s32 $0x0;
	s14 =	stileid.u32;
	s29 =	simm.s32 $0x6400  }
0x6: {  	s30 =	simm.s32 $0x7;
	s31 =	simm.s32 $0x8C00;
	s9 =	smul.u32 $0x14000, s14  }
0x7: {  	s4 =	sand.u32 $0x1, s4;
	[smem:$0x7FF] =	sst s5;
	s10 =	smul.u32 $0x500, s14  }
0x8: {  	s7 =	sadd.s32 $0x1E600, s0;
	s8 =	sadd.s32 $0x10600, s0;
	s26 =	smul.u32 $0x50000, s14  }
0x9: {  	s13 =	sshll.u32 s14, $0x1;
	s6 =	smul.u32 $0x140000, s4;
	_ =	strace $0x80000047  }
0xa: {  	[dreg:$0x5] =	wrdreg s7;
	s7 =	sadd.s32 $0x2600, s0;
	s11 =	sshll.u32 s4, $0x7  }
0xb: {  	s28 =	ssub.s32 $0x2, s4;
	s4 =	sor.u32 s4, s13;
	s13 =	smul.u32 $0xA00, s14  }
0xc: {  	s25 =	sor.u32 s11, s10;
	s12 =	sshrl.u32 s28, $0x1;
	s10 =	sshrl.u32 s26, $0x2  }
0xd: {  	s14 =	smul.u32 $0x3800, s4;
	s4 =	simm.s32 $0x60;
	s6 =	sadd.s32 s9, s6  }
0xe: {  	s9 =	sshrl.u32 s25, $0x3;
	s11 =	ssub.s32 s28, s12;
	s20 =	sadd.s32 s10, s2  }
0xf: {  	s6 =	sshrl.u32 s6, $0x3;
	s12 =	sadd.s32 $0x3000, s20;
	[dreg:$0x6] =	wrdreg s20  }
0x10: {  	s9 =	sadd.s32 s9, s0;
	s10 =	sadd.s32 $0x6000, s20;
	[dreg:$0x8] =	wrdreg s12  }
0x11: {  	s15 =	sadd.s32 $0x9000, s20;
	s16 =	sadd.s32 $0xC000, s20;
	[dreg:$0x9] =	wrdreg s10  }
0x12: {  	s17 =	sadd.s32 $0xF000, s20;
	s18 =	sadd.s32 $0x12000, s20;
	[dreg:$0xa] =	wrdreg s15  }
0x13: {  	s19 =	sshrl.u32 s14, $0x3;
	s28 =	smax.u32 s11, $0x1;
	[dreg:$0xb] =	wrdreg s16  }
0x14: {  	s11 =	simm.s32 $0x3300;
	s6 =	sadd.s32 s6, s0;
	[dreg:$0xc] =	wrdreg s17  }
0x15: {  	s0 =	sadd.s32 $0x1E610, s0;
	[dreg:$0xd] =	wrdreg s18;
	s22 =	sadd.s32 s7, s19  }
0x16: {  	s23 =	sadd.s32 s8, s19;
	s26 =	sadd.s32 $0x6F000, s9;
	[dreg:$0x15] =	wrdreg s28  }
0x17: {  	s10 =	simm.s32 $0x4;
	s12 =	simm.s32 $0x1;
	[dreg:$0x7] =	wrdreg s0  }
0x18: {  	s15 =	simm.s32 $0x200;
	s16 =	simm.s32 $0x2;
	[dreg:$0xf] =	wrdreg s22  }
0x19: {  	s17 =	simm.s32 $0x6380;
	s18 =	simm.s32 $0x0;
	[dreg:$0x10] =	wrdreg s23  }
0x1a: {  	s0 =	sshrl.u32 s13, $0x2;
	s25 =	sadd.s32 $0x1F000, s6;
	[dreg:$0x14] =	wrdreg s26  }
.Ltmp0:
0x1b: {  	s26 =	simm.s32 $0x80;
	s22 =	simm.s32 $0x100;
	(pc) =	sbr.rel .LBB2_1-.Ltmp0, $4  }
0x1c: {  	s21 =	sadd.s32 s0, s3;
	s0 =	sor.u32 $0x10, s19;
	[dreg:$0x13] =	wrdreg s25  }
0x1d: {  	s6 =	simm.s32 $0x180;
	s24 =	sadd.s32 s7, s0;
	[dreg:$0xe] =	wrdreg s21  }
0x1e: {  	s13 =	simm.s32 $0x6300;
	s0 =	sadd.s32 s8, s0;
	[dreg:$0x11] =	wrdreg s24  }
0x1f: {  	v0 =	vimm.f32 $0.0e+00;
	s19 =	simm.s32 $0x280;
	[dreg:$0x12] =	wrdreg s0;
	s0 =	simm.s32 $0x300  }
.LBB2_10:
0x20: {  	s9 =	simm.s32 $0x5  }
0x21: {  	_ =	swait.ge [sflag:s9], $0x3000  }
0x22: {  	[sflag:s9] =	ssyncset.done $0x0  }
0x23: {  	[sflag:s9] =	ssyncadd.s32 $0xFFFFD000  }
0x24: {  	_ =	swait.ge [sflag:s9], $0x60  }
0x25: {  	[sflag:s9] =	ssyncset.done $0x0  }
0x26: {  	s24 =	simm.s32 $0x6;
	[sflag:s9] =	ssyncadd.s32 $0xFFFFFFA0  }
0x27: {  	_ =	swait.ge [sflag:s24], $0x3000  }
0x28: {  	[sflag:s24] =	ssyncset.done $0x0  }
0x29: {  	[sflag:s24] =	ssyncadd.s32 $0xFFFFD000  }
0x2a: {  	_ =	swait.ge [sflag:s24], $0x60  }
0x2b: {  	[sflag:s24] =	ssyncset.done $0x0  }
0x2c: {  	[sflag:s24] =	ssyncadd.s32 $0xFFFFFFA0  }
0x2d: {  	s25 =	stileid.u32;
	[bflag:$0x0] =	sbarrier.arrive $0xFFFF  }
0x2e: {  	s9 =	sshll.u32 s25, $0x6;
	s20 =	rddreg [dreg:$0x6]  }
0x2f: {  	s9 =	sor.u32 $0x1C07, s9;
	s21 =	rddreg [dreg:$0x13];
	s18 =	sshrl.u32 s20, $0x3  }
0x30: {  	[hbm:s21], [sflag:s9] =	dma.local [spmem:s18], $0x2800  }
0x31: {  	s23 =	simm.s32 $0x20;
	_ =	swait.ge [sflag:s30], $0x2800  }
0x32: {  	s24 =	simm.s32 $0x10;
	[sflag:s30] =	ssyncset.done $0x0;
	s21 =	rddreg [dreg:$0xe]  }
0x33: {  	s22 =	rddreg [dreg:$0x14];
	[sflag:s30] =	ssyncadd.s32 $0xFFFFD800;
	s28 =	sshrl.u32 s21, $0x3  }
0x34: {  	[hbm:s22@s23], [sflag:s9] =	dma.strided [spmem:s28@s24], $0x50, s12, $0x10   }
0x35: {  	_ =	swait.ge [sflag:s30], $0x50  }
0x36: {  	s25 =	rddreg [dreg:$0x16]  }
0x37: {  	s28 =	rddreg [dreg:$0x15];
	s18 =	sadd.s32 $0x1, s25  }
0x38: {  	p0 =	sne.s32 s18, s28  }
.Ltmp1:
0x39: {  	_ = 	snop;
	(pc) =	sbr.rel @!p0 .LBB2_11-.Ltmp1, $3  }
0x3a: {  	_ =	sdelay $0x1  }
0x3b: {  	[sflag:s30] =	ssyncset.done $0x0  }
0x3c: {  	s22 =	simm.s32 $0x100;
	[sflag:s30] =	ssyncadd.s32 $0xFFFFFFB0  }
.LBB2_1:
0x3d: {  	[dreg:$0x16] =	wrdreg s18  }
0x3e: {  	s9 =	rddreg [dreg:$0x5]  }
0x3f: {  	[tilespmem:s29], [sflag:$0x7] =	stream.strided.gather [hbm4b:s9+s26], $0x2800, s22, s26, $0x38;
	[tilespmem:$0x1F900] =	vst v63  }
0x40: {  	_ =	swait.ge [sflag:s30], $0x2800  }
0x41: {  	[sflag:s30] =	ssyncset.done $0x0  }
0x42: {  	s28 =	rddreg [dreg:$0x7];
	[sflag:s30] =	ssyncadd.s32 $0xFFFFD800  }
0x43: {  	[tilespmem:s31], [sflag:$0x7] =	stream.strided.gather [hbm4b:s28+s26], $0x2800, s22, s26, $0x38;
	[tilespmem:$0x1F900] =	vst v63  }
0x44: {  	_ =	swait.ge [sflag:s30], $0x2800  }
0x45: {  	[sflag:s30] =	ssyncset.done $0x0  }
0x46: {  	[sflag:s30] =	ssyncadd.s32 $0xFFFFD800  }
0x47: {  	[tilespmem:$0xB400] =	vst v0  }
0x48: {  	[tilespmem:$0xB410] =	vst v0  }
0x49: {  	[tilespmem:$0xB420] =	vst v0  }
0x4a: {  	[tilespmem:$0xB430] =	vst v0  }
0x4b: {  	[tilespmem:$0xB440] =	vst v0  }
0x4c: {  	[tilespmem:$0xB450] =	vst v0  }
0x4d: {  	[tilespmem:$0xB460] =	vst v0  }
0x4e: {  	[tilespmem:$0xB470] =	vst v0  }
0x4f: {  	[tilespmem:$0xB480] =	vst v0  }
0x50: {  	[tilespmem:$0xB490] =	vst v0  }
0x51: {  	[tilespmem:$0xB4A0] =	vst v0  }
0x52: {  	[tilespmem:$0xB4B0] =	vst v0  }
0x53: {  	[tilespmem:$0xB4C0] =	vst v0  }
0x54: {  	[tilespmem:$0xB4D0] =	vst v0  }
0x55: {  	[tilespmem:$0xB4E0] =	vst v0  }
0x56: {  	[tilespmem:$0xB4F0] =	vst v0  }
0x57: {  	[tilespmem:$0xB500] =	vst v0  }
0x58: {  	[tilespmem:$0xB510] =	vst v0  }
0x59: {  	[tilespmem:$0xB520] =	vst v0  }
0x5a: {  	[tilespmem:$0xB530] =	vst v0  }
0x5b: {  	[tilespmem:$0xB540] =	vst v0  }
0x5c: {  	[tilespmem:$0xB550] =	vst v0  }
0x5d: {  	[tilespmem:$0xB560] =	vst v0  }
0x5e: {  	[tilespmem:$0xB570] =	vst v0  }
0x5f: {  	[tilespmem:$0xB580] =	vst v0  }
0x60: {  	[tilespmem:$0xB590] =	vst v0  }
0x61: {  	[tilespmem:$0xB5A0] =	vst v0  }
0x62: {  	[tilespmem:$0xB5B0] =	vst v0  }
0x63: {  	[tilespmem:$0xB5C0] =	vst v0  }
0x64: {  	[tilespmem:$0xB5D0] =	vst v0  }
0x65: {  	[tilespmem:$0xB5E0] =	vst v0  }
0x66: {  	[tilespmem:$0xB5F0] =	vst v0  }
0x67: {  	[tilespmem:$0xB600] =	vst v0  }
0x68: {  	[tilespmem:$0xB610] =	vst v0  }
0x69: {  	[tilespmem:$0xB620] =	vst v0  }
0x6a: {  	[tilespmem:$0xB630] =	vst v0  }
0x6b: {  	[tilespmem:$0xB640] =	vst v0  }
0x6c: {  	[tilespmem:$0xB650] =	vst v0  }
0x6d: {  	[tilespmem:$0xB660] =	vst v0  }
0x6e: {  	s9 =	simm.s32 $0x400;
	[tilespmem:$0xB670] =	vst v0  }
0x6f: {  	[tilespmem:s9+$0xFFFFFF00] =	vst v0  }
0x70: {  	[tilespmem:s9+$0xF0] =	vst v0  }
0x71: {  	[tilespmem:s9+$0xE0] =	vst v0  }
0x72: {  	[tilespmem:s9+$0xD0] =	vst v0  }
0x73: {  	[tilespmem:s9+$0xC0] =	vst v0  }
0x74: {  	[tilespmem:s9+$0xB0] =	vst v0  }
0x75: {  	[tilespmem:s9+$0xA0] =	vst v0  }
0x76: {  	[tilespmem:s9+$0x90] =	vst v0  }
0x77: {  	[tilespmem:s9+$0x80] =	vst v0  }
0x78: {  	[tilespmem:s9+$0x70] =	vst v0  }
0x79: {  	[tilespmem:s9+$0x60] =	vst v0  }
0x7a: {  	[tilespmem:s9+$0x50] =	vst v0  }
0x7b: {  	[tilespmem:s9+$0x40] =	vst v0  }
0x7c: {  	[tilespmem:s9+$0x30] =	vst v0  }
0x7d: {  	[tilespmem:s9+$0x20] =	vst v0  }
0x7e: {  	[tilespmem:s9+$0x10] =	vst v0  }
0x7f: {  	[tilespmem:s9+$0x0] =	vst v0  }
0x80: {  	[tilespmem:s9+$0xFFFFFFF0] =	vst v0  }
0x81: {  	[tilespmem:s9+$0xFFFFFFE0] =	vst v0  }
0x82: {  	[tilespmem:s9+$0xFFFFFFD0] =	vst v0  }
0x83: {  	[tilespmem:s9+$0xFFFFFFC0] =	vst v0  }
0x84: {  	[tilespmem:s9+$0xFFFFFFB0] =	vst v0  }
0x85: {  	[tilespmem:s9+$0xFFFFFFA0] =	vst v0  }
0x86: {  	[tilespmem:s9+$0xFFFFFF90] =	vst v0  }
0x87: {  	[tilespmem:s9+$0xFFFFFF80] =	vst v0  }
0x88: {  	[tilespmem:s9+$0xFFFFFF70] =	vst v0  }
0x89: {  	[tilespmem:s9+$0xFFFFFF60] =	vst v0  }
0x8a: {  	[tilespmem:s9+$0xFFFFFF50] =	vst v0  }
0x8b: {  	[tilespmem:s9+$0xFFFFFF40] =	vst v0  }
0x8c: {  	[tilespmem:s9+$0xFFFFFF30] =	vst v0  }
0x8d: {  	s18 =	simm.s32 $0x0;
	[tilespmem:s9+$0xFFFFFF20] =	vst v0  }
.LBB2_2:
0x8e: {  	s18 =	sadd.s32 $0x4, s18;
	[tilespmem:s9+$0xFFFFFF10] =	vst v0;
	s9 =	sadd.s32 $0x200, s9  }
0x8f: {  	[tilespmem:s9+$0xFFFFFF00] =	vst v0;
	p0 =	slt.u32 s18, $0x5C  }
0x90: {  	[tilespmem:s9+$0xF0] =	vst v0  }
0x91: {  	[tilespmem:s9+$0xE0] =	vst v0  }
0x92: {  	[tilespmem:s9+$0xD0] =	vst v0  }
0x93: {  	[tilespmem:s9+$0xC0] =	vst v0  }
0x94: {  	[tilespmem:s9+$0xB0] =	vst v0  }
0x95: {  	[tilespmem:s9+$0xA0] =	vst v0  }
0x96: {  	[tilespmem:s9+$0x90] =	vst v0  }
0x97: {  	[tilespmem:s9+$0x80] =	vst v0  }
0x98: {  	[tilespmem:s9+$0x70] =	vst v0  }
0x99: {  	[tilespmem:s9+$0x60] =	vst v0  }
0x9a: {  	[tilespmem:s9+$0x50] =	vst v0  }
0x9b: {  	[tilespmem:s9+$0x40] =	vst v0  }
0x9c: {  	[tilespmem:s9+$0x30] =	vst v0  }
0x9d: {  	[tilespmem:s9+$0x20] =	vst v0  }
0x9e: {  	[tilespmem:s9+$0x10] =	vst v0  }
0x9f: {  	[tilespmem:s9+$0x0] =	vst v0  }
0xa0: {  	[tilespmem:s9+$0xFFFFFFF0] =	vst v0  }
0xa1: {  	[tilespmem:s9+$0xFFFFFFE0] =	vst v0  }
0xa2: {  	[tilespmem:s9+$0xFFFFFFD0] =	vst v0  }
0xa3: {  	[tilespmem:s9+$0xFFFFFFC0] =	vst v0  }
0xa4: {  	[tilespmem:s9+$0xFFFFFFB0] =	vst v0  }
0xa5: {  	[tilespmem:s9+$0xFFFFFFA0] =	vst v0  }
0xa6: {  	[tilespmem:s9+$0xFFFFFF90] =	vst v0  }
0xa7: {  	[tilespmem:s9+$0xFFFFFF80] =	vst v0  }
0xa8: {  	[tilespmem:s9+$0xFFFFFF70] =	vst v0  }
.Ltmp2:
0xa9: {  	[tilespmem:s9+$0xFFFFFF60] =	vst v0;
	(pc) =	sbr.rel @p0 .LBB2_2-.Ltmp2, $4  }
0xaa: {  	[tilespmem:s9+$0xFFFFFF50] =	vst v0  }
0xab: {  	[tilespmem:s9+$0xFFFFFF40] =	vst v0  }
0xac: {  	[tilespmem:s9+$0xFFFFFF30] =	vst v0  }
0xad: {  	[tilespmem:s9+$0xFFFFFF20] =	vst v0  }
0xae: {  	[tilespmem:s9+$0xFFFFFF10] =	vst v0  }
0xaf: {  	[spmem:s20] =	stream.linear.scatter [tilespmem:s0], [sflag:$0x7], $0x3000, $0x38;
	[tilespmem:$0x1F900] =	vst v63  }
0xb0: {  	_ =	swait.ge [sflag:s30], $0x3000  }
0xb1: {  	[sflag:s30] =	ssyncset.done $0x0  }
0xb2: {  	s20 =	rddreg [dreg:$0x8];
	[sflag:s30] =	ssyncadd.s32 $0xFFFFD000  }
0xb3: {  	[spmem:s20] =	stream.linear.scatter [tilespmem:s0], [sflag:$0x7], $0x3000, $0x38;
	[tilespmem:$0x1F900] =	vst v63  }
0xb4: {  	_ =	swait.ge [sflag:s30], $0x3000  }
0xb5: {  	[sflag:s30] =	ssyncset.done $0x0  }
0xb6: {  	s23 =	rddreg [dreg:$0x9];
	[sflag:s30] =	ssyncadd.s32 $0xFFFFD000  }
0xb7: {  	[spmem:s23] =	stream.linear.scatter [tilespmem:s0], [sflag:$0x7], $0x3000, $0x38;
	[tilespmem:$0x1F900] =	vst v63  }
0xb8: {  	_ =	swait.ge [sflag:s30], $0x3000  }
0xb9: {  	[sflag:s30] =	ssyncset.done $0x0  }
0xba: {  	s24 =	rddreg [dreg:$0xa];
	[sflag:s30] =	ssyncadd.s32 $0xFFFFD000  }
0xbb: {  	[spmem:s24] =	stream.linear.scatter [tilespmem:s0], [sflag:$0x7], $0x3000, $0x38;
	[tilespmem:$0x1F900] =	vst v63  }
0xbc: {  	_ =	swait.ge [sflag:s30], $0x3000  }
0xbd: {  	[sflag:s30] =	ssyncset.done $0x0  }
0xbe: {  	s25 =	rddreg [dreg:$0xb];
	[sflag:s30] =	ssyncadd.s32 $0xFFFFD000  }
0xbf: {  	[spmem:s25] =	stream.linear.scatter [tilespmem:s0], [sflag:$0x7], $0x3000, $0x38;
	[tilespmem:$0x1F900] =	vst v63  }
0xc0: {  	_ =	swait.ge [sflag:s30], $0x3000  }
0xc1: {  	[sflag:s30] =	ssyncset.done $0x0  }
0xc2: {  	s28 =	rddreg [dreg:$0xc];
	[sflag:s30] =	ssyncadd.s32 $0xFFFFD000  }
0xc3: {  	[spmem:s28] =	stream.linear.scatter [tilespmem:s0], [sflag:$0x7], $0x3000, $0x38;
	[tilespmem:$0x1F900] =	vst v63  }
0xc4: {  	_ =	swait.ge [sflag:s30], $0x3000  }
0xc5: {  	[sflag:s30] =	ssyncset.done $0x0  }
0xc6: {  	s18 =	rddreg [dreg:$0xd];
	[sflag:s30] =	ssyncadd.s32 $0xFFFFD000  }
0xc7: {  	[spmem:s18] =	stream.linear.scatter [tilespmem:s0], [sflag:$0x7], $0x2000, $0x38;
	[tilespmem:$0x1F900] =	vst v63  }
0xc8: {  	_ =	swait.ge [sflag:s30], $0x2000  }
0xc9: {  	[sflag:s30] =	ssyncset.done $0x0  }
0xca: {  	s20 =	simm.s32 $0xB400;
	[sflag:s30] =	ssyncadd.s32 $0xFFFFE000  }
0xcb: {  	[spmem:s21] =	stream.linear.scatter [tilespmem:s20], [sflag:$0x7], $0x280, $0x38;
	[tilespmem:$0x1F900] =	vst v63  }
0xcc: {  	_ =	swait.ge [sflag:s30], $0x280  }
0xcd: {  	[sflag:s30] =	ssyncset.done $0x0  }
0xce: {  	[sflag:s30] =	ssyncadd.s32 $0xFFFFFD80  }
0xcf: {  	[bflag:$0x0] =	sbarrier.arrive $0xFFFF  }
0xd0: {  	s23 =	simm.s32 $0x0;
	s21 =	rddreg [dreg:$0xf]  }
0xd1: {  	[tilespmem:s23], [sflag:$0x7] =	stream.linear.gather [hbm4b:s21+s23], $0x80, $0x38;
	[tilespmem:$0x1F900] =	vst v63  }
0xd2: {  	_ =	swait.ge [sflag:s30], $0x80  }
0xd3: {  	[sflag:s30] =	ssyncset.done $0x0  }
0xd4: {  	s24 =	rddreg [dreg:$0x10];
	[sflag:s30] =	ssyncadd.s32 $0xFFFFFF80  }
0xd5: {  	[tilespmem:s22], [sflag:$0x7] =	stream.linear.gather [hbm4b:s24+s23], $0x80, $0x38;
	[tilespmem:$0x1F900] =	vst v63  }
0xd6: {  	_ =	swait.ge [sflag:s30], $0x80  }
0xd7: {  	[sflag:s30] =	ssyncset.done $0x0  }
0xd8: {  	[sflag:s30] =	ssyncadd.s32 $0xFFFFFF80  }
0xd9: {  	[tilespmem:s0], [sflag:$0x1] =	stream.indirect.gather [hbm4b:s1+s4], $0x80, s23, s4, $0xb8;
	[tilespmem:$0x1F900] =	vst v63  }
0xda: {  	s25 =	rddreg [dreg:$0x11]  }
0xdb: {  	[tilespmem:s26], [sflag:$0x4] =	stream.linear.gather [hbm4b:s25+s23], $0x80, $0x38;
	[tilespmem:$0x1F900] =	vst v63  }
0xdc: {  	s24 =	simm.s32 $0x0;
	s28 =	rddreg [dreg:$0x12]  }
0xdd: {  	[tilespmem:s6], [sflag:$0x4] =	stream.linear.gather [hbm4b:s28+s23], $0x80, $0x38;
	[tilespmem:$0x1F900] =	vst v63  }
.LBB2_4:
0xde: {  	p0 =	seq.s32 s24, $0x0  }
0xdf: {  	s9 =	simm.s32 @!p0 $0x6  }
0xe0: {  	_ =	swait.ge @!p0 [sflag:s9], $0x3000  }
0xe1: {  	[sflag:s9] =	ssyncset.done @!p0 $0x0  }
0xe2: {  	[sflag:s9] =	ssyncadd.s32 @!p0 $0xFFFFD000  }
0xe3: {  	_ =	swait.ge @!p0 [sflag:s9], $0x60  }
0xe4: {  	[sflag:s9] =	ssyncset.done @!p0 $0x0  }
0xe5: {  	[sflag:s9] =	ssyncadd.s32 @!p0 $0xFFFFFFA0  }
0xe6: {  	_ =	swait.ge [sflag:s10], $0x80  }
0xe7: {  	[sflag:s10] =	ssyncset.done $0x0  }
0xe8: {  	[sflag:s10] =	ssyncadd.s32 $0xFFFFFF80  }
0xe9: {  	_ =	swait.ge [sflag:s10], $0x80  }
0xea: {  	[sflag:s10] =	ssyncset.done $0x0  }
0xeb: {  	[sflag:s10] =	ssyncadd.s32 $0xFFFFFF80  }
0xec: {  	[tilespmem:s11], [sflag:$0x2] =	stream.indirect.gather [hbm4b:s1+s4], $0x80, s26, s4, $0xb8;
	[tilespmem:$0x1F900] =	vst v63  }
0xed: {  	_ =	swait.ge [sflag:s12], $0x3000  }
0xee: {  	[sflag:s12] =	ssyncset.done $0x0  }
0xef: {  	[sflag:s12] =	ssyncadd.s32 $0xFFFFD000  }
0xf0: {  	v1 =	vld [tilespmem:$0x0]  }
0xf1: {  	v2 =	vld [tilespmem:$0x100];
	_ =	sdelay $0x6  }
0xf2: {  	v1 =	vld.idx.msk [tilespmem:v1+s29+$0x0], $0xffff  }
0xf3: {  	v2 =	vld.idx.msk [tilespmem:v2+s31+$0x0], $0xffff;
	_ =	sdelay $0x4  }
0xf4: {  	v1 =	vadd.f32 v2, v1;
	_ =	sdelay $0x1  }
0xf5: {  	v2 =	vmul.f32 $2.000000030e-01, v1  }
0xf6: {  	vm0 =	vge.f32 v1, $0.0e+00  }
0xf7: {  	v1 =	vsel vm0, v1, v2  }
0xf8: {  	v1 =	vmul.f32 $1.442695020e+00, v1;
	_ =	sdelay $0x1  }
0xf9: {  	(erf) = vpow2.f32 v1;
	_ =	sdelay $0x2  }
0xfa: {  	v1 =	vld [tilespmem:$0x10]  }
0xfb: {  	v2 =	vld [tilespmem:$0x110];
	_ =	sdelay $0x4  }
0xfc: {  	v3 =	vpop (erf)  }
0xfd: {  	[tilespmem:$0x6300] =	vst v3  }
0xfe: {  	v1 =	vld.idx.msk [tilespmem:v1+s29+$0x0], $0xffff  }
0xff: {  	v2 =	vld.idx.msk [tilespmem:v2+s31+$0x0], $0xffff;
	_ =	sdelay $0x4  }
0x100: {  	v1 =	vadd.f32 v2, v1;
	_ =	sdelay $0x1  }
0x101: {  	v2 =	vmul.f32 $2.000000030e-01, v1  }
0x102: {  	vm11 =	vge.f32 v1, $0.0e+00  }
0x103: {  	v1 =	vsel vm11, v1, v2  }
0x104: {  	v1 =	vmul.f32 $1.442695020e+00, v1;
	_ =	sdelay $0x1  }
0x105: {  	(erf) = vpow2.f32 v1;
	_ =	sdelay $0x2  }
0x106: {  	v1 =	vld [tilespmem:$0x20]  }
0x107: {  	v2 =	vld [tilespmem:$0x120];
	_ =	sdelay $0x4  }
0x108: {  	v3 =	vpop (erf)  }
0x109: {  	[tilespmem:$0x6310] =	vst v3  }
0x10a: {  	v1 =	vld.idx.msk [tilespmem:v1+s29+$0x0], $0xffff  }
0x10b: {  	v2 =	vld.idx.msk [tilespmem:v2+s31+$0x0], $0xffff;
	_ =	sdelay $0x4  }
0x10c: {  	v1 =	vadd.f32 v2, v1;
	_ =	sdelay $0x1  }
0x10d: {  	v2 =	vmul.f32 $2.000000030e-01, v1  }
0x10e: {  	vm12 =	vge.f32 v1, $0.0e+00  }
0x10f: {  	v1 =	vsel vm12, v1, v2  }
0x110: {  	v1 =	vmul.f32 $1.442695020e+00, v1;
	_ =	sdelay $0x1  }
0x111: {  	(erf) = vpow2.f32 v1;
	_ =	sdelay $0x2  }
0x112: {  	v1 =	vld [tilespmem:$0x30]  }
0x113: {  	v2 =	vld [tilespmem:$0x130];
	_ =	sdelay $0x4  }
0x114: {  	v3 =	vpop (erf)  }
0x115: {  	[tilespmem:$0x6320] =	vst v3  }
0x116: {  	v1 =	vld.idx.msk [tilespmem:v1+s29+$0x0], $0xffff  }
0x117: {  	v2 =	vld.idx.msk [tilespmem:v2+s31+$0x0], $0xffff;
	_ =	sdelay $0x4  }
0x118: {  	v1 =	vadd.f32 v2, v1;
	_ =	sdelay $0x1  }
0x119: {  	v2 =	vmul.f32 $2.000000030e-01, v1  }
0x11a: {  	vm13 =	vge.f32 v1, $0.0e+00  }
0x11b: {  	v1 =	vsel vm13, v1, v2  }
0x11c: {  	v1 =	vmul.f32 $1.442695020e+00, v1;
	_ =	sdelay $0x1  }
0x11d: {  	(erf) = vpow2.f32 v1;
	_ =	sdelay $0x2  }
0x11e: {  	v1 =	vld [tilespmem:$0x40]  }
0x11f: {  	v2 =	vld [tilespmem:$0x140];
	_ =	sdelay $0x4  }
0x120: {  	v3 =	vpop (erf)  }
0x121: {  	[tilespmem:$0x6330] =	vst v3  }
0x122: {  	v1 =	vld.idx.msk [tilespmem:v1+s29+$0x0], $0xffff  }
0x123: {  	v2 =	vld.idx.msk [tilespmem:v2+s31+$0x0], $0xffff;
	_ =	sdelay $0x4  }
0x124: {  	v1 =	vadd.f32 v2, v1;
	_ =	sdelay $0x1  }
0x125: {  	v2 =	vmul.f32 $2.000000030e-01, v1  }
0x126: {  	vm14 =	vge.f32 v1, $0.0e+00  }
0x127: {  	v1 =	vsel vm14, v1, v2  }
0x128: {  	v1 =	vmul.f32 $1.442695020e+00, v1;
	_ =	sdelay $0x1  }
0x129: {  	(erf) = vpow2.f32 v1;
	_ =	sdelay $0x2  }
0x12a: {  	v1 =	vld [tilespmem:$0x50]  }
0x12b: {  	v2 =	vld [tilespmem:$0x150];
	_ =	sdelay $0x4  }
0x12c: {  	v3 =	vpop (erf)  }
0x12d: {  	[tilespmem:$0x6340] =	vst v3  }
0x12e: {  	v1 =	vld.idx.msk [tilespmem:v1+s29+$0x0], $0xffff  }
0x12f: {  	v2 =	vld.idx.msk [tilespmem:v2+s31+$0x0], $0xffff;
	_ =	sdelay $0x4  }
0x130: {  	v1 =	vadd.f32 v2, v1;
	_ =	sdelay $0x1  }
0x131: {  	v2 =	vmul.f32 $2.000000030e-01, v1  }
0x132: {  	vm15 =	vge.f32 v1, $0.0e+00  }
0x133: {  	v1 =	vsel vm15, v1, v2  }
0x134: {  	v1 =	vmul.f32 $1.442695020e+00, v1;
	_ =	sdelay $0x1  }
0x135: {  	(erf) = vpow2.f32 v1;
	_ =	sdelay $0x3  }
0x136: {  	v1 =	vmov s23  }
0x137: {  	v1 =	vand.u32 $0xFFFFFFFC, v1  }
0x138: {  	v1 =	vbroadcast v1, $0x0;
	_ =	sdelay $0x2  }
0x139: {  	v2 =	vpop (erf)  }
0x13a: {  	s28 =	simm.s32 $0x400;
	[tilespmem:$0x6350] =	vst v2  }
0x13b: {  	v2 =	vld [tilespmem:s28+$0xFFFFFF70]  }
0x13c: {  	v1 =	vld.idx.msk [tilespmem:v1+s13+$0x0], $0xffff  }
0x13d: {  	v3 =	vld [tilespmem:s28+$0xFFFFFF00]  }
0x13e: {  	v4 =	vld [tilespmem:s28+$0xFFFFFF20]  }
0x13f: {  	v5 =	vld [tilespmem:s28+$0xFFFFFF50]  }
0x140: {  	v6 =	vld [tilespmem:s28+$0xFFFFFF40]  }
0x141: {  	v7 =	vld [tilespmem:s28+$0xFFFFFF60];
	v2 =	vmul.f32 v2, v1  }
0x142: {  	s22 =	simm.s32 $0x1;
	v8 =	vld [tilespmem:s28+$0xFFFFFF30];
	v3 =	vmul.f32 v3, v1  }
0x143: {  	v9 =	vld [tilespmem:s28+$0xFFFFFF10];
	v4 =	vmul.f32 v4, v1;
	[tilespmem:s28+$0xFFFFFF70] =	vst v2;
	v2 =	vmov s22  }
0x144: {  	v5 =	vmul.f32 v5, v1;
	[tilespmem:s28+$0xFFFFFF00] =	vst v3;
	v2 =	vand.u32 $0xFFFFFFFD, v2  }
0x145: {  	v3 =	vmul.f32 v6, v1;
	[tilespmem:s28+$0xFFFFFF20] =	vst v4;
	v2 =	vbroadcast v2, $0x0  }
0x146: {  	v4 =	vmul.f32 v7, v1;
	[tilespmem:s28+$0xFFFFFF50] =	vst v5  }
0x147: {  	v5 =	vmul.f32 v8, v1;
	[tilespmem:s28+$0xFFFFFF40] =	vst v3  }
0x148: {  	v1 =	vmul.f32 v9, v1;
	[tilespmem:s28+$0xFFFFFF60] =	vst v4  }
0x149: {  	[tilespmem:s28+$0xFFFFFF30] =	vst v5  }
0x14a: {  	[tilespmem:s28+$0xFFFFFF10] =	vst v1;
	v1 =	vld [tilespmem:s28+$0xFFFFFF90]  }
0x14b: {  	v3 =	vld.idx.msk [tilespmem:v2+s13+$0x0], $0xffff  }
0x14c: {  	v2 =	vld [tilespmem:s28+$0xFFFFFFA0]  }
0x14d: {  	v4 =	vld [tilespmem:s28+$0xFFFFFF80]  }
0x14e: {  	v5 =	vld [tilespmem:s28+$0xFFFFFFB0]  }
0x14f: {  	v6 =	vld [tilespmem:s28+$0xFFFFFFC0]  }
0x150: {  	v7 =	vld [tilespmem:s28+$0xFFFFFFD0];
	v1 =	vmul.f32 v1, v3  }
0x151: {  	s25 =	simm.s32 $0x2;
	v8 =	vld [tilespmem:s28+$0xFFFFFFF0];
	v2 =	vmul.f32 v2, v3  }
0x152: {  	v63 =	vld [tilespmem:s28+$0xFFFFFFE0];
	v4 =	vmul.f32 v4, v3;
	[tilespmem:s28+$0xFFFFFF90] =	vst v1;
	v1 =	vmov s25  }
0x153: {  	v5 =	vmul.f32 v5, v3;
	[tilespmem:s28+$0xFFFFFFA0] =	vst v2;
	v1 =	vand.u32 $0xFFFFFFFE, v1  }
0x154: {  	v2 =	vmul.f32 v6, v3;
	[tilespmem:s28+$0xFFFFFF80] =	vst v4;
	v6 =	vld [tilespmem:s28+$0x60];
	v10 =	vbroadcast v1, $0x0  }
0x155: {  	v4 =	vmul.f32 v7, v3;
	[tilespmem:s28+$0xFFFFFFB0] =	vst v5;
	v7 =	vld [tilespmem:s28+$0x0]  }
0x156: {  	v5 =	vmul.f32 v8, v3;
	v1 =	vld [tilespmem:s28+$0x20];
	[tilespmem:s28+$0xFFFFFFC0] =	vst v2  }
0x157: {  	v3 =	vmul.f32 v63, v3;
	v2 =	vld [tilespmem:s28+$0x30];
	[tilespmem:s28+$0xFFFFFFD0] =	vst v4  }
0x158: {  	[tilespmem:s28+$0xFFFFFFF0] =	vst v5;
	v4 =	vld [tilespmem:s28+$0x40]  }
0x159: {  	s20 =	simm.s32 $0x400;
	[tilespmem:s28+$0xFFFFFFE0] =	vst v3;
	v5 =	vld [tilespmem:s28+$0x10]  }
0x15a: {  	s18 =	simm.s32 $0x0;
	s9 =	simm.s32 $0x4;
	s25 =	sshll.u32 s24, $0x8;
	v3 =	vld.idx.msk [tilespmem:v10+s13+$0x0], $0xffff  }
.LBB2_5:
0x15b: {  	p0 =	slt.u32 s9, $0x5C  }
0x15c: {  	v8 =	vld [tilespmem:s28+$0x50];
	s20 =	sadd.s32 $0x200, s20;
	s21 =	smov.u32 s9;
	s9 =	sadd.s32 $0x4, s9  }
0x15d: {  	v9 =	vld [tilespmem:s28+$0x70];
	_ =	sdelay $0x1  }
0x15e: {  	v6 =	vmul.f32 v6, v3;
	v7 =	vmul.f32 v7, v3  }
0x15f: {  	v4 =	vmul.f32 v4, v3;
	v5 =	vmul.f32 v5, v3  }
0x160: {  	v1 =	vmul.f32 v1, v3;
	v2 =	vmul.f32 v2, v3;
	[tilespmem:s28+$0x60] =	vst v6  }
0x161: {  	[tilespmem:s28+$0x40] =	vst v4;
	v4 =	vmul.f32 v8, v3;
	v3 =	vmul.f32 v9, v3  }
0x162: {  	s22 =	sadd.s32 $0x3, s18;
	s18 =	smov.u32 s21;
	[tilespmem:s28+$0x20] =	vst v1;
	v6 =	vld [tilespmem:s28+$0x80]  }
0x163: {  	v1 =	vld [tilespmem:s20+$0x20];
	[tilespmem:s28+$0x0] =	vst v7;
	v7 =	vmov s22  }
0x164: {  	[tilespmem:s28+$0x50] =	vst v4;
	v4 =	vld [tilespmem:s28+$0xE0]  }
0x165: {  	[tilespmem:s28+$0x30] =	vst v2;
	v8 =	vld [tilespmem:s28+$0xC0]  }
0x166: {  	v2 =	vld [tilespmem:s20+$0x30];
	[tilespmem:s28+$0x10] =	vst v5  }
0x167: {  	[tilespmem:s28+$0x70] =	vst v3;
	v3 =	vld [tilespmem:s28+$0xA0]  }
0x168: {  	v5 =	vld.idx.msk [tilespmem:v7+s13+$0x0], $0xffff  }
0x169: {  	v7 =	vld [tilespmem:s28+$0x90]  }
0x16a: {  	v9 =	vld [tilespmem:s28+$0xB0]  }
0x16b: {  	v10 =	vld [tilespmem:s28+$0xD0]  }
0x16c: {  	v11 =	vld [tilespmem:s28+$0xF0];
	_ =	sdelay $0x1  }
0x16d: {  	v6 =	vmul.f32 v6, v5;
	v7 =	vmul.f32 v7, v5  }
0x16e: {  	v3 =	vmul.f32 v3, v5;
	v9 =	vmul.f32 v9, v5  }
0x16f: {  	v12 =	vmov s18;
	[tilespmem:s28+$0x80] =	vst v6;
	v6 =	vmul.f32 v8, v5;
	v8 =	vmul.f32 v10, v5  }
0x170: {  	v10 =	vand.u32 $0xFFFFFFFC, v12;
	[tilespmem:s28+$0xA0] =	vst v3;
	v3 =	vmul.f32 v4, v5;
	v4 =	vmul.f32 v11, v5  }
0x171: {  	v5 =	vbroadcast v10, $0x0;
	[tilespmem:s28+$0xC0] =	vst v6  }
0x172: {  	[tilespmem:s28+$0xF0] =	vst v4  }
0x173: {  	v4 =	vld [tilespmem:s20+$0xFFFFFF40];
	[tilespmem:s28+$0xE0] =	vst v3  }
0x174: {  	v3 =	vld [tilespmem:s20+$0xFFFFFF50];
	[tilespmem:s28+$0x90] =	vst v7  }
0x175: {  	v6 =	vld [tilespmem:s20+$0xFFFFFF60];
	[tilespmem:s28+$0xB0] =	vst v9  }
0x176: {  	v7 =	vld [tilespmem:s20+$0xFFFFFF70];
	[tilespmem:s28+$0xD0] =	vst v8;
	s28 =	smov.u32 s20  }
0x177: {  	v5 =	vld.idx.msk [tilespmem:v5+s13+$0x0], $0xffff  }
0x178: {  	v8 =	vld [tilespmem:s20+$0xFFFFFF00]  }
0x179: {  	v9 =	vld [tilespmem:s20+$0xFFFFFF20]  }
0x17a: {  	v10 =	vld [tilespmem:s20+$0xFFFFFF10]  }
0x17b: {  	v11 =	vld [tilespmem:s20+$0xFFFFFF30];
	_ =	sdelay $0x1  }
0x17c: {  	v7 =	vmul.f32 v7, v5;
	v8 =	vmul.f32 v8, v5  }
0x17d: {  	s21 =	sadd.s32 $0x1, s18;
	v6 =	vmul.f32 v6, v5;
	v9 =	vmul.f32 v9, v5  }
0x17e: {  	v3 =	vmul.f32 v3, v5;
	v10 =	vmul.f32 v10, v5;
	[tilespmem:s20+$0xFFFFFF70] =	vst v7;
	v7 =	vmov s21  }
0x17f: {  	v4 =	vmul.f32 v4, v5;
	[tilespmem:s20+$0xFFFFFF00] =	vst v8;
	v8 =	vmul.f32 v11, v5;
	v5 =	vand.u32 $0xFFFFFFFD, v7  }
0x180: {  	[tilespmem:s20+$0xFFFFFF20] =	vst v9;
	v5 =	vbroadcast v5, $0x0  }
0x181: {  	[tilespmem:s20+$0xFFFFFF50] =	vst v3  }
0x182: {  	[tilespmem:s20+$0xFFFFFF40] =	vst v4;
	v3 =	vld [tilespmem:s20+$0xFFFFFFF0]  }
0x183: {  	[tilespmem:s20+$0xFFFFFF60] =	vst v6;
	v4 =	vld [tilespmem:s20+$0xFFFFFFC0]  }
0x184: {  	[tilespmem:s20+$0xFFFFFF30] =	vst v8;
	v6 =	vld [tilespmem:s20+$0xFFFFFFD0]  }
0x185: {  	[tilespmem:s20+$0xFFFFFF10] =	vst v10;
	v7 =	vld [tilespmem:s20+$0xFFFFFF90]  }
0x186: {  	v5 =	vld.idx.msk [tilespmem:v5+s13+$0x0], $0xffff  }
0x187: {  	v8 =	vld [tilespmem:s20+$0xFFFFFF80]  }
0x188: {  	v9 =	vld [tilespmem:s20+$0xFFFFFFA0]  }
0x189: {  	v10 =	vld [tilespmem:s20+$0xFFFFFFB0]  }
0x18a: {  	v11 =	vld [tilespmem:s20+$0xFFFFFFE0];
	_ =	sdelay $0x1  }
0x18b: {  	v7 =	vmul.f32 v7, v5;
	v8 =	vmul.f32 v8, v5  }
0x18c: {  	s21 =	sadd.s32 $0x2, s18;
	v6 =	vmul.f32 v6, v5;
	v9 =	vmul.f32 v9, v5  }
0x18d: {  	v4 =	vmul.f32 v4, v5;
	[tilespmem:s20+$0xFFFFFF90] =	vst v7;
	v7 =	vmul.f32 v10, v5;
	v10 =	vmov s21  }
0x18e: {  	v3 =	vmul.f32 v3, v5;
	[tilespmem:s20+$0xFFFFFFA0] =	vst v9;
	v9 =	vmul.f32 v11, v5;
	v5 =	vand.u32 $0xFFFFFFFE, v10  }
0x18f: {  	[tilespmem:s20+$0xFFFFFF80] =	vst v8;
	v5 =	vbroadcast v5, $0x0  }
0x190: {  	[tilespmem:s20+$0xFFFFFFB0] =	vst v7  }
0x191: {  	[tilespmem:s20+$0xFFFFFFC0] =	vst v4  }
0x192: {  	[tilespmem:s20+$0xFFFFFFD0] =	vst v6  }
.Ltmp3:
0x193: {  	[tilespmem:s20+$0xFFFFFFF0] =	vst v3;
	v4 =	vld [tilespmem:s20+$0x40];
	(pc) =	sbr.rel @p0 .LBB2_5-.Ltmp3, $4  }
0x194: {  	[tilespmem:s20+$0xFFFFFFE0] =	vst v9;
	v6 =	vld [tilespmem:s20+$0x60]  }
0x195: {  	v3 =	vld.idx.msk [tilespmem:v5+s13+$0x0], $0xffff  }
0x196: {  	v7 =	vld [tilespmem:s20+$0x0]  }
0x197: {  	v5 =	vld [tilespmem:s20+$0x10]  }
0x198: {  	_ =	sdelay $0x1  }
0x199: {  	v6 =	vmul.f32 v6, v3  }
0x19a: {  	v8 =	vld [tilespmem:s28+$0x50];
	v4 =	vmul.f32 v4, v3  }
0x19b: {  	v9 =	vld [tilespmem:s28+$0x70];
	v1 =	vmul.f32 v1, v3;
	[tilespmem:s28+$0x60] =	vst v6  }
0x19c: {  	v6 =	vmul.f32 v7, v3;
	[tilespmem:s28+$0x40] =	vst v4  }
0x19d: {  	s9 =	sadd.s32 $0x3, s18;
	[tilespmem:s28+$0x20] =	vst v1;
	v1 =	vmul.f32 v2, v3  }
0x19e: {  	v5 =	vmul.f32 v5, v3;
	[tilespmem:s28+$0x0] =	vst v6;
	v6 =	vmov s9  }
0x19f: {  	v4 =	vmul.f32 v8, v3;
	[tilespmem:s28+$0x30] =	vst v1  }
0x1a0: {  	v3 =	vmul.f32 v9, v3;
	[tilespmem:s28+$0x10] =	vst v5  }
0x1a1: {  	[tilespmem:s28+$0x50] =	vst v4  }
0x1a2: {  	v2 =	vld [tilespmem:s28+$0x80];
	[tilespmem:s28+$0x70] =	vst v3  }
0x1a3: {  	v1 =	vld.idx.msk [tilespmem:v6+s13+$0x0], $0xffff  }
0x1a4: {  	v3 =	vld [tilespmem:s28+$0xA0]  }
0x1a5: {  	v4 =	vld [tilespmem:s28+$0xC0]  }
0x1a6: {  	v5 =	vld [tilespmem:s28+$0xF0]  }
0x1a7: {  	v6 =	vld [tilespmem:s28+$0xE0]  }
0x1a8: {  	v7 =	vld [tilespmem:s28+$0x90];
	v2 =	vmul.f32 v2, v1  }
0x1a9: {  	v8 =	vld [tilespmem:s28+$0xB0];
	v3 =	vmul.f32 v3, v1  }
0x1aa: {  	v61 =	vld [tilespmem:s28+$0xD0];
	[tilespmem:s28+$0x80] =	vst v2;
	v2 =	vmul.f32 v4, v1  }
0x1ab: {  	[tilespmem:s28+$0xA0] =	vst v3;
	v3 =	vmul.f32 v5, v1  }
0x1ac: {  	v4 =	vmul.f32 v6, v1;
	[tilespmem:s28+$0xC0] =	vst v2  }
0x1ad: {  	v2 =	vmul.f32 v7, v1;
	[tilespmem:s28+$0xF0] =	vst v3  }
0x1ae: {  	v3 =	vmul.f32 v8, v1;
	[tilespmem:s28+$0xE0] =	vst v4  }
0x1af: {  	v1 =	vmul.f32 v61, v1;
	[tilespmem:s28+$0x90] =	vst v2  }
0x1b0: {  	[tilespmem:s28+$0xB0] =	vst v3  }
0x1b1: {  	[tilespmem:s28+$0xD0] =	vst v1  }
0x1b2: {  	v1 =	vld [tilespmem:$0x100]  }
0x1b3: {  	v2 =	vld [tilespmem:$0x110]  }
0x1b4: {  	v3 =	vld [tilespmem:$0x120]  }
0x1b5: {  	v4 =	vld [tilespmem:$0x130]  }
0x1b6: {  	v5 =	vld [tilespmem:$0x140]  }
0x1b7: {  	[tilespmem:$0x200] =	vst v1;
	v1 =	vld [tilespmem:$0x150]  }
0x1b8: {  	p0 =	seq.s32 s24, $0x35;
	[tilespmem:$0x210] =	vst v2  }
0x1b9: {  	s9 =	sadd.s32 @!p0 $0x100, s25;
	[tilespmem:$0x220] =	vst v3  }
0x1ba: {  	s18 =	sand.u32 @!p0 $0x7C00, s9;
	[tilespmem:$0x230] =	vst v4  }
0x1bb: {  	s9 =	sand.u32 @!p0 $0x300, s9;
	s18 =	sadd.s32 @!p0 s14, s18;
	[tilespmem:$0x240] =	vst v5  }
0x1bc: {  	s9 =	sor.u32 @!p0 s9, s18;
	[tilespmem:$0x250] =	vst v1  }
0x1bd: {  	[spmem:s2] =	stream.indirect.scatter.add.f32 [tilespmem:s0], [sflag:$0x5], $0x80, s15, s4, $0xb8;
	[tilespmem:$0x1F900] =	vst v63  }
0x1be: {  	s9 =	sshrl.u32 @!p0 s9, $0x3  }
0x1bf: {  	[spmem:s3] =	stream.indirect.scatter.add.f32 [tilespmem:s13], [sflag:$0x5], $0x1, s15, s4, $0xb8;
	[tilespmem:$0x1F900] =	vst v63  }
0x1c0: {  	s20 =	simm.s32 @!p0 $0x0;
	s18 =	sadd.s32 @!p0 s7, s9  }
0x1c1: {  	[tilespmem:s20], [sflag:$0x3] =	stream.linear.gather @!p0 [hbm4b:s18+s20], $0x80, $0x38;
	[tilespmem:$0x1F900] =	vst v63  }
0x1c2: {  	s9 =	sadd.s32 @!p0 s8, s9;
	s18 =	simm.s32 @!p0 $0x100  }
0x1c3: {  	[tilespmem:s18], [sflag:$0x3] =	stream.linear.gather @!p0 [hbm4b:s9+s20], $0x80, $0x38;
	[tilespmem:$0x1F900] =	vst v63  }
0x1c4: {  	s9 =	simm.s32 @!p0 $0x5  }
0x1c5: {  	_ =	swait.ge @!p0 [sflag:s9], $0x3000  }
0x1c6: {  	[sflag:s9] =	ssyncset.done @!p0 $0x0  }
0x1c7: {  	[sflag:s9] =	ssyncadd.s32 @!p0 $0xFFFFD000  }
0x1c8: {  	_ =	swait.ge @!p0 [sflag:s9], $0x60  }
0x1c9: {  	[sflag:s9] =	ssyncset.done @!p0 $0x0  }
0x1ca: {  	[sflag:s9] =	ssyncadd.s32 @!p0 $0xFFFFFFA0;
	s9 =	simm.s32 @!p0 $0x3  }
0x1cb: {  	_ =	swait.ge @!p0 [sflag:s9], $0x80  }
0x1cc: {  	[sflag:s9] =	ssyncset.done @!p0 $0x0  }
0x1cd: {  	[sflag:s9] =	ssyncadd.s32 @!p0 $0xFFFFFF80  }
0x1ce: {  	_ =	swait.ge @!p0 [sflag:s9], $0x80  }
0x1cf: {  	[sflag:s9] =	ssyncset.done @!p0 $0x0  }
0x1d0: {  	s18 =	simm.s32 @!p0 $0x300;
	[sflag:s9] =	ssyncadd.s32 @!p0 $0xFFFFFF80;
	s9 =	simm.s32 @!p0 $0x60  }
0x1d1: {  	[tilespmem:s18], [sflag:$0x1] =	stream.indirect.gather @!p0 [hbm4b:s1+s9], $0x80, s20, s9, $0xb8;
	[tilespmem:$0x1F900] =	vst v63  }
0x1d2: {  	_ =	swait.ge [sflag:s16], $0x3000  }
0x1d3: {  	[sflag:s16] =	ssyncset.done $0x0  }
0x1d4: {  	[sflag:s16] =	ssyncadd.s32 $0xFFFFD000  }
0x1d5: {  	v1 =	vld [tilespmem:$0x80]  }
0x1d6: {  	v2 =	vld [tilespmem:$0x180];
	_ =	sdelay $0x6  }
0x1d7: {  	v1 =	vld.idx.msk [tilespmem:v1+s29+$0x0], $0xffff  }
0x1d8: {  	v2 =	vld.idx.msk [tilespmem:v2+s31+$0x0], $0xffff;
	_ =	sdelay $0x4  }
0x1d9: {  	v1 =	vadd.f32 v2, v1;
	_ =	sdelay $0x1  }
0x1da: {  	v2 =	vmul.f32 $2.000000030e-01, v1  }
0x1db: {  	vm0 =	vge.f32 v1, $0.0e+00  }
0x1dc: {  	v1 =	vsel vm0, v1, v2  }
0x1dd: {  	v1 =	vmul.f32 $1.442695020e+00, v1;
	_ =	sdelay $0x1  }
0x1de: {  	(erf) = vpow2.f32 v1;
	_ =	sdelay $0x2  }
0x1df: {  	v1 =	vld [tilespmem:$0x90]  }
0x1e0: {  	v2 =	vld [tilespmem:$0x190];
	_ =	sdelay $0x4  }
0x1e1: {  	v3 =	vpop (erf)  }
0x1e2: {  	[tilespmem:$0x6380] =	vst v3  }
0x1e3: {  	v1 =	vld.idx.msk [tilespmem:v1+s29+$0x0], $0xffff  }
0x1e4: {  	v2 =	vld.idx.msk [tilespmem:v2+s31+$0x0], $0xffff;
	_ =	sdelay $0x4  }
0x1e5: {  	v1 =	vadd.f32 v2, v1;
	_ =	sdelay $0x1  }
0x1e6: {  	v2 =	vmul.f32 $2.000000030e-01, v1  }
0x1e7: {  	vm11 =	vge.f32 v1, $0.0e+00  }
0x1e8: {  	v1 =	vsel vm11, v1, v2  }
0x1e9: {  	v1 =	vmul.f32 $1.442695020e+00, v1;
	_ =	sdelay $0x1  }
0x1ea: {  	(erf) = vpow2.f32 v1;
	_ =	sdelay $0x2  }
0x1eb: {  	v1 =	vld [tilespmem:$0xA0]  }
0x1ec: {  	v2 =	vld [tilespmem:$0x1A0];
	_ =	sdelay $0x4  }
0x1ed: {  	v3 =	vpop (erf)  }
0x1ee: {  	[tilespmem:$0x6390] =	vst v3  }
0x1ef: {  	v1 =	vld.idx.msk [tilespmem:v1+s29+$0x0], $0xffff  }
0x1f0: {  	v2 =	vld.idx.msk [tilespmem:v2+s31+$0x0], $0xffff;
	_ =	sdelay $0x4  }
0x1f1: {  	v1 =	vadd.f32 v2, v1;
	_ =	sdelay $0x1  }
0x1f2: {  	v2 =	vmul.f32 $2.000000030e-01, v1  }
0x1f3: {  	vm12 =	vge.f32 v1, $0.0e+00  }
0x1f4: {  	v1 =	vsel vm12, v1, v2  }
0x1f5: {  	v1 =	vmul.f32 $1.442695020e+00, v1;
	_ =	sdelay $0x1  }
0x1f6: {  	(erf) = vpow2.f32 v1;
	_ =	sdelay $0x2  }
0x1f7: {  	v1 =	vld [tilespmem:$0xB0]  }
0x1f8: {  	v2 =	vld [tilespmem:$0x1B0];
	_ =	sdelay $0x4  }
0x1f9: {  	v3 =	vpop (erf)  }
0x1fa: {  	[tilespmem:$0x63A0] =	vst v3  }
0x1fb: {  	v1 =	vld.idx.msk [tilespmem:v1+s29+$0x0], $0xffff  }
0x1fc: {  	v2 =	vld.idx.msk [tilespmem:v2+s31+$0x0], $0xffff;
	_ =	sdelay $0x4  }
0x1fd: {  	v1 =	vadd.f32 v2, v1;
	_ =	sdelay $0x1  }
0x1fe: {  	v2 =	vmul.f32 $2.000000030e-01, v1  }
0x1ff: {  	vm13 =	vge.f32 v1, $0.0e+00  }
0x200: {  	v1 =	vsel vm13, v1, v2  }
0x201: {  	v1 =	vmul.f32 $1.442695020e+00, v1;
	_ =	sdelay $0x1  }
0x202: {  	(erf) = vpow2.f32 v1;
	_ =	sdelay $0x2  }
0x203: {  	v1 =	vld [tilespmem:$0xC0]  }
0x204: {  	v2 =	vld [tilespmem:$0x1C0];
	_ =	sdelay $0x4  }
0x205: {  	v3 =	vpop (erf)  }
0x206: {  	[tilespmem:$0x63B0] =	vst v3  }
0x207: {  	v1 =	vld.idx.msk [tilespmem:v1+s29+$0x0], $0xffff  }
0x208: {  	v2 =	vld.idx.msk [tilespmem:v2+s31+$0x0], $0xffff;
	_ =	sdelay $0x4  }
0x209: {  	v1 =	vadd.f32 v2, v1;
	_ =	sdelay $0x1  }
0x20a: {  	v2 =	vmul.f32 $2.000000030e-01, v1  }
0x20b: {  	vm14 =	vge.f32 v1, $0.0e+00  }
0x20c: {  	v1 =	vsel vm14, v1, v2  }
0x20d: {  	v1 =	vmul.f32 $1.442695020e+00, v1;
	_ =	sdelay $0x1  }
0x20e: {  	(erf) = vpow2.f32 v1;
	_ =	sdelay $0x2  }
0x20f: {  	v1 =	vld [tilespmem:$0xD0]  }
0x210: {  	v2 =	vld [tilespmem:$0x1D0];
	_ =	sdelay $0x4  }
0x211: {  	v3 =	vpop (erf)  }
0x212: {  	[tilespmem:$0x63C0] =	vst v3  }
0x213: {  	v1 =	vld.idx.msk [tilespmem:v1+s29+$0x0], $0xffff  }
0x214: {  	v2 =	vld.idx.msk [tilespmem:v2+s31+$0x0], $0xffff;
	_ =	sdelay $0x4  }
0x215: {  	v1 =	vadd.f32 v2, v1;
	_ =	sdelay $0x1  }
0x216: {  	v2 =	vmul.f32 $2.000000030e-01, v1  }
0x217: {  	vm15 =	vge.f32 v1, $0.0e+00  }
0x218: {  	v1 =	vsel vm15, v1, v2  }
0x219: {  	v1 =	vmul.f32 $1.442695020e+00, v1;
	_ =	sdelay $0x1  }
0x21a: {  	(erf) = vpow2.f32 v1;
	_ =	sdelay $0x2  }
0x21b: {  	s18 =	simm.s32 $0x0  }
0x21c: {  	v1 =	vmov s18  }
0x21d: {  	v1 =	vand.u32 $0xFFFFFFFC, v1  }
0x21e: {  	v1 =	vbroadcast v1, $0x0;
	_ =	sdelay $0x2  }
0x21f: {  	v2 =	vpop (erf)  }
0x220: {  	s28 =	simm.s32 $0x3400;
	[tilespmem:$0x63D0] =	vst v2  }
0x221: {  	v2 =	vld [tilespmem:s28+$0xFFFFFF70]  }
0x222: {  	v1 =	vld.idx.msk [tilespmem:v1+s17+$0x0], $0xffff  }
0x223: {  	v3 =	vld [tilespmem:s28+$0xFFFFFF00]  }
0x224: {  	v4 =	vld [tilespmem:s28+$0xFFFFFF20]  }
0x225: {  	v5 =	vld [tilespmem:s28+$0xFFFFFF50]  }
0x226: {  	v6 =	vld [tilespmem:s28+$0xFFFFFF40]  }
0x227: {  	v7 =	vld [tilespmem:s28+$0xFFFFFF60];
	v2 =	vmul.f32 v2, v1  }
0x228: {  	s21 =	simm.s32 $0x1;
	v8 =	vld [tilespmem:s28+$0xFFFFFF30];
	v3 =	vmul.f32 v3, v1  }
0x229: {  	v62 =	vld [tilespmem:s28+$0xFFFFFF10];
	v4 =	vmul.f32 v4, v1;
	[tilespmem:s28+$0xFFFFFF70] =	vst v2;
	v2 =	vmov s21  }
0x22a: {  	v5 =	vmul.f32 v5, v1;
	[tilespmem:s28+$0xFFFFFF00] =	vst v3;
	v2 =	vand.u32 $0xFFFFFFFD, v2  }
0x22b: {  	v3 =	vmul.f32 v6, v1;
	[tilespmem:s28+$0xFFFFFF20] =	vst v4;
	v2 =	vbroadcast v2, $0x0  }
0x22c: {  	v4 =	vmul.f32 v7, v1;
	[tilespmem:s28+$0xFFFFFF50] =	vst v5  }
0x22d: {  	v5 =	vmul.f32 v8, v1;
	[tilespmem:s28+$0xFFFFFF40] =	vst v3  }
0x22e: {  	v1 =	vmul.f32 v62, v1;
	[tilespmem:s28+$0xFFFFFF60] =	vst v4  }
0x22f: {  	[tilespmem:s28+$0xFFFFFF30] =	vst v5  }
0x230: {  	[tilespmem:s28+$0xFFFFFF10] =	vst v1;
	v1 =	vld [tilespmem:s28+$0xFFFFFF90]  }
0x231: {  	v3 =	vld.idx.msk [tilespmem:v2+s17+$0x0], $0xffff  }
0x232: {  	v2 =	vld [tilespmem:s28+$0xFFFFFFA0]  }
0x233: {  	v4 =	vld [tilespmem:s28+$0xFFFFFF80]  }
0x234: {  	v5 =	vld [tilespmem:s28+$0xFFFFFFB0]  }
0x235: {  	v6 =	vld [tilespmem:s28+$0xFFFFFFC0]  }
0x236: {  	v7 =	vld [tilespmem:s28+$0xFFFFFFD0];
	v1 =	vmul.f32 v1, v3  }
0x237: {  	s22 =	simm.s32 $0x2;
	v8 =	vld [tilespmem:s28+$0xFFFFFFF0];
	v2 =	vmul.f32 v2, v3  }
0x238: {  	v63 =	vld [tilespmem:s28+$0xFFFFFFE0];
	v4 =	vmul.f32 v4, v3;
	[tilespmem:s28+$0xFFFFFF90] =	vst v1;
	v1 =	vmov s22  }
0x239: {  	v5 =	vmul.f32 v5, v3;
	[tilespmem:s28+$0xFFFFFFA0] =	vst v2;
	v1 =	vand.u32 $0xFFFFFFFE, v1  }
0x23a: {  	v2 =	vmul.f32 v6, v3;
	[tilespmem:s28+$0xFFFFFF80] =	vst v4;
	v6 =	vld [tilespmem:s28+$0x60];
	v10 =	vbroadcast v1, $0x0  }
0x23b: {  	v4 =	vmul.f32 v7, v3;
	[tilespmem:s28+$0xFFFFFFB0] =	vst v5;
	v7 =	vld [tilespmem:s28+$0x0]  }
0x23c: {  	v5 =	vmul.f32 v8, v3;
	v1 =	vld [tilespmem:s28+$0x20];
	[tilespmem:s28+$0xFFFFFFC0] =	vst v2  }
0x23d: {  	v3 =	vmul.f32 v63, v3;
	v2 =	vld [tilespmem:s28+$0x30];
	[tilespmem:s28+$0xFFFFFFD0] =	vst v4  }
0x23e: {  	[tilespmem:s28+$0xFFFFFFF0] =	vst v5;
	v4 =	vld [tilespmem:s28+$0x40]  }
0x23f: {  	[tilespmem:s28+$0xFFFFFFE0] =	vst v3;
	v5 =	vld [tilespmem:s28+$0x10]  }
0x240: {  	s9 =	simm.s32 $0x4;
	s20 =	simm.s32 $0x3400;
	v3 =	vld.idx.msk [tilespmem:v10+s17+$0x0], $0xffff  }
.LBB2_7:
0x241: {  	p1 =	slt.u32 s9, $0x5C  }
0x242: {  	v8 =	vld [tilespmem:s28+$0x50];
	s20 =	sadd.s32 $0x200, s20;
	s21 =	smov.u32 s9;
	s9 =	sadd.s32 $0x4, s9  }
0x243: {  	v9 =	vld [tilespmem:s28+$0x70];
	_ =	sdelay $0x1  }
0x244: {  	v6 =	vmul.f32 v6, v3;
	v7 =	vmul.f32 v7, v3  }
0x245: {  	v4 =	vmul.f32 v4, v3;
	v5 =	vmul.f32 v5, v3  }
0x246: {  	v1 =	vmul.f32 v1, v3;
	v2 =	vmul.f32 v2, v3;
	[tilespmem:s28+$0x60] =	vst v6  }
0x247: {  	[tilespmem:s28+$0x40] =	vst v4;
	v4 =	vmul.f32 v8, v3;
	v3 =	vmul.f32 v9, v3  }
0x248: {  	s22 =	sadd.s32 $0x3, s18;
	s18 =	smov.u32 s21;
	[tilespmem:s28+$0x20] =	vst v1;
	v6 =	vld [tilespmem:s28+$0x80]  }
0x249: {  	v1 =	vld [tilespmem:s20+$0x20];
	[tilespmem:s28+$0x0] =	vst v7;
	v7 =	vmov s22  }
0x24a: {  	[tilespmem:s28+$0x50] =	vst v4;
	v4 =	vld [tilespmem:s28+$0xE0]  }
0x24b: {  	[tilespmem:s28+$0x30] =	vst v2;
	v8 =	vld [tilespmem:s28+$0xC0]  }
0x24c: {  	v2 =	vld [tilespmem:s20+$0x30];
	[tilespmem:s28+$0x10] =	vst v5  }
0x24d: {  	[tilespmem:s28+$0x70] =	vst v3;
	v3 =	vld [tilespmem:s28+$0xA0]  }
0x24e: {  	v5 =	vld.idx.msk [tilespmem:v7+s17+$0x0], $0xffff  }
0x24f: {  	v7 =	vld [tilespmem:s28+$0x90]  }
0x250: {  	v9 =	vld [tilespmem:s28+$0xB0]  }
0x251: {  	v10 =	vld [tilespmem:s28+$0xD0]  }
0x252: {  	v11 =	vld [tilespmem:s28+$0xF0];
	_ =	sdelay $0x1  }
0x253: {  	v6 =	vmul.f32 v6, v5;
	v7 =	vmul.f32 v7, v5  }
0x254: {  	v3 =	vmul.f32 v3, v5;
	v9 =	vmul.f32 v9, v5  }
0x255: {  	v12 =	vmov s18;
	[tilespmem:s28+$0x80] =	vst v6;
	v6 =	vmul.f32 v8, v5;
	v8 =	vmul.f32 v10, v5  }
0x256: {  	v10 =	vand.u32 $0xFFFFFFFC, v12;
	[tilespmem:s28+$0xA0] =	vst v3;
	v3 =	vmul.f32 v4, v5;
	v4 =	vmul.f32 v11, v5  }
0x257: {  	v5 =	vbroadcast v10, $0x0;
	[tilespmem:s28+$0xC0] =	vst v6  }
0x258: {  	[tilespmem:s28+$0xF0] =	vst v4  }
0x259: {  	v4 =	vld [tilespmem:s20+$0xFFFFFF40];
	[tilespmem:s28+$0xE0] =	vst v3  }
0x25a: {  	v3 =	vld [tilespmem:s20+$0xFFFFFF50];
	[tilespmem:s28+$0x90] =	vst v7  }
0x25b: {  	v6 =	vld [tilespmem:s20+$0xFFFFFF60];
	[tilespmem:s28+$0xB0] =	vst v9  }
0x25c: {  	v7 =	vld [tilespmem:s20+$0xFFFFFF70];
	[tilespmem:s28+$0xD0] =	vst v8;
	s28 =	smov.u32 s20  }
0x25d: {  	v5 =	vld.idx.msk [tilespmem:v5+s17+$0x0], $0xffff  }
0x25e: {  	v8 =	vld [tilespmem:s20+$0xFFFFFF00]  }
0x25f: {  	v9 =	vld [tilespmem:s20+$0xFFFFFF20]  }
0x260: {  	v10 =	vld [tilespmem:s20+$0xFFFFFF10]  }
0x261: {  	v11 =	vld [tilespmem:s20+$0xFFFFFF30];
	_ =	sdelay $0x1  }
0x262: {  	v7 =	vmul.f32 v7, v5;
	v8 =	vmul.f32 v8, v5  }
0x263: {  	s21 =	sadd.s32 $0x1, s18;
	v6 =	vmul.f32 v6, v5;
	v9 =	vmul.f32 v9, v5  }
0x264: {  	v3 =	vmul.f32 v3, v5;
	v10 =	vmul.f32 v10, v5;
	[tilespmem:s20+$0xFFFFFF70] =	vst v7;
	v7 =	vmov s21  }
0x265: {  	v4 =	vmul.f32 v4, v5;
	[tilespmem:s20+$0xFFFFFF00] =	vst v8;
	v8 =	vmul.f32 v11, v5;
	v5 =	vand.u32 $0xFFFFFFFD, v7  }
0x266: {  	[tilespmem:s20+$0xFFFFFF20] =	vst v9;
	v5 =	vbroadcast v5, $0x0  }
0x267: {  	[tilespmem:s20+$0xFFFFFF50] =	vst v3  }
0x268: {  	[tilespmem:s20+$0xFFFFFF40] =	vst v4;
	v3 =	vld [tilespmem:s20+$0xFFFFFFF0]  }
0x269: {  	[tilespmem:s20+$0xFFFFFF60] =	vst v6;
	v4 =	vld [tilespmem:s20+$0xFFFFFFC0]  }
0x26a: {  	[tilespmem:s20+$0xFFFFFF30] =	vst v8;
	v6 =	vld [tilespmem:s20+$0xFFFFFFD0]  }
0x26b: {  	[tilespmem:s20+$0xFFFFFF10] =	vst v10;
	v7 =	vld [tilespmem:s20+$0xFFFFFF90]  }
0x26c: {  	v5 =	vld.idx.msk [tilespmem:v5+s17+$0x0], $0xffff  }
0x26d: {  	v8 =	vld [tilespmem:s20+$0xFFFFFF80]  }
0x26e: {  	v9 =	vld [tilespmem:s20+$0xFFFFFFA0]  }
0x26f: {  	v10 =	vld [tilespmem:s20+$0xFFFFFFB0]  }
0x270: {  	v11 =	vld [tilespmem:s20+$0xFFFFFFE0];
	_ =	sdelay $0x1  }
0x271: {  	v7 =	vmul.f32 v7, v5;
	v8 =	vmul.f32 v8, v5  }
0x272: {  	s21 =	sadd.s32 $0x2, s18;
	v6 =	vmul.f32 v6, v5;
	v9 =	vmul.f32 v9, v5  }
0x273: {  	v4 =	vmul.f32 v4, v5;
	[tilespmem:s20+$0xFFFFFF90] =	vst v7;
	v7 =	vmul.f32 v10, v5;
	v10 =	vmov s21  }
0x274: {  	v3 =	vmul.f32 v3, v5;
	[tilespmem:s20+$0xFFFFFFA0] =	vst v9;
	v9 =	vmul.f32 v11, v5;
	v5 =	vand.u32 $0xFFFFFFFE, v10  }
0x275: {  	[tilespmem:s20+$0xFFFFFF80] =	vst v8;
	v5 =	vbroadcast v5, $0x0  }
0x276: {  	[tilespmem:s20+$0xFFFFFFB0] =	vst v7  }
0x277: {  	[tilespmem:s20+$0xFFFFFFC0] =	vst v4  }
0x278: {  	[tilespmem:s20+$0xFFFFFFD0] =	vst v6  }
.Ltmp4:
0x279: {  	[tilespmem:s20+$0xFFFFFFF0] =	vst v3;
	v4 =	vld [tilespmem:s20+$0x40];
	(pc) =	sbr.rel @p1 .LBB2_7-.Ltmp4, $4  }
0x27a: {  	[tilespmem:s20+$0xFFFFFFE0] =	vst v9;
	v6 =	vld [tilespmem:s20+$0x60]  }
0x27b: {  	v3 =	vld.idx.msk [tilespmem:v5+s17+$0x0], $0xffff  }
0x27c: {  	v7 =	vld [tilespmem:s20+$0x0]  }
0x27d: {  	v5 =	vld [tilespmem:s20+$0x10]  }
0x27e: {  	_ =	sdelay $0x1  }
0x27f: {  	v6 =	vmul.f32 v6, v3  }
0x280: {  	v8 =	vld [tilespmem:s28+$0x50];
	v4 =	vmul.f32 v4, v3  }
0x281: {  	v9 =	vld [tilespmem:s28+$0x70];
	v1 =	vmul.f32 v1, v3;
	[tilespmem:s28+$0x60] =	vst v6  }
0x282: {  	v53 =	vmul.f32 v7, v3;
	[tilespmem:s28+$0x40] =	vst v4  }
0x283: {  	s9 =	sadd.s32 $0x3, s18;
	[tilespmem:s28+$0x20] =	vst v1;
	v1 =	vmul.f32 v2, v3  }
0x284: {  	v55 =	vmov s9;
	v5 =	vmul.f32 v5, v3;
	[tilespmem:s28+$0x0] =	vst v53  }
0x285: {  	v54 =	vmul.f32 v8, v3;
	[tilespmem:s28+$0x30] =	vst v1  }
0x286: {  	v3 =	vmul.f32 v9, v3;
	[tilespmem:s28+$0x10] =	vst v5  }
0x287: {  	[tilespmem:s28+$0x50] =	vst v54  }
0x288: {  	v2 =	vld [tilespmem:s28+$0x80];
	[tilespmem:s28+$0x70] =	vst v3  }
0x289: {  	v1 =	vld.idx.msk [tilespmem:v55+s17+$0x0], $0xffff  }
0x28a: {  	v3 =	vld [tilespmem:s28+$0xA0]  }
0x28b: {  	v58 =	vld [tilespmem:s28+$0xE0]  }
0x28c: {  	v56 =	vld [tilespmem:s28+$0xC0]  }
0x28d: {  	v57 =	vld [tilespmem:s28+$0xF0]  }
0x28e: {  	v59 =	vld [tilespmem:s28+$0x90];
	v2 =	vmul.f32 v2, v1  }
0x28f: {  	v60 =	vld [tilespmem:s28+$0xB0];
	v3 =	vmul.f32 v3, v1  }
0x290: {  	v61 =	vld [tilespmem:s28+$0xD0];
	v62 =	vmul.f32 v58, v1;
	[tilespmem:s28+$0x80] =	vst v2  }
0x291: {  	v2 =	vmul.f32 v56, v1;
	[tilespmem:s28+$0xA0] =	vst v3  }
0x292: {  	v3 =	vmul.f32 v57, v1;
	[tilespmem:s28+$0xE0] =	vst v62  }
0x293: {  	[tilespmem:s28+$0xC0] =	vst v2;
	v2 =	vmul.f32 v59, v1  }
0x294: {  	[tilespmem:s28+$0xF0] =	vst v3;
	v3 =	vmul.f32 v60, v1  }
0x295: {  	v1 =	vmul.f32 v61, v1;
	[tilespmem:s28+$0x90] =	vst v2  }
0x296: {  	[tilespmem:s28+$0xB0] =	vst v3  }
0x297: {  	[tilespmem:s28+$0xD0] =	vst v1  }
0x298: {  	v1 =	vld [tilespmem:$0x180]  }
0x299: {  	v2 =	vld [tilespmem:$0x190]  }
0x29a: {  	v3 =	vld [tilespmem:$0x1A0]  }
0x29b: {  	v4 =	vld [tilespmem:$0x1B0]  }
0x29c: {  	v63 =	vld [tilespmem:$0x1C0]  }
0x29d: {  	[tilespmem:$0x280] =	vst v1;
	v1 =	vld [tilespmem:$0x1D0]  }
0x29e: {  	[tilespmem:$0x290] =	vst v2  }
0x29f: {  	[tilespmem:$0x2A0] =	vst v3  }
0x2a0: {  	[tilespmem:$0x2B0] =	vst v4  }
.Ltmp5:
0x2a1: {  	[tilespmem:$0x2C0] =	vst v63;
	(pc) =	sbr.rel @p0 .LBB2_10-.Ltmp5, $4  }
0x2a2: {  	[tilespmem:$0x2D0] =	vst v1  }
0x2a3: {  	[spmem:s2] =	stream.indirect.scatter.add.f32 [tilespmem:s11], [sflag:$0x6], $0x80, s19, s4, $0xb8;
	[tilespmem:$0x1F900] =	vst v63  }
0x2a4: {  	_ = 	snop  }
0x2a5: {  	[spmem:s3] =	stream.indirect.scatter.add.f32 [tilespmem:s17], [sflag:$0x6], $0x1, s19, s4, $0xb8;
	[tilespmem:$0x1F900] =	vst v63  }
0x2a6: {  	s9 =	sadd.s32 $0x180, s25  }
0x2a7: {  	s18 =	sand.u32 $0x7C00, s9  }
0x2a8: {  	s9 =	sand.u32 $0x380, s9;
	s18 =	sadd.s32 s14, s18  }
0x2a9: {  	s9 =	sor.u32 s9, s18  }
.Ltmp6:
0x2aa: {  	s9 =	sshrl.u32 s9, $0x3;
	(pc) =	sbr.rel .LBB2_4-.Ltmp6, $4  }
0x2ab: {  	s28 =	sadd.s32 s7, s9  }
0x2ac: {  	[tilespmem:s26], [sflag:$0x4] =	stream.linear.gather [hbm4b:s28+s5], $0x80, $0x38;
	[tilespmem:$0x1F900] =	vst v63  }
0x2ad: {  	s24 =	sadd.s32 $0x1, s24;
	s9 =	sadd.s32 s8, s9  }
0x2ae: {  	[tilespmem:s6], [sflag:$0x4] =	stream.linear.gather [hbm4b:s9+s5], $0x80, $0x38;
	[tilespmem:$0x1F900] =	vst v63  }
.LBB2_11:
0x2af: {  	_ =	sfence.sel $0x180000  }
0x2b0: {  	[bflag:$0x0] =	sbarrier.arrive $0xFFFF  }
0x2b1: {  	_ =	strace $0x90000047  }
0x2b2: {  	s0 =	stileid.u32;
	[bflag:$0x2] =	sbarrier.arrive $0xFFFF  }
0x2b3: {  	p0 =	sne.s32 s0, $0x0;
	s0 =	rddreg [dreg:$0x4]  }
0x2b4: {  	s0 =	sadd.s32 @!p0 $0x100000, s0  }
0x2b5: {  	[sflag:s0] =	ssyncadd.tile.s32 @!p0 $0x1;
	_ =	shalt  }
.Lfunc_end2:
_tile_overlayer_lowered:
.L_overlay_start_2:
0x2b6: {  	(tag) =	ssettag $0x2  }
0x2b7: {  	s0 =	rddreg [dreg:$0x0];
	s2 =	stileid.u32  }
0x2b8: {  	s1 =	rddreg [dreg:$0x1];
	p0 =	sne.s32 s2, $0x0  }
0x2b9: {  	s3 =	rddreg [dreg:$0x2];
	[bflag:$0x3] =	sbarrier.arrive $0xFFFF;
	s2 =	simm.s32 @!p0 $0x1C07  }
0x2ba: {  	[timem:s3], [sflag:s2] =	dma.local @!p0 [hbm:s0], s1  }
0x2bb: {  	s0 =	simm.s32 @!p0 $0x7  }
0x2bc: {  	_ =	swait.ge @!p0 [sflag:s0], s1  }
0x2bd: {  	s1 =	ssub.s32 @!p0 $0x0, s1;
	[sflag:s0] =	ssyncset.done @!p0 $0x0  }
0x2be: {  	[sflag:s0] =	ssyncadd.s32 @!p0 s1  }
0x2bf: {  	[bflag:$0x3] =	sbarrier.arrive $0xFFFF  }
0x2c0: {  	_ =	shalt  }

</sc_bundles>
